<compile_context>
chip_gen: v7x
topology: tpu7x:2x2x1
jax: 0.10.2.dev20260603
libtpu: 0.0.44.dev20260713+nightly
codegen_flags: <defaults>
</compile_context>

<pallas_src>
import functools

import jax
import jax.numpy as jnp
from jax import lax
from jax.experimental import pallas as pl
from jax.experimental.pallas import tpu as pltpu
from jax.experimental.pallas import tpu_sc as plsc

N_ROWS = 16384
NC = 1000
VAL = 1001.0
NUM_WORKERS = 32
COLS_PER_WORKER = N_ROWS // NUM_WORKERS
CHUNK_J = 40
N_CHUNKS = NC // CHUNK_J


def _fill_ones(buf):
    ones16 = jnp.full((16,), 1.0, jnp.float32)

    def row_body(r, _):
        def col_body(c, _):
            buf[r, pl.ds(c * 16, 16)] = ones16
            return 0

        lax.fori_loop(0, COLS_PER_WORKER // 16, col_body, 0)
        return 0

    lax.fori_loop(0, CHUNK_J, row_body, 0)


def _poke(buf, lab, chunk, value):
    iota = lax.iota(jnp.int32, 16)
    vals = jnp.full((16,), value, jnp.float32)
    j0 = chunk * CHUNK_J

    def body(v, _):
        labv = lab[pl.ds(v * 16, 16)]
        mask = (labv >= j0) & (labv < j0 + CHUNK_J)
        plsc.store_scatter(buf, [labv - j0, iota + v * 16], vals, mask=mask)
        return 0

    lax.fori_loop(0, COLS_PER_WORKER // 16, body, 0)


@functools.partial(
    pl.kernel,
    out_type=jax.ShapeDtypeStruct((NC, N_ROWS), jnp.float32),
    mesh=plsc.VectorSubcoreMesh(core_axis_name="c", subcore_axis_name="s"),
    compiler_params=pltpu.CompilerParams(needs_layout_passes=False),
    scratch_types=[
        pltpu.VMEM((CHUNK_J, COLS_PER_WORKER), jnp.float32),
        pltpu.VMEM((CHUNK_J, COLS_PER_WORKER), jnp.float32),
        pltpu.VMEM((COLS_PER_WORKER,), jnp.int32),
        pltpu.SemaphoreType.DMA,
        pltpu.SemaphoreType.DMA,
    ],
)
def _sc_smooth_onehot_t(labels_hbm, out_hbm, buf0, buf1, lab, sem0, sem1):
    wid = lax.axis_index("s") * 2 + lax.axis_index("c")
    col0 = pl.multiple_of(wid * COLS_PER_WORKER, 128)

    pltpu.sync_copy(labels_hbm.at[pl.ds(col0, COLS_PER_WORKER)], lab)

    bufs = (buf0, buf1)
    sems = (sem0, sem1)
    copies = [None, None]

    for k in range(N_CHUNKS):
        b = k % 2
        if k < 2:
            _fill_ones(bufs[b])
        else:
            copies[b].wait()
            _poke(bufs[b], lab, k - 2, 1.0)
        _poke(bufs[b], lab, k, VAL)
        dst = out_hbm.at[pl.ds(pl.multiple_of(k * CHUNK_J, 8), CHUNK_J),
                         pl.ds(col0, COLS_PER_WORKER)]
        copies[b] = pltpu.async_copy(bufs[b], dst, sems[b])

    copies[0].wait()
    copies[1].wait()


def kernel(labels):
    return _sc_smooth_onehot_t(labels.astype(jnp.int32)).T

# --- scband reference (transcript-rebuilt; emitter-appended) ---
"""Pipeline reference for scband-smooth-one-hot-encoding-67207648248519 (READ-ONLY COPY).

The authoritative reference and input builder live on the scoring server;
editing this copy changes nothing except your own understanding.
"""

import jax, jax.numpy as jnp
import numpy as np

NUM_CLASSES = 1000
PRECISION = 2000

def setup_inputs(seed: int = 0) -> dict:
    key = jax.random.key(seed)
    labels = jax.random.randint(key, (16384,), 0, NUM_CLASSES, dtype=jnp.int64 if jax.config.jax_enable_x64 else jnp.int32)
    return {"labels": labels}

def reference(labels):
    if PRECISION <= NUM_CLASSES:
        raise ValueError('The precision value must be larger than the number of classes')
    # F.one_hot equivalent: scatter-overwrite of ones into a zeros matrix
    onehot = jnp.zeros((labels.shape[0], NUM_CLASSES), dtype=jnp.int32).at[jnp.arange(labels.shape[0]), labels].set(1)
    out = (onehot * (PRECISION - NUM_CLASSES) + 1).astype(jnp.float32)
    return out

if __name__ == "__main__":
    import jax
    _d = setup_inputs()
    print(jax.jit(kernel)(*tuple(_d.values())))

</pallas_src>

<mosaic_0001>
#map = affine_map<(d0, d1) -> (0)>
#map1 = affine_map<(d0, d1) -> (0, 0)>
module attributes {stable_mosaic.version = 14 : i64} {
  func.func @_sc_smooth_onehot_t(%arg0: i32, %arg1: i32, %arg2: memref<16384xi32, #tpu.memory_space<hbm>>, %arg3: memref<1000x16384xf32, #tpu.memory_space<hbm>>, %arg4: memref<40x512xf32, #tpu.memory_space<vmem>>, %arg5: memref<40x512xf32, #tpu.memory_space<vmem>>, %arg6: memref<512xi32, #tpu.memory_space<vmem>>, %arg7: memref<!tpu.dma_semaphore, #tpu.memory_space<semaphore_mem>>, %arg8: memref<!tpu.dma_semaphore, #tpu.memory_space<semaphore_mem>>) attributes {dimension_semantics = [#tpu.dimension_semantics<core_parallel>, #tpu.dimension_semantics<subcore_parallel>], iteration_bounds = array<i64: 2, 16>, scalar_prefetch = 0 : i64, scratch_operands = 5 : i64, tpu.core_type = #tpu.core_type<sc_vector_subcore>, window_params = [{transform_indices = #map}, {transform_indices = #map1}]} {
    %mul3A = arith.constant 2 : i32
    %mul3A_0 = arith.muli %arg1, %mul3A : i32
    %add3A = arith.addi %mul3A_0, %arg0 : i32
    %mul3A_1 = arith.constant 512 : i32
    %mul3A_2 = arith.muli %add3A, %mul3A_1 : i32
    %multiple_of3A = tpu.assume_multiple %mul3A_2, 128 : i32
    "tpu.region"() ({
      %run_scoped3A = tpu.sem_alloc : memref<!tpu.dma_semaphore, #tpu.memory_space<semaphore_mem>>
      %dma_start3A_646 = tpu.memref_slice %arg2[%multiple_of3A] : memref<16384xi32, #tpu.memory_space<hbm>> -> memref<512xi32, #tpu.memory_space<hbm>>
      %dma_start3A_647 = tpu.memref_slice %arg2[%multiple_of3A] : memref<16384xi32, #tpu.memory_space<hbm>> -> memref<512xi32, #tpu.memory_space<hbm>>
      tpu.enqueue_dma source(%dma_start3A_647 : memref<512xi32, #tpu.memory_space<hbm>>) target(%arg6 : memref<512xi32, #tpu.memory_space<vmem>>) target_semaphore(%run_scoped3A : memref<!tpu.dma_semaphore, #tpu.memory_space<semaphore_mem>>)
      %dma_wait3A_648 = tpu.memref_slice %arg2[%multiple_of3A] : memref<16384xi32, #tpu.memory_space<hbm>> -> memref<512xi32, #tpu.memory_space<hbm>>
      %dma_wait3A_649 = tpu.memref_slice %arg2[%multiple_of3A] : memref<16384xi32, #tpu.memory_space<hbm>> -> memref<512xi32, #tpu.memory_space<hbm>>
      tpu.wait_dma2 semaphore(%run_scoped3A : memref<!tpu.dma_semaphore, #tpu.memory_space<semaphore_mem>>) src(%dma_wait3A_649 : memref<512xi32, #tpu.memory_space<hbm>>) dst(%arg6 : memref<512xi32, #tpu.memory_space<vmem>>)
      tpu.yield
    }) : () -> ()
    %broadcast_in_dim3A = arith.constant 1.000000e+00 : f32
    %broadcast_in_dim3A_3 = vector.broadcast %broadcast_in_dim3A : f32 to vector<16xf32>
    %scan3A = arith.constant 0 : i32
    %scan3A_4 = arith.constant 0 : i32
    %scan3A_5 = arith.constant 40 : i32
    %scan3A_6 = arith.addi %scan3A_4, %scan3A_5 : i32
    %scan3A_7 = arith.constant 1 : i32
    %scan3A_8 = scf.for %scan3A_646 = %scan3A_4 to %scan3A_6 step %scan3A_7 iter_args(%scan3A_647 = %scan3A) -> (i32)  : i32 {
      %scan3A_648 = arith.constant 0 : i32
      %scan3A_649 = arith.constant 0 : i32
      %scan3A_650 = arith.constant 32 : i32
      %scan3A_651 = arith.addi %scan3A_649, %scan3A_650 : i32
      %scan3A_652 = arith.constant 1 : i32
      %scan3A_653 = scf.for %scan3A_656 = %scan3A_649 to %scan3A_651 step %scan3A_652 iter_args(%scan3A_657 = %scan3A_648) -> (i32)  : i32 {
        %mul3A_658 = arith.constant 16 : i32
        %mul3A_659 = arith.muli %scan3A_656, %mul3A_658 : i32
        %swap3A = arith.index_cast %scan3A_646 : i32 to index
        %swap3A_660 = arith.index_cast %mul3A_659 : i32 to index
        %swap3A_661 = tpu.vector_load %arg4[%swap3A, %swap3A_660] {strides = array<i32>} : memref<40x512xf32, #tpu.memory_space<vmem>>, vector<16xf32>,
        tpu.vector_store %arg4[%swap3A, %swap3A_660], %broadcast_in_dim3A_3 {strides = array<i32>} : memref<40x512xf32, #tpu.memory_space<vmem>>, vector<16xf32>,
        %scan3A_662 = arith.constant 0 : i32
        scf.yield %scan3A_662 : i32
      }
      %scan3A_654 = arith.constant 32 : i32
      %scan3A_655 = arith.constant 0 : i32
      scf.yield %scan3A_655 : i32
    }
    %scan3A_9 = arith.constant 40 : i32
    %iota3A = tpu.iota {dimensions = array<i32: 0>} : vector<16xi32>
    %broadcast_in_dim3A_10 = arith.constant 1.001000e+03 : f32
    %broadcast_in_dim3A_11 = vector.broadcast %broadcast_in_dim3A_10 : f32 to vector<16xf32>
    %scan3A_12 = arith.constant 0 : i32
    %scan3A_13 = arith.constant 0 : i32
    %scan3A_14 = arith.constant 32 : i32
    %scan3A_15 = arith.addi %scan3A_13, %scan3A_14 : i32
    %scan3A_16 = arith.constant 1 : i32
    %scan3A_17 = scf.for %scan3A_646 = %scan3A_13 to %scan3A_15 step %scan3A_16 iter_args(%scan3A_647 = %scan3A_12) -> (i32)  : i32 {
      %mul3A_648 = arith.constant 16 : i32
      %mul3A_649 = arith.muli %scan3A_646, %mul3A_648 : i32
      %get3A = arith.index_cast %mul3A_649 : i32 to index
      %get3A_650 = tpu.vector_load %arg6[%get3A] {strides = array<i32>} : memref<512xi32, #tpu.memory_space<vmem>>, vector<16xi32>,
      %ge3A = arith.constant 0 : i32
      %ge3A_651 = vector.broadcast %ge3A : i32 to vector<16xi32>
      %ge3A_652 = arith.cmpi sge, %get3A_650, %ge3A_651 : vector<16xi32>
      %lt3A = arith.constant 40 : i32
      %lt3A_653 = vector.broadcast %lt3A : i32 to vector<16xi32>
      %lt3A_654 = arith.cmpi slt, %get3A_650, %lt3A_653 : vector<16xi32>
      %and3A = arith.andi %ge3A_652, %lt3A_654 : vector<16xi1>
      %sub3A = arith.constant 0 : i32
      %sub3A_655 = vector.broadcast %sub3A : i32 to vector<16xi32>
      %sub3A_656 = arith.subi %get3A_650, %sub3A_655 : vector<16xi32>
      %mul3A_657 = arith.constant 16 : i32
      %mul3A_658 = arith.muli %scan3A_646, %mul3A_657 : i32
      %add3A_659 = vector.broadcast %mul3A_658 : i32 to vector<16xi32>
      %add3A_660 = arith.addi %iota3A, %add3A_659 : vector<16xi32>
      tpu.vector_store_idx %arg4[%sub3A_656, %add3A_660], %broadcast_in_dim3A_11 masked %and3A : memref<40x512xf32, #tpu.memory_space<vmem>>[vector<16xi32>, vector<16xi32>], vector<16xf32>, vector<16xi1>
      %scan3A_661 = arith.constant 0 : i32
      scf.yield %scan3A_661 : i32
    }
    %scan3A_18 = arith.constant 32 : i32
    %multiple_of3A_19 = arith.constant 0 : i32
    %multiple_of3A_20 = tpu.assume_multiple %multiple_of3A_19, 8 : i32
    %dma_start3A = tpu.memref_slice %arg3[%multiple_of3A_20, %multiple_of3A] : memref<1000x16384xf32, #tpu.memory_space<hbm>> -> memref<40x512xf32, #tpu.memory_space<hbm>>
    %dma_start3A_21 = tpu.memref_slice %arg3[%multiple_of3A_20, %multiple_of3A] : memref<1000x16384xf32, #tpu.memory_space<hbm>> -> memref<40x512xf32, #tpu.memory_space<hbm>>
    tpu.enqueue_dma source(%arg4 : memref<40x512xf32, #tpu.memory_space<vmem>>) target(%dma_start3A_21 : memref<40x512xf32, #tpu.memory_space<hbm>>) target_semaphore(%arg7 : memref<!tpu.dma_semaphore, #tpu.memory_space<semaphore_mem>>)
    %broadcast_in_dim3A_22 = arith.constant 1.000000e+00 : f32
    %broadcast_in_dim3A_23 = vector.broadcast %broadcast_in_dim3A_22 : f32 to vector<16xf32>
    %scan3A_24 = arith.constant 0 : i32
    %scan3A_25 = arith.constant 0 : i32
    %scan3A_26 = arith.constant 40 : i32
    %scan3A_27 = arith.addi %scan3A_25, %scan3A_26 : i32
    %scan3A_28 = arith.constant 1 : i32
    %scan3A_29 = scf.for %scan3A_646 = %scan3A_25 to %scan3A_27 step %scan3A_28 iter_args(%scan3A_647 = %scan3A_24) -> (i32)  : i32 {
      %scan3A_648 = arith.constant 0 : i32
      %scan3A_649 = arith.constant 0 : i32
      %scan3A_650 = arith.constant 32 : i32
      %scan3A_651 = arith.addi %scan3A_649, %scan3A_650 : i32
      %scan3A_652 = arith.constant 1 : i32
      %scan3A_653 = scf.for %scan3A_656 = %scan3A_649 to %scan3A_651 step %scan3A_652 iter_args(%scan3A_657 = %scan3A_648) -> (i32)  : i32 {
        %mul3A_658 = arith.constant 16 : i32
        %mul3A_659 = arith.muli %scan3A_656, %mul3A_658 : i32
        %swap3A = arith.index_cast %scan3A_646 : i32 to index
        %swap3A_660 = arith.index_cast %mul3A_659 : i32 to index
        %swap3A_661 = tpu.vector_load %arg5[%swap3A, %swap3A_660] {strides = array<i32>} : memref<40x512xf32, #tpu.memory_space<vmem>>, vector<16xf32>,
        tpu.vector_store %arg5[%swap3A, %swap3A_660], %broadcast_in_dim3A_23 {strides = array<i32>} : memref<40x512xf32, #tpu.memory_space<vmem>>, vector<16xf32>,
        %scan3A_662 = arith.constant 0 : i32
        scf.yield %scan3A_662 : i32
      }
      %scan3A_654 = arith.constant 32 : i32
      %scan3A_655 = arith.constant 0 : i32
      scf.yield %scan3A_655 : i32
    }
    %scan3A_30 = arith.constant 40 : i32
    %iota3A_31 = tpu.iota {dimensions = array<i32: 0>} : vector<16xi32>
    %broadcast_in_dim3A_32 = arith.constant 1.001000e+03 : f32
    %broadcast_in_dim3A_33 = vector.broadcast %broadcast_in_dim3A_32 : f32 to vector<16xf32>
    %scan3A_34 = arith.constant 0 : i32
    %scan3A_35 = arith.constant 0 : i32
    %scan3A_36 = arith.constant 32 : i32
    %scan3A_37 = arith.addi %scan3A_35, %scan3A_36 : i32
    %scan3A_38 = arith.constant 1 : i32
    %scan3A_39 = scf.for %scan3A_646 = %scan3A_35 to %scan3A_37 step %scan3A_38 iter_args(%scan3A_647 = %scan3A_34) -> (i32)  : i32 {
      %mul3A_648 = arith.constant 16 : i32
      %mul3A_649 = arith.muli %scan3A_646, %mul3A_648 : i32
      %get3A = arith.index_cast %mul3A_649 : i32 to index
      %get3A_650 = tpu.vector_load %arg6[%get3A] {strides = array<i32>} : memref<512xi32, #tpu.memory_space<vmem>>, vector<16xi32>,
      %ge3A = arith.constant 40 : i32
      %ge3A_651 = vector.broadcast %ge3A : i32 to vector<16xi32>
      %ge3A_652 = arith.cmpi sge, %get3A_650, %ge3A_651 : vector<16xi32>
      %lt3A = arith.constant 80 : i32
      %lt3A_653 = vector.broadcast %lt3A : i32 to vector<16xi32>
      %lt3A_654 = arith.cmpi slt, %get3A_650, %lt3A_653 : vector<16xi32>
      %and3A = arith.andi %ge3A_652, %lt3A_654 : vector<16xi1>
      %sub3A = arith.constant 40 : i32
      %sub3A_655 = vector.broadcast %sub3A : i32 to vector<16xi32>
      %sub3A_656 = arith.subi %get3A_650, %sub3A_655 : vector<16xi32>
      %mul3A_657 = arith.constant 16 : i32
      %mul3A_658 = arith.muli %scan3A_646, %mul3A_657 : i32
      %add3A_659 = vector.broadcast %mul3A_658 : i32 to vector<16xi32>
      %add3A_660 = arith.addi %iota3A_31, %add3A_659 : vector<16xi32>
      tpu.vector_store_idx %arg5[%sub3A_656, %add3A_660], %broadcast_in_dim3A_33 masked %and3A : memref<40x512xf32, #tpu.memory_space<vmem>>[vector<16xi32>, vector<16xi32>], vector<16xf32>, vector<16xi1>
      %scan3A_661 = arith.constant 0 : i32
      scf.yield %scan3A_661 : i32
    }
    %scan3A_40 = arith.constant 32 : i32
    %multiple_of3A_41 = arith.constant 40 : i32
    %multiple_of3A_42 = tpu.assume_multiple %multiple_of3A_41, 8 : i32
    %dma_start3A_43 = tpu.memref_slice %arg3[%multiple_of3A_42, %multiple_of3A] : memref<1000x16384xf32, #tpu.memory_space<hbm>> -> memref<40x512xf32, #tpu.memory_space<hbm>>
    %dma_start3A_44 = tpu.memref_slice %arg3[%multiple_of3A_42, %multiple_of3A] : memref<1000x16384xf32, #tpu.memory_space<hbm>> -> memref<40x512xf32, #tpu.memory_space<hbm>>
    tpu.enqueue_dma source(%arg5 : memref<40x512xf32, #tpu.memory_space<vmem>>) target(%dma_start3A_44 : memref<40x512xf32, #tpu.memory_space<hbm>>) target_semaphore(%arg8 : memref<!tpu.dma_semaphore, #tpu.memory_space<semaphore_mem>>)
    %dma_wait3A = tpu.memref_slice %arg3[%multiple_of3A_20, %multiple_of3A] : memref<1000x16384xf32, #tpu.memory_space<hbm>> -> memref<40x512xf32, #tpu.memory_space<hbm>>
    %dma_wait3A_45 = tpu.memref_slice %arg3[%multiple_of3A_20, %multiple_of3A] : memref<1000x16384xf32, #tpu.memory_space<hbm>> -> memref<40x512xf32, #tpu.memory_space<hbm>>
    tpu.wait_dma2 semaphore(%arg7 : memref<!tpu.dma_semaphore, #tpu.memory_space<semaphore_mem>>) src(%arg4 : memref<40x512xf32, #tpu.memory_space<vmem>>) dst(%dma_wait3A_45 : memref<40x512xf32, #tpu.memory_space<hbm>>)
    %iota3A_46 = tpu.iota {dimensions = array<i32: 0>} : vector<16xi32>
    %broadcast_in_dim3A_47 = arith.constant 1.000000e+00 : f32
    %broadcast_in_dim3A_48 = vector.broadcast %broadcast_in_dim3A_47 : f32 to vector<16xf32>
    %scan3A_49 = arith.constant 0 : i32
    %scan3A_50 = arith.constant 0 : i32
    %scan3A_51 = arith.constant 32 : i32
    %scan3A_52 = arith.addi %scan3A_50, %scan3A_51 : i32
    %scan3A_53 = arith.constant 1 : i32
    %scan3A_54 = scf.for %scan3A_646 = %scan3A_50 to %scan3A_52 step %scan3A_53 iter_args(%scan3A_647 = %scan3A_49) -> (i32)  : i32 {
      %mul3A_648 = arith.constant 16 : i32
      %mul3A_649 = arith.muli %scan3A_646, %mul3A_648 : i32
      %get3A = arith.index_cast %mul3A_649 : i32 to index
      %get3A_650 = tpu.vector_load %arg6[%get3A] {strides = array<i32>} : memref<512xi32, #tpu.memory_space<vmem>>, vector<16xi32>,
      %ge3A = arith.constant 0 : i32
      %ge3A_651 = vector.broadcast %ge3A : i32 to vector<16xi32>
      %ge3A_652 = arith.cmpi sge, %get3A_650, %ge3A_651 : vector<16xi32>
      %lt3A = arith.constant 40 : i32
      %lt3A_653 = vector.broadcast %lt3A : i32 to vector<16xi32>
      %lt3A_654 = arith.cmpi slt, %get3A_650, %lt3A_653 : vector<16xi32>
      %and3A = arith.andi %ge3A_652, %lt3A_654 : vector<16xi1>
      %sub3A = arith.constant 0 : i32
      %sub3A_655 = vector.broadcast %sub3A : i32 to vector<16xi32>
      %sub3A_656 = arith.subi %get3A_650, %sub3A_655 : vector<16xi32>
      %mul3A_657 = arith.constant 16 : i32
      %mul3A_658 = arith.muli %scan3A_646, %mul3A_657 : i32
      %add3A_659 = vector.broadcast %mul3A_658 : i32 to vector<16xi32>
      %add3A_660 = arith.addi %iota3A_46, %add3A_659 : vector<16xi32>
      tpu.vector_store_idx %arg4[%sub3A_656, %add3A_660], %broadcast_in_dim3A_48 masked %and3A : memref<40x512xf32, #tpu.memory_space<vmem>>[vector<16xi32>, vector<16xi32>], vector<16xf32>, vector<16xi1>
      %scan3A_661 = arith.constant 0 : i32
      scf.yield %scan3A_661 : i32
    }
    %scan3A_55 = arith.constant 32 : i32
    %iota3A_56 = tpu.iota {dimensions = array<i32: 0>} : vector<16xi32>
    %broadcast_in_dim3A_57 = arith.constant 1.001000e+03 : f32
    %broadcast_in_dim3A_58 = vector.broadcast %broadcast_in_dim3A_57 : f32 to vector<16xf32>
    %scan3A_59 = arith.constant 0 : i32
    %scan3A_60 = arith.constant 0 : i32
    %scan3A_61 = arith.constant 32 : i32
    %scan3A_62 = arith.addi %scan3A_60, %scan3A_61 : i32
    %scan3A_63 = arith.constant 1 : i32
    %scan3A_64 = scf.for %scan3A_646 = %scan3A_60 to %scan3A_62 step %scan3A_63 iter_args(%scan3A_647 = %scan3A_59) -> (i32)  : i32 {
      %mul3A_648 = arith.constant 16 : i32
      %mul3A_649 = arith.muli %scan3A_646, %mul3A_648 : i32
      %get3A = arith.index_cast %mul3A_649 : i32 to index
      %get3A_650 = tpu.vector_load %arg6[%get3A] {strides = array<i32>} : memref<512xi32, #tpu.memory_space<vmem>>, vector<16xi32>,
      %ge3A = arith.constant 80 : i32
      %ge3A_651 = vector.broadcast %ge3A : i32 to vector<16xi32>
      %ge3A_652 = arith.cmpi sge, %get3A_650, %ge3A_651 : vector<16xi32>
      %lt3A = arith.constant 120 : i32
      %lt3A_653 = vector.broadcast %lt3A : i32 to vector<16xi32>
      %lt3A_654 = arith.cmpi slt, %get3A_650, %lt3A_653 : vector<16xi32>
      %and3A = arith.andi %ge3A_652, %lt3A_654 : vector<16xi1>
      %sub3A = arith.constant 80 : i32
      %sub3A_655 = vector.broadcast %sub3A : i32 to vector<16xi32>
      %sub3A_656 = arith.subi %get3A_650, %sub3A_655 : vector<16xi32>
      %mul3A_657 = arith.constant 16 : i32
      %mul3A_658 = arith.muli %scan3A_646, %mul3A_657 : i32
      %add3A_659 = vector.broadcast %mul3A_658 : i32 to vector<16xi32>
      %add3A_660 = arith.addi %iota3A_56, %add3A_659 : vector<16xi32>
      tpu.vector_store_idx %arg4[%sub3A_656, %add3A_660], %broadcast_in_dim3A_58 masked %and3A : memref<40x512xf32, #tpu.memory_space<vmem>>[vector<16xi32>, vector<16xi32>], vector<16xf32>, vector<16xi1>
      %scan3A_661 = arith.constant 0 : i32
      scf.yield %scan3A_661 : i32
    }
    %scan3A_65 = arith.constant 32 : i32
    %multiple_of3A_66 = arith.constant 80 : i32
    %multiple_of3A_67 = tpu.assume_multiple %multiple_of3A_66, 8 : i32
    %dma_start3A_68 = tpu.memref_slice %arg3[%multiple_of3A_67, %multiple_of3A] : memref<1000x16384xf32, #tpu.memory_space<hbm>> -> memref<40x512xf32, #tpu.memory_space<hbm>>
    %dma_start3A_69 = tpu.memref_slice %arg3[%multiple_of3A_67, %multiple_of3A] : memref<1000x16384xf32, #tpu.memory_space<hbm>> -> memref<40x512xf32, #tpu.memory_space<hbm>>
    tpu.enqueue_dma source(%arg4 : memref<40x512xf32, #tpu.memory_space<vmem>>) target(%dma_start3A_69 : memref<40x512xf32, #tpu.memory_space<hbm>>) target_semaphore(%arg7 : memref<!tpu.dma_semaphore, #tpu.memory_space<semaphore_mem>>)
    %dma_wait3A_70 = tpu.memref_slice %arg3[%multiple_of3A_42, %multiple_of3A] : memref<1000x16384xf32, #tpu.memory_space<hbm>> -> memref<40x512xf32, #tpu.memory_space<hbm>>
    %dma_wait3A_71 = tpu.memref_slice %arg3[%multiple_of3A_42, %multiple_of3A] : memref<1000x16384xf32, #tpu.memory_space<hbm>> -> memref<40x512xf32, #tpu.memory_space<hbm>>
    tpu.wait_dma2 semaphore(%arg8 : memref<!tpu.dma_semaphore, #tpu.memory_space<semaphore_mem>>) src(%arg5 : memref<40x512xf32, #tpu.memory_space<vmem>>) dst(%dma_wait3A_71 : memref<40x512xf32, #tpu.memory_space<hbm>>)
    %iota3A_72 = tpu.iota {dimensions = array<i32: 0>} : vector<16xi32>
    %broadcast_in_dim3A_73 = arith.constant 1.000000e+00 : f32
    %broadcast_in_dim3A_74 = vector.broadcast %broadcast_in_dim3A_73 : f32 to vector<16xf32>
    %scan3A_75 = arith.constant 0 : i32
    %scan3A_76 = arith.constant 0 : i32
    %scan3A_77 = arith.constant 32 : i32
    %scan3A_78 = arith.addi %scan3A_76, %scan3A_77 : i32
    %scan3A_79 = arith.constant 1 : i32
    %scan3A_80 = scf.for %scan3A_646 = %scan3A_76 to %scan3A_78 step %scan3A_79 iter_args(%scan3A_647 = %scan3A_75) -> (i32)  : i32 {
      %mul3A_648 = arith.constant 16 : i32
      %mul3A_649 = arith.muli %scan3A_646, %mul3A_648 : i32
      %get3A = arith.index_cast %mul3A_649 : i32 to index
      %get3A_650 = tpu.vector_load %arg6[%get3A] {strides = array<i32>} : memref<512xi32, #tpu.memory_space<vmem>>, vector<16xi32>,
      %ge3A = arith.constant 40 : i32
      %ge3A_651 = vector.broadcast %ge3A : i32 to vector<16xi32>
      %ge3A_652 = arith.cmpi sge, %get3A_650, %ge3A_651 : vector<16xi32>
      %lt3A = arith.constant 80 : i32
      %lt3A_653 = vector.broadcast %lt3A : i32 to vector<16xi32>
      %lt3A_654 = arith.cmpi slt, %get3A_650, %lt3A_653 : vector<16xi32>
      %and3A = arith.andi %ge3A_652, %lt3A_654 : vector<16xi1>
      %sub3A = arith.constant 40 : i32
      %sub3A_655 = vector.broadcast %sub3A : i32 to vector<16xi32>
      %sub3A_656 = arith.subi %get3A_650, %sub3A_655 : vector<16xi32>
      %mul3A_657 = arith.constant 16 : i32
      %mul3A_658 = arith.muli %scan3A_646, %mul3A_657 : i32
      %add3A_659 = vector.broadcast %mul3A_658 : i32 to vector<16xi32>
      %add3A_660 = arith.addi %iota3A_72, %add3A_659 : vector<16xi32>
      tpu.vector_store_idx %arg5[%sub3A_656, %add3A_660], %broadcast_in_dim3A_74 masked %and3A : memref<40x512xf32, #tpu.memory_space<vmem>>[vector<16xi32>, vector<16xi32>], vector<16xf32>, vector<16xi1>
      %scan3A_661 = arith.constant 0 : i32
      scf.yield %scan3A_661 : i32
    }
    %scan3A_81 = arith.constant 32 : i32
    %iota3A_82 = tpu.iota {dimensions = array<i32: 0>} : vector<16xi32>
    %broadcast_in_dim3A_83 = arith.constant 1.001000e+03 : f32
    %broadcast_in_dim3A_84 = vector.broadcast %broadcast_in_dim3A_83 : f32 to vector<16xf32>
    %scan3A_85 = arith.constant 0 : i32
    %scan3A_86 = arith.constant 0 : i32
    %scan3A_87 = arith.constant 32 : i32
    %scan3A_88 = arith.addi %scan3A_86, %scan3A_87 : i32
    %scan3A_89 = arith.constant 1 : i32
    %scan3A_90 = scf.for %scan3A_646 = %scan3A_86 to %scan3A_88 step %scan3A_89 iter_args(%scan3A_647 = %scan3A_85) -> (i32)  : i32 {
      %mul3A_648 = arith.constant 16 : i32
      %mul3A_649 = arith.muli %scan3A_646, %mul3A_648 : i32
      %get3A = arith.index_cast %mul3A_649 : i32 to index
      %get3A_650 = tpu.vector_load %arg6[%get3A] {strides = array<i32>} : memref<512xi32, #tpu.memory_space<vmem>>, vector<16xi32>,
      %ge3A = arith.constant 120 : i32
      %ge3A_651 = vector.broadcast %ge3A : i32 to vector<16xi32>
      %ge3A_652 = arith.cmpi sge, %get3A_650, %ge3A_651 : vector<16xi32>
      %lt3A = arith.constant 160 : i32
      %lt3A_653 = vector.broadcast %lt3A : i32 to vector<16xi32>
      %lt3A_654 = arith.cmpi slt, %get3A_650, %lt3A_653 : vector<16xi32>
      %and3A = arith.andi %ge3A_652, %lt3A_654 : vector<16xi1>
      %sub3A = arith.constant 120 : i32
      %sub3A_655 = vector.broadcast %sub3A : i32 to vector<16xi32>
      %sub3A_656 = arith.subi %get3A_650, %sub3A_655 : vector<16xi32>
      %mul3A_657 = arith.constant 16 : i32
      %mul3A_658 = arith.muli %scan3A_646, %mul3A_657 : i32
      %add3A_659 = vector.broadcast %mul3A_658 : i32 to vector<16xi32>
      %add3A_660 = arith.addi %iota3A_82, %add3A_659 : vector<16xi32>
      tpu.vector_store_idx %arg5[%sub3A_656, %add3A_660], %broadcast_in_dim3A_84 masked %and3A : memref<40x512xf32, #tpu.memory_space<vmem>>[vector<16xi32>, vector<16xi32>], vector<16xf32>, vector<16xi1>
      %scan3A_661 = arith.constant 0 : i32
      scf.yield %scan3A_661 : i32
    }
    %scan3A_91 = arith.constant 32 : i32
    %multiple_of3A_92 = arith.constant 120 : i32
    %multiple_of3A_93 = tpu.assume_multiple %multiple_of3A_92, 8 : i32
    %dma_start3A_94 = tpu.memref_slice %arg3[%multiple_of3A_93, %multiple_of3A] : memref<1000x16384xf32, #tpu.memory_space<hbm>> -> memref<40x512xf32, #tpu.memory_space<hbm>>
    %dma_start3A_95 = tpu.memref_slice %arg3[%multiple_of3A_93, %multiple_of3A] : memref<1000x16384xf32, #tpu.memory_space<hbm>> -> memref<40x512xf32, #tpu.memory_space<hbm>>
    tpu.enqueue_dma source(%arg5 : memref<40x512xf32, #tpu.memory_space<vmem>>) target(%dma_start3A_95 : memref<40x512xf32, #tpu.memory_space<hbm>>) target_semaphore(%arg8 : memref<!tpu.dma_semaphore, #tpu.memory_space<semaphore_mem>>)
    %dma_wait3A_96 = tpu.memref_slice %arg3[%multiple_of3A_67, %multiple_of3A] : memref<1000x16384xf32, #tpu.memory_space<hbm>> -> memref<40x512xf32, #tpu.memory_space<hbm>>
    %dma_wait3A_97 = tpu.memref_slice %arg3[%multiple_of3A_67, %multiple_of3A] : memref<1000x16384xf32, #tpu.memory_space<hbm>> -> memref<40x512xf32, #tpu.memory_space<hbm>>
    tpu.wait_dma2 semaphore(%arg7 : memref<!tpu.dma_semaphore, #tpu.memory_space<semaphore_mem>>) src(%arg4 : memref<40x512xf32, #tpu.memory_space<vmem>>) dst(%dma_wait3A_97 : memref<40x512xf32, #tpu.memory_space<hbm>>)
    %iota3A_98 = tpu.iota {dimensions = array<i32: 0>} : vector<16xi32>
    %broadcast_in_dim3A_99 = arith.constant 1.000000e+00 : f32
    %broadcast_in_dim3A_100 = vector.broadcast %broadcast_in_dim3A_99 : f32 to vector<16xf32>
    %scan3A_101 = arith.constant 0 : i32
    %scan3A_102 = arith.constant 0 : i32
    %scan3A_103 = arith.constant 32 : i32
    %scan3A_104 = arith.addi %scan3A_102, %scan3A_103 : i32
    %scan3A_105 = arith.constant 1 : i32
    %scan3A_106 = scf.for %scan3A_646 = %scan3A_102 to %scan3A_104 step %scan3A_105 iter_args(%scan3A_647 = %scan3A_101) -> (i32)  : i32 {
      %mul3A_648 = arith.constant 16 : i32
      %mul3A_649 = arith.muli %scan3A_646, %mul3A_648 : i32
      %get3A = arith.index_cast %mul3A_649 : i32 to index
      %get3A_650 = tpu.vector_load %arg6[%get3A] {strides = array<i32>} : memref<512xi32, #tpu.memory_space<vmem>>, vector<16xi32>,
      %ge3A = arith.constant 80 : i32
      %ge3A_651 = vector.broadcast %ge3A : i32 to vector<16xi32>
      %ge3A_652 = arith.cmpi sge, %get3A_650, %ge3A_651 : vector<16xi32>
      %lt3A = arith.constant 120 : i32
      %lt3A_653 = vector.broadcast %lt3A : i32 to vector<16xi32>
      %lt3A_654 = arith.cmpi slt, %get3A_650, %lt3A_653 : vector<16xi32>
      %and3A = arith.andi %ge3A_652, %lt3A_654 : vector<16xi1>
      %sub3A = arith.constant 80 : i32
      %sub3A_655 = vector.broadcast %sub3A : i32 to vector<16xi32>
      %sub3A_656 = arith.subi %get3A_650, %sub3A_655 : vector<16xi32>
      %mul3A_657 = arith.constant 16 : i32
      %mul3A_658 = arith.muli %scan3A_646, %mul3A_657 : i32
      %add3A_659 = vector.broadcast %mul3A_658 : i32 to vector<16xi32>
      %add3A_660 = arith.addi %iota3A_98, %add3A_659 : vector<16xi32>
      tpu.vector_store_idx %arg4[%sub3A_656, %add3A_660], %broadcast_in_dim3A_100 masked %and3A : memref<40x512xf32, #tpu.memory_space<vmem>>[vector<16xi32>, vector<16xi32>], vector<16xf32>, vector<16xi1>
      %scan3A_661 = arith.constant 0 : i32
      scf.yield %scan3A_661 : i32
    }
    %scan3A_107 = arith.constant 32 : i32
    %iota3A_108 = tpu.iota {dimensions = array<i32: 0>} : vector<16xi32>
    %broadcast_in_dim3A_109 = arith.constant 1.001000e+03 : f32
    %broadcast_in_dim3A_110 = vector.broadcast %broadcast_in_dim3A_109 : f32 to vector<16xf32>
    %scan3A_111 = arith.constant 0 : i32
    %scan3A_112 = arith.constant 0 : i32
    %scan3A_113 = arith.constant 32 : i32
    %scan3A_114 = arith.addi %scan3A_112, %scan3A_113 : i32
    %scan3A_115 = arith.constant 1 : i32
    %scan3A_116 = scf.for %scan3A_646 = %scan3A_112 to %scan3A_114 step %scan3A_115 iter_args(%scan3A_647 = %scan3A_111) -> (i32)  : i32 {
      %mul3A_648 = arith.constant 16 : i32
      %mul3A_649 = arith.muli %scan3A_646, %mul3A_648 : i32
      %get3A = arith.index_cast %mul3A_649 : i32 to index
      %get3A_650 = tpu.vector_load %arg6[%get3A] {strides = array<i32>} : memref<512xi32, #tpu.memory_space<vmem>>, vector<16xi32>,
      %ge3A = arith.constant 160 : i32
      %ge3A_651 = vector.broadcast %ge3A : i32 to vector<16xi32>
      %ge3A_652 = arith.cmpi sge, %get3A_650, %ge3A_651 : vector<16xi32>
      %lt3A = arith.constant 200 : i32
      %lt3A_653 = vector.broadcast %lt3A : i32 to vector<16xi32>
      %lt3A_654 = arith.cmpi slt, %get3A_650, %lt3A_653 : vector<16xi32>
      %and3A = arith.andi %ge3A_652, %lt3A_654 : vector<16xi1>
      %sub3A = arith.constant 160 : i32
      %sub3A_655 = vector.broadcast %sub3A : i32 to vector<16xi32>
      %sub3A_656 = arith.subi %get3A_650, %sub3A_655 : vector<16xi32>
      %mul3A_657 = arith.constant 16 : i32
      %mul3A_658 = arith.muli %scan3A_646, %mul3A_657 : i32
      %add3A_659 = vector.broadcast %mul3A_658 : i32 to vector<16xi32>
      %add3A_660 = arith.addi %iota3A_108, %add3A_659 : vector<16xi32>
      tpu.vector_store_idx %arg4[%sub3A_656, %add3A_660], %broadcast_in_dim3A_110 masked %and3A : memref<40x512xf32, #tpu.memory_space<vmem>>[vector<16xi32>, vector<16xi32>], vector<16xf32>, vector<16xi1>
      %scan3A_661 = arith.constant 0 : i32
      scf.yield %scan3A_661 : i32
    }
    %scan3A_117 = arith.constant 32 : i32
    %multiple_of3A_118 = arith.constant 160 : i32
    %multiple_of3A_119 = tpu.assume_multiple %multiple_of3A_118, 8 : i32
    %dma_start3A_120 = tpu.memref_slice %arg3[%multiple_of3A_119, %multiple_of3A] : memref<1000x16384xf32, #tpu.memory_space<hbm>> -> memref<40x512xf32, #tpu.memory_space<hbm>>
    %dma_start3A_121 = tpu.memref_slice %arg3[%multiple_of3A_119, %multiple_of3A] : memref<1000x16384xf32, #tpu.memory_space<hbm>> -> memref<40x512xf32, #tpu.memory_space<hbm>>
    tpu.enqueue_dma source(%arg4 : memref<40x512xf32, #tpu.memory_space<vmem>>) target(%dma_start3A_121 : memref<40x512xf32, #tpu.memory_space<hbm>>) target_semaphore(%arg7 : memref<!tpu.dma_semaphore, #tpu.memory_space<semaphore_mem>>)
    %dma_wait3A_122 = tpu.memref_slice %arg3[%multiple_of3A_93, %multiple_of3A] : memref<1000x16384xf32, #tpu.memory_space<hbm>> -> memref<40x512xf32, #tpu.memory_space<hbm>>
    %dma_wait3A_123 = tpu.memref_slice %arg3[%multiple_of3A_93, %multiple_of3A] : memref<1000x16384xf32, #tpu.memory_space<hbm>> -> memref<40x512xf32, #tpu.memory_space<hbm>>
    tpu.wait_dma2 semaphore(%arg8 : memref<!tpu.dma_semaphore, #tpu.memory_space<semaphore_mem>>) src(%arg5 : memref<40x512xf32, #tpu.memory_space<vmem>>) dst(%dma_wait3A_123 : memref<40x512xf32, #tpu.memory_space<hbm>>)
    %iota3A_124 = tpu.iota {dimensions = array<i32: 0>} : vector<16xi32>
    %broadcast_in_dim3A_125 = arith.constant 1.000000e+00 : f32
    %broadcast_in_dim3A_126 = vector.broadcast %broadcast_in_dim3A_125 : f32 to vector<16xf32>
    %scan3A_127 = arith.constant 0 : i32
    %scan3A_128 = arith.constant 0 : i32
    %scan3A_129 = arith.constant 32 : i32
    %scan3A_130 = arith.addi %scan3A_128, %scan3A_129 : i32
    %scan3A_131 = arith.constant 1 : i32
    %scan3A_132 = scf.for %scan3A_646 = %scan3A_128 to %scan3A_130 step %scan3A_131 iter_args(%scan3A_647 = %scan3A_127) -> (i32)  : i32 {
      %mul3A_648 = arith.constant 16 : i32
      %mul3A_649 = arith.muli %scan3A_646, %mul3A_648 : i32
      %get3A = arith.index_cast %mul3A_649 : i32 to index
      %get3A_650 = tpu.vector_load %arg6[%get3A] {strides = array<i32>} : memref<512xi32, #tpu.memory_space<vmem>>, vector<16xi32>,
      %ge3A = arith.constant 120 : i32
      %ge3A_651 = vector.broadcast %ge3A : i32 to vector<16xi32>
      %ge3A_652 = arith.cmpi sge, %get3A_650, %ge3A_651 : vector<16xi32>
      %lt3A = arith.constant 160 : i32
      %lt3A_653 = vector.broadcast %lt3A : i32 to vector<16xi32>
      %lt3A_654 = arith.cmpi slt, %get3A_650, %lt3A_653 : vector<16xi32>
      %and3A = arith.andi %ge3A_652, %lt3A_654 : vector<16xi1>
      %sub3A = arith.constant 120 : i32
      %sub3A_655 = vector.broadcast %sub3A : i32 to vector<16xi32>
      %sub3A_656 = arith.subi %get3A_650, %sub3A_655 : vector<16xi32>
      %mul3A_657 = arith.constant 16 : i32
      %mul3A_658 = arith.muli %scan3A_646, %mul3A_657 : i32
      %add3A_659 = vector.broadcast %mul3A_658 : i32 to vector<16xi32>
      %add3A_660 = arith.addi %iota3A_124, %add3A_659 : vector<16xi32>
      tpu.vector_store_idx %arg5[%sub3A_656, %add3A_660], %broadcast_in_dim3A_126 masked %and3A : memref<40x512xf32, #tpu.memory_space<vmem>>[vector<16xi32>, vector<16xi32>], vector<16xf32>, vector<16xi1>
      %scan3A_661 = arith.constant 0 : i32
      scf.yield %scan3A_661 : i32
    }
    %scan3A_133 = arith.constant 32 : i32
    %iota3A_134 = tpu.iota {dimensions = array<i32: 0>} : vector<16xi32>
    %broadcast_in_dim3A_135 = arith.constant 1.001000e+03 : f32
    %broadcast_in_dim3A_136 = vector.broadcast %broadcast_in_dim3A_135 : f32 to vector<16xf32>
    %scan3A_137 = arith.constant 0 : i32
    %scan3A_138 = arith.constant 0 : i32
    %scan3A_139 = arith.constant 32 : i32
    %scan3A_140 = arith.addi %scan3A_138, %scan3A_139 : i32
    %scan3A_141 = arith.constant 1 : i32
    %scan3A_142 = scf.for %scan3A_646 = %scan3A_138 to %scan3A_140 step %scan3A_141 iter_args(%scan3A_647 = %scan3A_137) -> (i32)  : i32 {
      %mul3A_648 = arith.constant 16 : i32
      %mul3A_649 = arith.muli %scan3A_646, %mul3A_648 : i32
      %get3A = arith.index_cast %mul3A_649 : i32 to index
      %get3A_650 = tpu.vector_load %arg6[%get3A] {strides = array<i32>} : memref<512xi32, #tpu.memory_space<vmem>>, vector<16xi32>,
      %ge3A = arith.constant 200 : i32
      %ge3A_651 = vector.broadcast %ge3A : i32 to vector<16xi32>
      %ge3A_652 = arith.cmpi sge, %get3A_650, %ge3A_651 : vector<16xi32>
      %lt3A = arith.constant 240 : i32
      %lt3A_653 = vector.broadcast %lt3A : i32 to vector<16xi32>
      %lt3A_654 = arith.cmpi slt, %get3A_650, %lt3A_653 : vector<16xi32>
      %and3A = arith.andi %ge3A_652, %lt3A_654 : vector<16xi1>
      %sub3A = arith.constant 200 : i32
      %sub3A_655 = vector.broadcast %sub3A : i32 to vector<16xi32>
      %sub3A_656 = arith.subi %get3A_650, %sub3A_655 : vector<16xi32>
      %mul3A_657 = arith.constant 16 : i32
      %mul3A_658 = arith.muli %scan3A_646, %mul3A_657 : i32
      %add3A_659 = vector.broadcast %mul3A_658 : i32 to vector<16xi32>
      %add3A_660 = arith.addi %iota3A_134, %add3A_659 : vector<16xi32>
      tpu.vector_store_idx %arg5[%sub3A_656, %add3A_660], %broadcast_in_dim3A_136 masked %and3A : memref<40x512xf32, #tpu.memory_space<vmem>>[vector<16xi32>, vector<16xi32>], vector<16xf32>, vector<16xi1>
      %scan3A_661 = arith.constant 0 : i32
      scf.yield %scan3A_661 : i32
    }
    %scan3A_143 = arith.constant 32 : i32
    %multiple_of3A_144 = arith.constant 200 : i32
    %multiple_of3A_145 = tpu.assume_multiple %multiple_of3A_144, 8 : i32
    %dma_start3A_146 = tpu.memref_slice %arg3[%multiple_of3A_145, %multiple_of3A] : memref<1000x16384xf32, #tpu.memory_space<hbm>> -> memref<40x512xf32, #tpu.memory_space<hbm>>
    %dma_start3A_147 = tpu.memref_slice %arg3[%multiple_of3A_145, %multiple_of3A] : memref<1000x16384xf32, #tpu.memory_space<hbm>> -> memref<40x512xf32, #tpu.memory_space<hbm>>
    tpu.enqueue_dma source(%arg5 : memref<40x512xf32, #tpu.memory_space<vmem>>) target(%dma_start3A_147 : memref<40x512xf32, #tpu.memory_space<hbm>>) target_semaphore(%arg8 : memref<!tpu.dma_semaphore, #tpu.memory_space<semaphore_mem>>)
    %dma_wait3A_148 = tpu.memref_slice %arg3[%multiple_of3A_119, %multiple_of3A] : memref<1000x16384xf32, #tpu.memory_space<hbm>> -> memref<40x512xf32, #tpu.memory_space<hbm>>
    %dma_wait3A_149 = tpu.memref_slice %arg3[%multiple_of3A_119, %multiple_of3A] : memref<1000x16384xf32, #tpu.memory_space<hbm>> -> memref<40x512xf32, #tpu.memory_space<hbm>>
    tpu.wait_dma2 semaphore(%arg7 : memref<!tpu.dma_semaphore, #tpu.memory_space<semaphore_mem>>) src(%arg4 : memref<40x512xf32, #tpu.memory_space<vmem>>) dst(%dma_wait3A_149 : memref<40x512xf32, #tpu.memory_space<hbm>>)
    %iota3A_150 = tpu.iota {dimensions = array<i32: 0>} : vector<16xi32>
    %broadcast_in_dim3A_151 = arith.constant 1.000000e+00 : f32
    %broadcast_in_dim3A_152 = vector.broadcast %broadcast_in_dim3A_151 : f32 to vector<16xf32>
    %scan3A_153 = arith.constant 0 : i32
    %scan3A_154 = arith.constant 0 : i32
    %scan3A_155 = arith.constant 32 : i32
    %scan3A_156 = arith.addi %scan3A_154, %scan3A_155 : i32
    %scan3A_157 = arith.constant 1 : i32
    %scan3A_158 = scf.for %scan3A_646 = %scan3A_154 to %scan3A_156 step %scan3A_157 iter_args(%scan3A_647 = %scan3A_153) -> (i32)  : i32 {
      %mul3A_648 = arith.constant 16 : i32
      %mul3A_649 = arith.muli %scan3A_646, %mul3A_648 : i32
      %get3A = arith.index_cast %mul3A_649 : i32 to index
      %get3A_650 = tpu.vector_load %arg6[%get3A] {strides = array<i32>} : memref<512xi32, #tpu.memory_space<vmem>>, vector<16xi32>,
      %ge3A = arith.constant 160 : i32
      %ge3A_651 = vector.broadcast %ge3A : i32 to vector<16xi32>
      %ge3A_652 = arith.cmpi sge, %get3A_650, %ge3A_651 : vector<16xi32>
      %lt3A = arith.constant 200 : i32
      %lt3A_653 = vector.broadcast %lt3A : i32 to vector<16xi32>
      %lt3A_654 = arith.cmpi slt, %get3A_650, %lt3A_653 : vector<16xi32>
      %and3A = arith.andi %ge3A_652, %lt3A_654 : vector<16xi1>
      %sub3A = arith.constant 160 : i32
      %sub3A_655 = vector.broadcast %sub3A : i32 to vector<16xi32>
      %sub3A_656 = arith.subi %get3A_650, %sub3A_655 : vector<16xi32>
      %mul3A_657 = arith.constant 16 : i32
      %mul3A_658 = arith.muli %scan3A_646, %mul3A_657 : i32
      %add3A_659 = vector.broadcast %mul3A_658 : i32 to vector<16xi32>
      %add3A_660 = arith.addi %iota3A_150, %add3A_659 : vector<16xi32>
      tpu.vector_store_idx %arg4[%sub3A_656, %add3A_660], %broadcast_in_dim3A_152 masked %and3A : memref<40x512xf32, #tpu.memory_space<vmem>>[vector<16xi32>, vector<16xi32>], vector<16xf32>, vector<16xi1>
      %scan3A_661 = arith.constant 0 : i32
      scf.yield %scan3A_661 : i32
    }
    %scan3A_159 = arith.constant 32 : i32
    %iota3A_160 = tpu.iota {dimensions = array<i32: 0>} : vector<16xi32>
    %broadcast_in_dim3A_161 = arith.constant 1.001000e+03 : f32
    %broadcast_in_dim3A_162 = vector.broadcast %broadcast_in_dim3A_161 : f32 to vector<16xf32>
    %scan3A_163 = arith.constant 0 : i32
    %scan3A_164 = arith.constant 0 : i32
    %scan3A_165 = arith.constant 32 : i32
    %scan3A_166 = arith.addi %scan3A_164, %scan3A_165 : i32
    %scan3A_167 = arith.constant 1 : i32
    %scan3A_168 = scf.for %scan3A_646 = %scan3A_164 to %scan3A_166 step %scan3A_167 iter_args(%scan3A_647 = %scan3A_163) -> (i32)  : i32 {
      %mul3A_648 = arith.constant 16 : i32
      %mul3A_649 = arith.muli %scan3A_646, %mul3A_648 : i32
      %get3A = arith.index_cast %mul3A_649 : i32 to index
      %get3A_650 = tpu.vector_load %arg6[%get3A] {strides = array<i32>} : memref<512xi32, #tpu.memory_space<vmem>>, vector<16xi32>,
      %ge3A = arith.constant 240 : i32
      %ge3A_651 = vector.broadcast %ge3A : i32 to vector<16xi32>
      %ge3A_652 = arith.cmpi sge, %get3A_650, %ge3A_651 : vector<16xi32>
      %lt3A = arith.constant 280 : i32
      %lt3A_653 = vector.broadcast %lt3A : i32 to vector<16xi32>
      %lt3A_654 = arith.cmpi slt, %get3A_650, %lt3A_653 : vector<16xi32>
      %and3A = arith.andi %ge3A_652, %lt3A_654 : vector<16xi1>
      %sub3A = arith.constant 240 : i32
      %sub3A_655 = vector.broadcast %sub3A : i32 to vector<16xi32>
      %sub3A_656 = arith.subi %get3A_650, %sub3A_655 : vector<16xi32>
      %mul3A_657 = arith.constant 16 : i32
      %mul3A_658 = arith.muli %scan3A_646, %mul3A_657 : i32
      %add3A_659 = vector.broadcast %mul3A_658 : i32 to vector<16xi32>
      %add3A_660 = arith.addi %iota3A_160, %add3A_659 : vector<16xi32>
      tpu.vector_store_idx %arg4[%sub3A_656, %add3A_660], %broadcast_in_dim3A_162 masked %and3A : memref<40x512xf32, #tpu.memory_space<vmem>>[vector<16xi32>, vector<16xi32>], vector<16xf32>, vector<16xi1>
      %scan3A_661 = arith.constant 0 : i32
      scf.yield %scan3A_661 : i32
    }
    %scan3A_169 = arith.constant 32 : i32
    %multiple_of3A_170 = arith.constant 240 : i32
    %multiple_of3A_171 = tpu.assume_multiple %multiple_of3A_170, 8 : i32
    %dma_start3A_172 = tpu.memref_slice %arg3[%multiple_of3A_171, %multiple_of3A] : memref<1000x16384xf32, #tpu.memory_space<hbm>> -> memref<40x512xf32, #tpu.memory_space<hbm>>
    %dma_start3A_173 = tpu.memref_slice %arg3[%multiple_of3A_171, %multiple_of3A] : memref<1000x16384xf32, #tpu.memory_space<hbm>> -> memref<40x512xf32, #tpu.memory_space<hbm>>
    tpu.enqueue_dma source(%arg4 : memref<40x512xf32, #tpu.memory_space<vmem>>) target(%dma_start3A_173 : memref<40x512xf32, #tpu.memory_space<hbm>>) target_semaphore(%arg7 : memref<!tpu.dma_semaphore, #tpu.memory_space<semaphore_mem>>)
    %dma_wait3A_174 = tpu.memref_slice %arg3[%multiple_of3A_145, %multiple_of3A] : memref<1000x16384xf32, #tpu.memory_space<hbm>> -> memref<40x512xf32, #tpu.memory_space<hbm>>
    %dma_wait3A_175 = tpu.memref_slice %arg3[%multiple_of3A_145, %multiple_of3A] : memref<1000x16384xf32, #tpu.memory_space<hbm>> -> memref<40x512xf32, #tpu.memory_space<hbm>>
    tpu.wait_dma2 semaphore(%arg8 : memref<!tpu.dma_semaphore, #tpu.memory_space<semaphore_mem>>) src(%arg5 : memref<40x512xf32, #tpu.memory_space<vmem>>) dst(%dma_wait3A_175 : memref<40x512xf32, #tpu.memory_space<hbm>>)
    %iota3A_176 = tpu.iota {dimensions = array<i32: 0>} : vector<16xi32>
    %broadcast_in_dim3A_177 = arith.constant 1.000000e+00 : f32
    %broadcast_in_dim3A_178 = vector.broadcast %broadcast_in_dim3A_177 : f32 to vector<16xf32>
    %scan3A_179 = arith.constant 0 : i32
    %scan3A_180 = arith.constant 0 : i32
    %scan3A_181 = arith.constant 32 : i32
    %scan3A_182 = arith.addi %scan3A_180, %scan3A_181 : i32
    %scan3A_183 = arith.constant 1 : i32
    %scan3A_184 = scf.for %scan3A_646 = %scan3A_180 to %scan3A_182 step %scan3A_183 iter_args(%scan3A_647 = %scan3A_179) -> (i32)  : i32 {
      %mul3A_648 = arith.constant 16 : i32
      %mul3A_649 = arith.muli %scan3A_646, %mul3A_648 : i32
      %get3A = arith.index_cast %mul3A_649 : i32 to index
      %get3A_650 = tpu.vector_load %arg6[%get3A] {strides = array<i32>} : memref<512xi32, #tpu.memory_space<vmem>>, vector<16xi32>,
      %ge3A = arith.constant 200 : i32
      %ge3A_651 = vector.broadcast %ge3A : i32 to vector<16xi32>
      %ge3A_652 = arith.cmpi sge, %get3A_650, %ge3A_651 : vector<16xi32>
      %lt3A = arith.constant 240 : i32
      %lt3A_653 = vector.broadcast %lt3A : i32 to vector<16xi32>
      %lt3A_654 = arith.cmpi slt, %get3A_650, %lt3A_653 : vector<16xi32>
      %and3A = arith.andi %ge3A_652, %lt3A_654 : vector<16xi1>
      %sub3A = arith.constant 200 : i32
      %sub3A_655 = vector.broadcast %sub3A : i32 to vector<16xi32>
      %sub3A_656 = arith.subi %get3A_650, %sub3A_655 : vector<16xi32>
      %mul3A_657 = arith.constant 16 : i32
      %mul3A_658 = arith.muli %scan3A_646, %mul3A_657 : i32
      %add3A_659 = vector.broadcast %mul3A_658 : i32 to vector<16xi32>
      %add3A_660 = arith.addi %iota3A_176, %add3A_659 : vector<16xi32>
      tpu.vector_store_idx %arg5[%sub3A_656, %add3A_660], %broadcast_in_dim3A_178 masked %and3A : memref<40x512xf32, #tpu.memory_space<vmem>>[vector<16xi32>, vector<16xi32>], vector<16xf32>, vector<16xi1>
      %scan3A_661 = arith.constant 0 : i32
      scf.yield %scan3A_661 : i32
    }
    %scan3A_185 = arith.constant 32 : i32
    %iota3A_186 = tpu.iota {dimensions = array<i32: 0>} : vector<16xi32>
    %broadcast_in_dim3A_187 = arith.constant 1.001000e+03 : f32
    %broadcast_in_dim3A_188 = vector.broadcast %broadcast_in_dim3A_187 : f32 to vector<16xf32>
    %scan3A_189 = arith.constant 0 : i32
    %scan3A_190 = arith.constant 0 : i32
    %scan3A_191 = arith.constant 32 : i32
    %scan3A_192 = arith.addi %scan3A_190, %scan3A_191 : i32
    %scan3A_193 = arith.constant 1 : i32
    %scan3A_194 = scf.for %scan3A_646 = %scan3A_190 to %scan3A_192 step %scan3A_193 iter_args(%scan3A_647 = %scan3A_189) -> (i32)  : i32 {
      %mul3A_648 = arith.constant 16 : i32
      %mul3A_649 = arith.muli %scan3A_646, %mul3A_648 : i32
      %get3A = arith.index_cast %mul3A_649 : i32 to index
      %get3A_650 = tpu.vector_load %arg6[%get3A] {strides = array<i32>} : memref<512xi32, #tpu.memory_space<vmem>>, vector<16xi32>,
      %ge3A = arith.constant 280 : i32
      %ge3A_651 = vector.broadcast %ge3A : i32 to vector<16xi32>
      %ge3A_652 = arith.cmpi sge, %get3A_650, %ge3A_651 : vector<16xi32>
      %lt3A = arith.constant 320 : i32
      %lt3A_653 = vector.broadcast %lt3A : i32 to vector<16xi32>
      %lt3A_654 = arith.cmpi slt, %get3A_650, %lt3A_653 : vector<16xi32>
      %and3A = arith.andi %ge3A_652, %lt3A_654 : vector<16xi1>
      %sub3A = arith.constant 280 : i32
      %sub3A_655 = vector.broadcast %sub3A : i32 to vector<16xi32>
      %sub3A_656 = arith.subi %get3A_650, %sub3A_655 : vector<16xi32>
      %mul3A_657 = arith.constant 16 : i32
      %mul3A_658 = arith.muli %scan3A_646, %mul3A_657 : i32
      %add3A_659 = vector.broadcast %mul3A_658 : i32 to vector<16xi32>
      %add3A_660 = arith.addi %iota3A_186, %add3A_659 : vector<16xi32>
      tpu.vector_store_idx %arg5[%sub3A_656, %add3A_660], %broadcast_in_dim3A_188 masked %and3A : memref<40x512xf32, #tpu.memory_space<vmem>>[vector<16xi32>, vector<16xi32>], vector<16xf32>, vector<16xi1>
      %scan3A_661 = arith.constant 0 : i32
      scf.yield %scan3A_661 : i32
    }
    %scan3A_195 = arith.constant 32 : i32
    %multiple_of3A_196 = arith.constant 280 : i32
    %multiple_of3A_197 = tpu.assume_multiple %multiple_of3A_196, 8 : i32
    %dma_start3A_198 = tpu.memref_slice %arg3[%multiple_of3A_197, %multiple_of3A] : memref<1000x16384xf32, #tpu.memory_space<hbm>> -> memref<40x512xf32, #tpu.memory_space<hbm>>
    %dma_start3A_199 = tpu.memref_slice %arg3[%multiple_of3A_197, %multiple_of3A] : memref<1000x16384xf32, #tpu.memory_space<hbm>> -> memref<40x512xf32, #tpu.memory_space<hbm>>
    tpu.enqueue_dma source(%arg5 : memref<40x512xf32, #tpu.memory_space<vmem>>) target(%dma_start3A_199 : memref<40x512xf32, #tpu.memory_space<hbm>>) target_semaphore(%arg8 : memref<!tpu.dma_semaphore, #tpu.memory_space<semaphore_mem>>)
    %dma_wait3A_200 = tpu.memref_slice %arg3[%multiple_of3A_171, %multiple_of3A] : memref<1000x16384xf32, #tpu.memory_space<hbm>> -> memref<40x512xf32, #tpu.memory_space<hbm>>
    %dma_wait3A_201 = tpu.memref_slice %arg3[%multiple_of3A_171, %multiple_of3A] : memref<1000x16384xf32, #tpu.memory_space<hbm>> -> memref<40x512xf32, #tpu.memory_space<hbm>>
    tpu.wait_dma2 semaphore(%arg7 : memref<!tpu.dma_semaphore, #tpu.memory_space<semaphore_mem>>) src(%arg4 : memref<40x512xf32, #tpu.memory_space<vmem>>) dst(%dma_wait3A_201 : memref<40x512xf32, #tpu.memory_space<hbm>>)
    %iota3A_202 = tpu.iota {dimensions = array<i32: 0>} : vector<16xi32>
    %broadcast_in_dim3A_203 = arith.constant 1.000000e+00 : f32
    %broadcast_in_dim3A_204 = vector.broadcast %broadcast_in_dim3A_203 : f32 to vector<16xf32>
    %scan3A_205 = arith.constant 0 : i32
    %scan3A_206 = arith.constant 0 : i32
    %scan3A_207 = arith.constant 32 : i32
    %scan3A_208 = arith.addi %scan3A_206, %scan3A_207 : i32
    %scan3A_209 = arith.constant 1 : i32
    %scan3A_210 = scf.for %scan3A_646 = %scan3A_206 to %scan3A_208 step %scan3A_209 iter_args(%scan3A_647 = %scan3A_205) -> (i32)  : i32 {
      %mul3A_648 = arith.constant 16 : i32
      %mul3A_649 = arith.muli %scan3A_646, %mul3A_648 : i32
      %get3A = arith.index_cast %mul3A_649 : i32 to index
      %get3A_650 = tpu.vector_load %arg6[%get3A] {strides = array<i32>} : memref<512xi32, #tpu.memory_space<vmem>>, vector<16xi32>,
      %ge3A = arith.constant 240 : i32
      %ge3A_651 = vector.broadcast %ge3A : i32 to vector<16xi32>
      %ge3A_652 = arith.cmpi sge, %get3A_650, %ge3A_651 : vector<16xi32>
      %lt3A = arith.constant 280 : i32
      %lt3A_653 = vector.broadcast %lt3A : i32 to vector<16xi32>
      %lt3A_654 = arith.cmpi slt, %get3A_650, %lt3A_653 : vector<16xi32>
      %and3A = arith.andi %ge3A_652, %lt3A_654 : vector<16xi1>
      %sub3A = arith.constant 240 : i32
      %sub3A_655 = vector.broadcast %sub3A : i32 to vector<16xi32>
      %sub3A_656 = arith.subi %get3A_650, %sub3A_655 : vector<16xi32>
      %mul3A_657 = arith.constant 16 : i32
      %mul3A_658 = arith.muli %scan3A_646, %mul3A_657 : i32
      %add3A_659 = vector.broadcast %mul3A_658 : i32 to vector<16xi32>
      %add3A_660 = arith.addi %iota3A_202, %add3A_659 : vector<16xi32>
      tpu.vector_store_idx %arg4[%sub3A_656, %add3A_660], %broadcast_in_dim3A_204 masked %and3A : memref<40x512xf32, #tpu.memory_space<vmem>>[vector<16xi32>, vector<16xi32>], vector<16xf32>, vector<16xi1>
      %scan3A_661 = arith.constant 0 : i32
      scf.yield %scan3A_661 : i32
    }
    %scan3A_211 = arith.constant 32 : i32
    %iota3A_212 = tpu.iota {dimensions = array<i32: 0>} : vector<16xi32>
    %broadcast_in_dim3A_213 = arith.constant 1.001000e+03 : f32
    %broadcast_in_dim3A_214 = vector.broadcast %broadcast_in_dim3A_213 : f32 to vector<16xf32>
    %scan3A_215 = arith.constant 0 : i32
    %scan3A_216 = arith.constant 0 : i32
    %scan3A_217 = arith.constant 32 : i32
    %scan3A_218 = arith.addi %scan3A_216, %scan3A_217 : i32
    %scan3A_219 = arith.constant 1 : i32
    %scan3A_220 = scf.for %scan3A_646 = %scan3A_216 to %scan3A_218 step %scan3A_219 iter_args(%scan3A_647 = %scan3A_215) -> (i32)  : i32 {
      %mul3A_648 = arith.constant 16 : i32
      %mul3A_649 = arith.muli %scan3A_646, %mul3A_648 : i32
      %get3A = arith.index_cast %mul3A_649 : i32 to index
      %get3A_650 = tpu.vector_load %arg6[%get3A] {strides = array<i32>} : memref<512xi32, #tpu.memory_space<vmem>>, vector<16xi32>,
      %ge3A = arith.constant 320 : i32
      %ge3A_651 = vector.broadcast %ge3A : i32 to vector<16xi32>
      %ge3A_652 = arith.cmpi sge, %get3A_650, %ge3A_651 : vector<16xi32>
      %lt3A = arith.constant 360 : i32
      %lt3A_653 = vector.broadcast %lt3A : i32 to vector<16xi32>
      %lt3A_654 = arith.cmpi slt, %get3A_650, %lt3A_653 : vector<16xi32>
      %and3A = arith.andi %ge3A_652, %lt3A_654 : vector<16xi1>
      %sub3A = arith.constant 320 : i32
      %sub3A_655 = vector.broadcast %sub3A : i32 to vector<16xi32>
      %sub3A_656 = arith.subi %get3A_650, %sub3A_655 : vector<16xi32>
      %mul3A_657 = arith.constant 16 : i32
      %mul3A_658 = arith.muli %scan3A_646, %mul3A_657 : i32
      %add3A_659 = vector.broadcast %mul3A_658 : i32 to vector<16xi32>
      %add3A_660 = arith.addi %iota3A_212, %add3A_659 : vector<16xi32>
      tpu.vector_store_idx %arg4[%sub3A_656, %add3A_660], %broadcast_in_dim3A_214 masked %and3A : memref<40x512xf32, #tpu.memory_space<vmem>>[vector<16xi32>, vector<16xi32>], vector<16xf32>, vector<16xi1>
      %scan3A_661 = arith.constant 0 : i32
      scf.yield %scan3A_661 : i32
    }
    %scan3A_221 = arith.constant 32 : i32
    %multiple_of3A_222 = arith.constant 320 : i32
    %multiple_of3A_223 = tpu.assume_multiple %multiple_of3A_222, 8 : i32
    %dma_start3A_224 = tpu.memref_slice %arg3[%multiple_of3A_223, %multiple_of3A] : memref<1000x16384xf32, #tpu.memory_space<hbm>> -> memref<40x512xf32, #tpu.memory_space<hbm>>
    %dma_start3A_225 = tpu.memref_slice %arg3[%multiple_of3A_223, %multiple_of3A] : memref<1000x16384xf32, #tpu.memory_space<hbm>> -> memref<40x512xf32, #tpu.memory_space<hbm>>
    tpu.enqueue_dma source(%arg4 : memref<40x512xf32, #tpu.memory_space<vmem>>) target(%dma_start3A_225 : memref<40x512xf32, #tpu.memory_space<hbm>>) target_semaphore(%arg7 : memref<!tpu.dma_semaphore, #tpu.memory_space<semaphore_mem>>)
    %dma_wait3A_226 = tpu.memref_slice %arg3[%multiple_of3A_197, %multiple_of3A] : memref<1000x16384xf32, #tpu.memory_space<hbm>> -> memref<40x512xf32, #tpu.memory_space<hbm>>
    %dma_wait3A_227 = tpu.memref_slice %arg3[%multiple_of3A_197, %multiple_of3A] : memref<1000x16384xf32, #tpu.memory_space<hbm>> -> memref<40x512xf32, #tpu.memory_space<hbm>>
    tpu.wait_dma2 semaphore(%arg8 : memref<!tpu.dma_semaphore, #tpu.memory_space<semaphore_mem>>) src(%arg5 : memref<40x512xf32, #tpu.memory_space<vmem>>) dst(%dma_wait3A_227 : memref<40x512xf32, #tpu.memory_space<hbm>>)
    %iota3A_228 = tpu.iota {dimensions = array<i32: 0>} : vector<16xi32>
    %broadcast_in_dim3A_229 = arith.constant 1.000000e+00 : f32
    %broadcast_in_dim3A_230 = vector.broadcast %broadcast_in_dim3A_229 : f32 to vector<16xf32>
    %scan3A_231 = arith.constant 0 : i32
    %scan3A_232 = arith.constant 0 : i32
    %scan3A_233 = arith.constant 32 : i32
    %scan3A_234 = arith.addi %scan3A_232, %scan3A_233 : i32
    %scan3A_235 = arith.constant 1 : i32
    %scan3A_236 = scf.for %scan3A_646 = %scan3A_232 to %scan3A_234 step %scan3A_235 iter_args(%scan3A_647 = %scan3A_231) -> (i32)  : i32 {
      %mul3A_648 = arith.constant 16 : i32
      %mul3A_649 = arith.muli %scan3A_646, %mul3A_648 : i32
      %get3A = arith.index_cast %mul3A_649 : i32 to index
      %get3A_650 = tpu.vector_load %arg6[%get3A] {strides = array<i32>} : memref<512xi32, #tpu.memory_space<vmem>>, vector<16xi32>,
      %ge3A = arith.constant 280 : i32
      %ge3A_651 = vector.broadcast %ge3A : i32 to vector<16xi32>
      %ge3A_652 = arith.cmpi sge, %get3A_650, %ge3A_651 : vector<16xi32>
      %lt3A = arith.constant 320 : i32
      %lt3A_653 = vector.broadcast %lt3A : i32 to vector<16xi32>
      %lt3A_654 = arith.cmpi slt, %get3A_650, %lt3A_653 : vector<16xi32>
      %and3A = arith.andi %ge3A_652, %lt3A_654 : vector<16xi1>
      %sub3A = arith.constant 280 : i32
      %sub3A_655 = vector.broadcast %sub3A : i32 to vector<16xi32>
      %sub3A_656 = arith.subi %get3A_650, %sub3A_655 : vector<16xi32>
      %mul3A_657 = arith.constant 16 : i32
      %mul3A_658 = arith.muli %scan3A_646, %mul3A_657 : i32
      %add3A_659 = vector.broadcast %mul3A_658 : i32 to vector<16xi32>
      %add3A_660 = arith.addi %iota3A_228, %add3A_659 : vector<16xi32>
      tpu.vector_store_idx %arg5[%sub3A_656, %add3A_660], %broadcast_in_dim3A_230 masked %and3A : memref<40x512xf32, #tpu.memory_space<vmem>>[vector<16xi32>, vector<16xi32>], vector<16xf32>, vector<16xi1>
      %scan3A_661 = arith.constant 0 : i32
      scf.yield %scan3A_661 : i32
    }
    %scan3A_237 = arith.constant 32 : i32
    %iota3A_238 = tpu.iota {dimensions = array<i32: 0>} : vector<16xi32>
    %broadcast_in_dim3A_239 = arith.constant 1.001000e+03 : f32
    %broadcast_in_dim3A_240 = vector.broadcast %broadcast_in_dim3A_239 : f32 to vector<16xf32>
    %scan3A_241 = arith.constant 0 : i32
    %scan3A_242 = arith.constant 0 : i32
    %scan3A_243 = arith.constant 32 : i32
    %scan3A_244 = arith.addi %scan3A_242, %scan3A_243 : i32
    %scan3A_245 = arith.constant 1 : i32
    %scan3A_246 = scf.for %scan3A_646 = %scan3A_242 to %scan3A_244 step %scan3A_245 iter_args(%scan3A_647 = %scan3A_241) -> (i32)  : i32 {
      %mul3A_648 = arith.constant 16 : i32
      %mul3A_649 = arith.muli %scan3A_646, %mul3A_648 : i32
      %get3A = arith.index_cast %mul3A_649 : i32 to index
      %get3A_650 = tpu.vector_load %arg6[%get3A] {strides = array<i32>} : memref<512xi32, #tpu.memory_space<vmem>>, vector<16xi32>,
      %ge3A = arith.constant 360 : i32
      %ge3A_651 = vector.broadcast %ge3A : i32 to vector<16xi32>
      %ge3A_652 = arith.cmpi sge, %get3A_650, %ge3A_651 : vector<16xi32>
      %lt3A = arith.constant 400 : i32
      %lt3A_653 = vector.broadcast %lt3A : i32 to vector<16xi32>
      %lt3A_654 = arith.cmpi slt, %get3A_650, %lt3A_653 : vector<16xi32>
      %and3A = arith.andi %ge3A_652, %lt3A_654 : vector<16xi1>
      %sub3A = arith.constant 360 : i32
      %sub3A_655 = vector.broadcast %sub3A : i32 to vector<16xi32>
      %sub3A_656 = arith.subi %get3A_650, %sub3A_655 : vector<16xi32>
      %mul3A_657 = arith.constant 16 : i32
      %mul3A_658 = arith.muli %scan3A_646, %mul3A_657 : i32
      %add3A_659 = vector.broadcast %mul3A_658 : i32 to vector<16xi32>
      %add3A_660 = arith.addi %iota3A_238, %add3A_659 : vector<16xi32>
      tpu.vector_store_idx %arg5[%sub3A_656, %add3A_660], %broadcast_in_dim3A_240 masked %and3A : memref<40x512xf32, #tpu.memory_space<vmem>>[vector<16xi32>, vector<16xi32>], vector<16xf32>, vector<16xi1>
      %scan3A_661 = arith.constant 0 : i32
      scf.yield %scan3A_661 : i32
    }
    %scan3A_247 = arith.constant 32 : i32
    %multiple_of3A_248 = arith.constant 360 : i32
    %multiple_of3A_249 = tpu.assume_multiple %multiple_of3A_248, 8 : i32
    %dma_start3A_250 = tpu.memref_slice %arg3[%multiple_of3A_249, %multiple_of3A] : memref<1000x16384xf32, #tpu.memory_space<hbm>> -> memref<40x512xf32, #tpu.memory_space<hbm>>
    %dma_start3A_251 = tpu.memref_slice %arg3[%multiple_of3A_249, %multiple_of3A] : memref<1000x16384xf32, #tpu.memory_space<hbm>> -> memref<40x512xf32, #tpu.memory_space<hbm>>
    tpu.enqueue_dma source(%arg5 : memref<40x512xf32, #tpu.memory_space<vmem>>) target(%dma_start3A_251 : memref<40x512xf32, #tpu.memory_space<hbm>>) target_semaphore(%arg8 : memref<!tpu.dma_semaphore, #tpu.memory_space<semaphore_mem>>)
    %dma_wait3A_252 = tpu.memref_slice %arg3[%multiple_of3A_223, %multiple_of3A] : memref<1000x16384xf32, #tpu.memory_space<hbm>> -> memref<40x512xf32, #tpu.memory_space<hbm>>
    %dma_wait3A_253 = tpu.memref_slice %arg3[%multiple_of3A_223, %multiple_of3A] : memref<1000x16384xf32, #tpu.memory_space<hbm>> -> memref<40x512xf32, #tpu.memory_space<hbm>>
    tpu.wait_dma2 semaphore(%arg7 : memref<!tpu.dma_semaphore, #tpu.memory_space<semaphore_mem>>) src(%arg4 : memref<40x512xf32, #tpu.memory_space<vmem>>) dst(%dma_wait3A_253 : memref<40x512xf32, #tpu.memory_space<hbm>>)
    %iota3A_254 = tpu.iota {dimensions = array<i32: 0>} : vector<16xi32>
    %broadcast_in_dim3A_255 = arith.constant 1.000000e+00 : f32
    %broadcast_in_dim3A_256 = vector.broadcast %broadcast_in_dim3A_255 : f32 to vector<16xf32>
    %scan3A_257 = arith.constant 0 : i32
    %scan3A_258 = arith.constant 0 : i32
    %scan3A_259 = arith.constant 32 : i32
    %scan3A_260 = arith.addi %scan3A_258, %scan3A_259 : i32
    %scan3A_261 = arith.constant 1 : i32
    %scan3A_262 = scf.for %scan3A_646 = %scan3A_258 to %scan3A_260 step %scan3A_261 iter_args(%scan3A_647 = %scan3A_257) -> (i32)  : i32 {
      %mul3A_648 = arith.constant 16 : i32
      %mul3A_649 = arith.muli %scan3A_646, %mul3A_648 : i32
      %get3A = arith.index_cast %mul3A_649 : i32 to index
      %get3A_650 = tpu.vector_load %arg6[%get3A] {strides = array<i32>} : memref<512xi32, #tpu.memory_space<vmem>>, vector<16xi32>,
      %ge3A = arith.constant 320 : i32
      %ge3A_651 = vector.broadcast %ge3A : i32 to vector<16xi32>
      %ge3A_652 = arith.cmpi sge, %get3A_650, %ge3A_651 : vector<16xi32>
      %lt3A = arith.constant 360 : i32
      %lt3A_653 = vector.broadcast %lt3A : i32 to vector<16xi32>
      %lt3A_654 = arith.cmpi slt, %get3A_650, %lt3A_653 : vector<16xi32>
      %and3A = arith.andi %ge3A_652, %lt3A_654 : vector<16xi1>
      %sub3A = arith.constant 320 : i32
      %sub3A_655 = vector.broadcast %sub3A : i32 to vector<16xi32>
      %sub3A_656 = arith.subi %get3A_650, %sub3A_655 : vector<16xi32>
      %mul3A_657 = arith.constant 16 : i32
      %mul3A_658 = arith.muli %scan3A_646, %mul3A_657 : i32
      %add3A_659 = vector.broadcast %mul3A_658 : i32 to vector<16xi32>
      %add3A_660 = arith.addi %iota3A_254, %add3A_659 : vector<16xi32>
      tpu.vector_store_idx %arg4[%sub3A_656, %add3A_660], %broadcast_in_dim3A_256 masked %and3A : memref<40x512xf32, #tpu.memory_space<vmem>>[vector<16xi32>, vector<16xi32>], vector<16xf32>, vector<16xi1>
      %scan3A_661 = arith.constant 0 : i32
      scf.yield %scan3A_661 : i32
    }
    %scan3A_263 = arith.constant 32 : i32
    %iota3A_264 = tpu.iota {dimensions = array<i32: 0>} : vector<16xi32>
    %broadcast_in_dim3A_265 = arith.constant 1.001000e+03 : f32
    %broadcast_in_dim3A_266 = vector.broadcast %broadcast_in_dim3A_265 : f32 to vector<16xf32>
    %scan3A_267 = arith.constant 0 : i32
    %scan3A_268 = arith.constant 0 : i32
    %scan3A_269 = arith.constant 32 : i32
    %scan3A_270 = arith.addi %scan3A_268, %scan3A_269 : i32
    %scan3A_271 = arith.constant 1 : i32
    %scan3A_272 = scf.for %scan3A_646 = %scan3A_268 to %scan3A_270 step %scan3A_271 iter_args(%scan3A_647 = %scan3A_267) -> (i32)  : i32 {
      %mul3A_648 = arith.constant 16 : i32
      %mul3A_649 = arith.muli %scan3A_646, %mul3A_648 : i32
      %get3A = arith.index_cast %mul3A_649 : i32 to index
      %get3A_650 = tpu.vector_load %arg6[%get3A] {strides = array<i32>} : memref<512xi32, #tpu.memory_space<vmem>>, vector<16xi32>,
      %ge3A = arith.constant 400 : i32
      %ge3A_651 = vector.broadcast %ge3A : i32 to vector<16xi32>
      %ge3A_652 = arith.cmpi sge, %get3A_650, %ge3A_651 : vector<16xi32>
      %lt3A = arith.constant 440 : i32
      %lt3A_653 = vector.broadcast %lt3A : i32 to vector<16xi32>
      %lt3A_654 = arith.cmpi slt, %get3A_650, %lt3A_653 : vector<16xi32>
      %and3A = arith.andi %ge3A_652, %lt3A_654 : vector<16xi1>
      %sub3A = arith.constant 400 : i32
      %sub3A_655 = vector.broadcast %sub3A : i32 to vector<16xi32>
      %sub3A_656 = arith.subi %get3A_650, %sub3A_655 : vector<16xi32>
      %mul3A_657 = arith.constant 16 : i32
      %mul3A_658 = arith.muli %scan3A_646, %mul3A_657 : i32
      %add3A_659 = vector.broadcast %mul3A_658 : i32 to vector<16xi32>
      %add3A_660 = arith.addi %iota3A_264, %add3A_659 : vector<16xi32>
      tpu.vector_store_idx %arg4[%sub3A_656, %add3A_660], %broadcast_in_dim3A_266 masked %and3A : memref<40x512xf32, #tpu.memory_space<vmem>>[vector<16xi32>, vector<16xi32>], vector<16xf32>, vector<16xi1>
      %scan3A_661 = arith.constant 0 : i32
      scf.yield %scan3A_661 : i32
    }
    %scan3A_273 = arith.constant 32 : i32
    %multiple_of3A_274 = arith.constant 400 : i32
    %multiple_of3A_275 = tpu.assume_multiple %multiple_of3A_274, 8 : i32
    %dma_start3A_276 = tpu.memref_slice %arg3[%multiple_of3A_275, %multiple_of3A] : memref<1000x16384xf32, #tpu.memory_space<hbm>> -> memref<40x512xf32, #tpu.memory_space<hbm>>
    %dma_start3A_277 = tpu.memref_slice %arg3[%multiple_of3A_275, %multiple_of3A] : memref<1000x16384xf32, #tpu.memory_space<hbm>> -> memref<40x512xf32, #tpu.memory_space<hbm>>
    tpu.enqueue_dma source(%arg4 : memref<40x512xf32, #tpu.memory_space<vmem>>) target(%dma_start3A_277 : memref<40x512xf32, #tpu.memory_space<hbm>>) target_semaphore(%arg7 : memref<!tpu.dma_semaphore, #tpu.memory_space<semaphore_mem>>)
    %dma_wait3A_278 = tpu.memref_slice %arg3[%multiple_of3A_249, %multiple_of3A] : memref<1000x16384xf32, #tpu.memory_space<hbm>> -> memref<40x512xf32, #tpu.memory_space<hbm>>
    %dma_wait3A_279 = tpu.memref_slice %arg3[%multiple_of3A_249, %multiple_of3A] : memref<1000x16384xf32, #tpu.memory_space<hbm>> -> memref<40x512xf32, #tpu.memory_space<hbm>>
    tpu.wait_dma2 semaphore(%arg8 : memref<!tpu.dma_semaphore, #tpu.memory_space<semaphore_mem>>) src(%arg5 : memref<40x512xf32, #tpu.memory_space<vmem>>) dst(%dma_wait3A_279 : memref<40x512xf32, #tpu.memory_space<hbm>>)
    %iota3A_280 = tpu.iota {dimensions = array<i32: 0>} : vector<16xi32>
    %broadcast_in_dim3A_281 = arith.constant 1.000000e+00 : f32
    %broadcast_in_dim3A_282 = vector.broadcast %broadcast_in_dim3A_281 : f32 to vector<16xf32>
    %scan3A_283 = arith.constant 0 : i32
    %scan3A_284 = arith.constant 0 : i32
    %scan3A_285 = arith.constant 32 : i32
    %scan3A_286 = arith.addi %scan3A_284, %scan3A_285 : i32
    %scan3A_287 = arith.constant 1 : i32
    %scan3A_288 = scf.for %scan3A_646 = %scan3A_284 to %scan3A_286 step %scan3A_287 iter_args(%scan3A_647 = %scan3A_283) -> (i32)  : i32 {
      %mul3A_648 = arith.constant 16 : i32
      %mul3A_649 = arith.muli %scan3A_646, %mul3A_648 : i32
      %get3A = arith.index_cast %mul3A_649 : i32 to index
      %get3A_650 = tpu.vector_load %arg6[%get3A] {strides = array<i32>} : memref<512xi32, #tpu.memory_space<vmem>>, vector<16xi32>,
      %ge3A = arith.constant 360 : i32
      %ge3A_651 = vector.broadcast %ge3A : i32 to vector<16xi32>
      %ge3A_652 = arith.cmpi sge, %get3A_650, %ge3A_651 : vector<16xi32>
      %lt3A = arith.constant 400 : i32
      %lt3A_653 = vector.broadcast %lt3A : i32 to vector<16xi32>
      %lt3A_654 = arith.cmpi slt, %get3A_650, %lt3A_653 : vector<16xi32>
      %and3A = arith.andi %ge3A_652, %lt3A_654 : vector<16xi1>
      %sub3A = arith.constant 360 : i32
      %sub3A_655 = vector.broadcast %sub3A : i32 to vector<16xi32>
      %sub3A_656 = arith.subi %get3A_650, %sub3A_655 : vector<16xi32>
      %mul3A_657 = arith.constant 16 : i32
      %mul3A_658 = arith.muli %scan3A_646, %mul3A_657 : i32
      %add3A_659 = vector.broadcast %mul3A_658 : i32 to vector<16xi32>
      %add3A_660 = arith.addi %iota3A_280, %add3A_659 : vector<16xi32>
      tpu.vector_store_idx %arg5[%sub3A_656, %add3A_660], %broadcast_in_dim3A_282 masked %and3A : memref<40x512xf32, #tpu.memory_space<vmem>>[vector<16xi32>, vector<16xi32>], vector<16xf32>, vector<16xi1>
      %scan3A_661 = arith.constant 0 : i32
      scf.yield %scan3A_661 : i32
    }
    %scan3A_289 = arith.constant 32 : i32
    %iota3A_290 = tpu.iota {dimensions = array<i32: 0>} : vector<16xi32>
    %broadcast_in_dim3A_291 = arith.constant 1.001000e+03 : f32
    %broadcast_in_dim3A_292 = vector.broadcast %broadcast_in_dim3A_291 : f32 to vector<16xf32>
    %scan3A_293 = arith.constant 0 : i32
    %scan3A_294 = arith.constant 0 : i32
    %scan3A_295 = arith.constant 32 : i32
    %scan3A_296 = arith.addi %scan3A_294, %scan3A_295 : i32
    %scan3A_297 = arith.constant 1 : i32
    %scan3A_298 = scf.for %scan3A_646 = %scan3A_294 to %scan3A_296 step %scan3A_297 iter_args(%scan3A_647 = %scan3A_293) -> (i32)  : i32 {
      %mul3A_648 = arith.constant 16 : i32
      %mul3A_649 = arith.muli %scan3A_646, %mul3A_648 : i32
      %get3A = arith.index_cast %mul3A_649 : i32 to index
      %get3A_650 = tpu.vector_load %arg6[%get3A] {strides = array<i32>} : memref<512xi32, #tpu.memory_space<vmem>>, vector<16xi32>,
      %ge3A = arith.constant 440 : i32
      %ge3A_651 = vector.broadcast %ge3A : i32 to vector<16xi32>
      %ge3A_652 = arith.cmpi sge, %get3A_650, %ge3A_651 : vector<16xi32>
      %lt3A = arith.constant 480 : i32
      %lt3A_653 = vector.broadcast %lt3A : i32 to vector<16xi32>
      %lt3A_654 = arith.cmpi slt, %get3A_650, %lt3A_653 : vector<16xi32>
      %and3A = arith.andi %ge3A_652, %lt3A_654 : vector<16xi1>
      %sub3A = arith.constant 440 : i32
      %sub3A_655 = vector.broadcast %sub3A : i32 to vector<16xi32>
      %sub3A_656 = arith.subi %get3A_650, %sub3A_655 : vector<16xi32>
      %mul3A_657 = arith.constant 16 : i32
      %mul3A_658 = arith.muli %scan3A_646, %mul3A_657 : i32
      %add3A_659 = vector.broadcast %mul3A_658 : i32 to vector<16xi32>
      %add3A_660 = arith.addi %iota3A_290, %add3A_659 : vector<16xi32>
      tpu.vector_store_idx %arg5[%sub3A_656, %add3A_660], %broadcast_in_dim3A_292 masked %and3A : memref<40x512xf32, #tpu.memory_space<vmem>>[vector<16xi32>, vector<16xi32>], vector<16xf32>, vector<16xi1>
      %scan3A_661 = arith.constant 0 : i32
      scf.yield %scan3A_661 : i32
    }
    %scan3A_299 = arith.constant 32 : i32
    %multiple_of3A_300 = arith.constant 440 : i32
    %multiple_of3A_301 = tpu.assume_multiple %multiple_of3A_300, 8 : i32
    %dma_start3A_302 = tpu.memref_slice %arg3[%multiple_of3A_301, %multiple_of3A] : memref<1000x16384xf32, #tpu.memory_space<hbm>> -> memref<40x512xf32, #tpu.memory_space<hbm>>
    %dma_start3A_303 = tpu.memref_slice %arg3[%multiple_of3A_301, %multiple_of3A] : memref<1000x16384xf32, #tpu.memory_space<hbm>> -> memref<40x512xf32, #tpu.memory_space<hbm>>
    tpu.enqueue_dma source(%arg5 : memref<40x512xf32, #tpu.memory_space<vmem>>) target(%dma_start3A_303 : memref<40x512xf32, #tpu.memory_space<hbm>>) target_semaphore(%arg8 : memref<!tpu.dma_semaphore, #tpu.memory_space<semaphore_mem>>)
    %dma_wait3A_304 = tpu.memref_slice %arg3[%multiple_of3A_275, %multiple_of3A] : memref<1000x16384xf32, #tpu.memory_space<hbm>> -> memref<40x512xf32, #tpu.memory_space<hbm>>
    %dma_wait3A_305 = tpu.memref_slice %arg3[%multiple_of3A_275, %multiple_of3A] : memref<1000x16384xf32, #tpu.memory_space<hbm>> -> memref<40x512xf32, #tpu.memory_space<hbm>>
    tpu.wait_dma2 semaphore(%arg7 : memref<!tpu.dma_semaphore, #tpu.memory_space<semaphore_mem>>) src(%arg4 : memref<40x512xf32, #tpu.memory_space<vmem>>) dst(%dma_wait3A_305 : memref<40x512xf32, #tpu.memory_space<hbm>>)
    %iota3A_306 = tpu.iota {dimensions = array<i32: 0>} : vector<16xi32>
    %broadcast_in_dim3A_307 = arith.constant 1.000000e+00 : f32
    %broadcast_in_dim3A_308 = vector.broadcast %broadcast_in_dim3A_307 : f32 to vector<16xf32>
    %scan3A_309 = arith.constant 0 : i32
    %scan3A_310 = arith.constant 0 : i32
    %scan3A_311 = arith.constant 32 : i32
    %scan3A_312 = arith.addi %scan3A_310, %scan3A_311 : i32
    %scan3A_313 = arith.constant 1 : i32
    %scan3A_314 = scf.for %scan3A_646 = %scan3A_310 to %scan3A_312 step %scan3A_313 iter_args(%scan3A_647 = %scan3A_309) -> (i32)  : i32 {
      %mul3A_648 = arith.constant 16 : i32
      %mul3A_649 = arith.muli %scan3A_646, %mul3A_648 : i32
      %get3A = arith.index_cast %mul3A_649 : i32 to index
      %get3A_650 = tpu.vector_load %arg6[%get3A] {strides = array<i32>} : memref<512xi32, #tpu.memory_space<vmem>>, vector<16xi32>,
      %ge3A = arith.constant 400 : i32
      %ge3A_651 = vector.broadcast %ge3A : i32 to vector<16xi32>
      %ge3A_652 = arith.cmpi sge, %get3A_650, %ge3A_651 : vector<16xi32>
      %lt3A = arith.constant 440 : i32
      %lt3A_653 = vector.broadcast %lt3A : i32 to vector<16xi32>
      %lt3A_654 = arith.cmpi slt, %get3A_650, %lt3A_653 : vector<16xi32>
      %and3A = arith.andi %ge3A_652, %lt3A_654 : vector<16xi1>
      %sub3A = arith.constant 400 : i32
      %sub3A_655 = vector.broadcast %sub3A : i32 to vector<16xi32>
      %sub3A_656 = arith.subi %get3A_650, %sub3A_655 : vector<16xi32>
      %mul3A_657 = arith.constant 16 : i32
      %mul3A_658 = arith.muli %scan3A_646, %mul3A_657 : i32
      %add3A_659 = vector.broadcast %mul3A_658 : i32 to vector<16xi32>
      %add3A_660 = arith.addi %iota3A_306, %add3A_659 : vector<16xi32>
      tpu.vector_store_idx %arg4[%sub3A_656, %add3A_660], %broadcast_in_dim3A_308 masked %and3A : memref<40x512xf32, #tpu.memory_space<vmem>>[vector<16xi32>, vector<16xi32>], vector<16xf32>, vector<16xi1>
      %scan3A_661 = arith.constant 0 : i32
      scf.yield %scan3A_661 : i32
    }
    %scan3A_315 = arith.constant 32 : i32
    %iota3A_316 = tpu.iota {dimensions = array<i32: 0>} : vector<16xi32>
    %broadcast_in_dim3A_317 = arith.constant 1.001000e+03 : f32
    %broadcast_in_dim3A_318 = vector.broadcast %broadcast_in_dim3A_317 : f32 to vector<16xf32>
    %scan3A_319 = arith.constant 0 : i32
    %scan3A_320 = arith.constant 0 : i32
    %scan3A_321 = arith.constant 32 : i32
    %scan3A_322 = arith.addi %scan3A_320, %scan3A_321 : i32
    %scan3A_323 = arith.constant 1 : i32
    %scan3A_324 = scf.for %scan3A_646 = %scan3A_320 to %scan3A_322 step %scan3A_323 iter_args(%scan3A_647 = %scan3A_319) -> (i32)  : i32 {
      %mul3A_648 = arith.constant 16 : i32
      %mul3A_649 = arith.muli %scan3A_646, %mul3A_648 : i32
      %get3A = arith.index_cast %mul3A_649 : i32 to index
      %get3A_650 = tpu.vector_load %arg6[%get3A] {strides = array<i32>} : memref<512xi32, #tpu.memory_space<vmem>>, vector<16xi32>,
      %ge3A = arith.constant 480 : i32
      %ge3A_651 = vector.broadcast %ge3A : i32 to vector<16xi32>
      %ge3A_652 = arith.cmpi sge, %get3A_650, %ge3A_651 : vector<16xi32>
      %lt3A = arith.constant 520 : i32
      %lt3A_653 = vector.broadcast %lt3A : i32 to vector<16xi32>
      %lt3A_654 = arith.cmpi slt, %get3A_650, %lt3A_653 : vector<16xi32>
      %and3A = arith.andi %ge3A_652, %lt3A_654 : vector<16xi1>
      %sub3A = arith.constant 480 : i32
      %sub3A_655 = vector.broadcast %sub3A : i32 to vector<16xi32>
      %sub3A_656 = arith.subi %get3A_650, %sub3A_655 : vector<16xi32>
      %mul3A_657 = arith.constant 16 : i32
      %mul3A_658 = arith.muli %scan3A_646, %mul3A_657 : i32
      %add3A_659 = vector.broadcast %mul3A_658 : i32 to vector<16xi32>
      %add3A_660 = arith.addi %iota3A_316, %add3A_659 : vector<16xi32>
      tpu.vector_store_idx %arg4[%sub3A_656, %add3A_660], %broadcast_in_dim3A_318 masked %and3A : memref<40x512xf32, #tpu.memory_space<vmem>>[vector<16xi32>, vector<16xi32>], vector<16xf32>, vector<16xi1>
      %scan3A_661 = arith.constant 0 : i32
      scf.yield %scan3A_661 : i32
    }
    %scan3A_325 = arith.constant 32 : i32
    %multiple_of3A_326 = arith.constant 480 : i32
    %multiple_of3A_327 = tpu.assume_multiple %multiple_of3A_326, 8 : i32
    %dma_start3A_328 = tpu.memref_slice %arg3[%multiple_of3A_327, %multiple_of3A] : memref<1000x16384xf32, #tpu.memory_space<hbm>> -> memref<40x512xf32, #tpu.memory_space<hbm>>
    %dma_start3A_329 = tpu.memref_slice %arg3[%multiple_of3A_327, %multiple_of3A] : memref<1000x16384xf32, #tpu.memory_space<hbm>> -> memref<40x512xf32, #tpu.memory_space<hbm>>
    tpu.enqueue_dma source(%arg4 : memref<40x512xf32, #tpu.memory_space<vmem>>) target(%dma_start3A_329 : memref<40x512xf32, #tpu.memory_space<hbm>>) target_semaphore(%arg7 : memref<!tpu.dma_semaphore, #tpu.memory_space<semaphore_mem>>)
    %dma_wait3A_330 = tpu.memref_slice %arg3[%multiple_of3A_301, %multiple_of3A] : memref<1000x16384xf32, #tpu.memory_space<hbm>> -> memref<40x512xf32, #tpu.memory_space<hbm>>
    %dma_wait3A_331 = tpu.memref_slice %arg3[%multiple_of3A_301, %multiple_of3A] : memref<1000x16384xf32, #tpu.memory_space<hbm>> -> memref<40x512xf32, #tpu.memory_space<hbm>>
    tpu.wait_dma2 semaphore(%arg8 : memref<!tpu.dma_semaphore, #tpu.memory_space<semaphore_mem>>) src(%arg5 : memref<40x512xf32, #tpu.memory_space<vmem>>) dst(%dma_wait3A_331 : memref<40x512xf32, #tpu.memory_space<hbm>>)
    %iota3A_332 = tpu.iota {dimensions = array<i32: 0>} : vector<16xi32>
    %broadcast_in_dim3A_333 = arith.constant 1.000000e+00 : f32
    %broadcast_in_dim3A_334 = vector.broadcast %broadcast_in_dim3A_333 : f32 to vector<16xf32>
    %scan3A_335 = arith.constant 0 : i32
    %scan3A_336 = arith.constant 0 : i32
    %scan3A_337 = arith.constant 32 : i32
    %scan3A_338 = arith.addi %scan3A_336, %scan3A_337 : i32
    %scan3A_339 = arith.constant 1 : i32
    %scan3A_340 = scf.for %scan3A_646 = %scan3A_336 to %scan3A_338 step %scan3A_339 iter_args(%scan3A_647 = %scan3A_335) -> (i32)  : i32 {
      %mul3A_648 = arith.constant 16 : i32
      %mul3A_649 = arith.muli %scan3A_646, %mul3A_648 : i32
      %get3A = arith.index_cast %mul3A_649 : i32 to index
      %get3A_650 = tpu.vector_load %arg6[%get3A] {strides = array<i32>} : memref<512xi32, #tpu.memory_space<vmem>>, vector<16xi32>,
      %ge3A = arith.constant 440 : i32
      %ge3A_651 = vector.broadcast %ge3A : i32 to vector<16xi32>
      %ge3A_652 = arith.cmpi sge, %get3A_650, %ge3A_651 : vector<16xi32>
      %lt3A = arith.constant 480 : i32
      %lt3A_653 = vector.broadcast %lt3A : i32 to vector<16xi32>
      %lt3A_654 = arith.cmpi slt, %get3A_650, %lt3A_653 : vector<16xi32>
      %and3A = arith.andi %ge3A_652, %lt3A_654 : vector<16xi1>
      %sub3A = arith.constant 440 : i32
      %sub3A_655 = vector.broadcast %sub3A : i32 to vector<16xi32>
      %sub3A_656 = arith.subi %get3A_650, %sub3A_655 : vector<16xi32>
      %mul3A_657 = arith.constant 16 : i32
      %mul3A_658 = arith.muli %scan3A_646, %mul3A_657 : i32
      %add3A_659 = vector.broadcast %mul3A_658 : i32 to vector<16xi32>
      %add3A_660 = arith.addi %iota3A_332, %add3A_659 : vector<16xi32>
      tpu.vector_store_idx %arg5[%sub3A_656, %add3A_660], %broadcast_in_dim3A_334 masked %and3A : memref<40x512xf32, #tpu.memory_space<vmem>>[vector<16xi32>, vector<16xi32>], vector<16xf32>, vector<16xi1>
      %scan3A_661 = arith.constant 0 : i32
      scf.yield %scan3A_661 : i32
    }
    %scan3A_341 = arith.constant 32 : i32
    %iota3A_342 = tpu.iota {dimensions = array<i32: 0>} : vector<16xi32>
    %broadcast_in_dim3A_343 = arith.constant 1.001000e+03 : f32
    %broadcast_in_dim3A_344 = vector.broadcast %broadcast_in_dim3A_343 : f32 to vector<16xf32>
    %scan3A_345 = arith.constant 0 : i32
    %scan3A_346 = arith.constant 0 : i32
    %scan3A_347 = arith.constant 32 : i32
    %scan3A_348 = arith.addi %scan3A_346, %scan3A_347 : i32
    %scan3A_349 = arith.constant 1 : i32
    %scan3A_350 = scf.for %scan3A_646 = %scan3A_346 to %scan3A_348 step %scan3A_349 iter_args(%scan3A_647 = %scan3A_345) -> (i32)  : i32 {
      %mul3A_648 = arith.constant 16 : i32
      %mul3A_649 = arith.muli %scan3A_646, %mul3A_648 : i32
      %get3A = arith.index_cast %mul3A_649 : i32 to index
      %get3A_650 = tpu.vector_load %arg6[%get3A] {strides = array<i32>} : memref<512xi32, #tpu.memory_space<vmem>>, vector<16xi32>,
      %ge3A = arith.constant 520 : i32
      %ge3A_651 = vector.broadcast %ge3A : i32 to vector<16xi32>
      %ge3A_652 = arith.cmpi sge, %get3A_650, %ge3A_651 : vector<16xi32>
      %lt3A = arith.constant 560 : i32
      %lt3A_653 = vector.broadcast %lt3A : i32 to vector<16xi32>
      %lt3A_654 = arith.cmpi slt, %get3A_650, %lt3A_653 : vector<16xi32>
      %and3A = arith.andi %ge3A_652, %lt3A_654 : vector<16xi1>
      %sub3A = arith.constant 520 : i32
      %sub3A_655 = vector.broadcast %sub3A : i32 to vector<16xi32>
      %sub3A_656 = arith.subi %get3A_650, %sub3A_655 : vector<16xi32>
      %mul3A_657 = arith.constant 16 : i32
      %mul3A_658 = arith.muli %scan3A_646, %mul3A_657 : i32
      %add3A_659 = vector.broadcast %mul3A_658 : i32 to vector<16xi32>
      %add3A_660 = arith.addi %iota3A_342, %add3A_659 : vector<16xi32>
      tpu.vector_store_idx %arg5[%sub3A_656, %add3A_660], %broadcast_in_dim3A_344 masked %and3A : memref<40x512xf32, #tpu.memory_space<vmem>>[vector<16xi32>, vector<16xi32>], vector<16xf32>, vector<16xi1>
      %scan3A_661 = arith.constant 0 : i32
      scf.yield %scan3A_661 : i32
    }
    %scan3A_351 = arith.constant 32 : i32
    %multiple_of3A_352 = arith.constant 520 : i32
    %multiple_of3A_353 = tpu.assume_multiple %multiple_of3A_352, 8 : i32
    %dma_start3A_354 = tpu.memref_slice %arg3[%multiple_of3A_353, %multiple_of3A] : memref<1000x16384xf32, #tpu.memory_space<hbm>> -> memref<40x512xf32, #tpu.memory_space<hbm>>
    %dma_start3A_355 = tpu.memref_slice %arg3[%multiple_of3A_353, %multiple_of3A] : memref<1000x16384xf32, #tpu.memory_space<hbm>> -> memref<40x512xf32, #tpu.memory_space<hbm>>
    tpu.enqueue_dma source(%arg5 : memref<40x512xf32, #tpu.memory_space<vmem>>) target(%dma_start3A_355 : memref<40x512xf32, #tpu.memory_space<hbm>>) target_semaphore(%arg8 : memref<!tpu.dma_semaphore, #tpu.memory_space<semaphore_mem>>)
    %dma_wait3A_356 = tpu.memref_slice %arg3[%multiple_of3A_327, %multiple_of3A] : memref<1000x16384xf32, #tpu.memory_space<hbm>> -> memref<40x512xf32, #tpu.memory_space<hbm>>
    %dma_wait3A_357 = tpu.memref_slice %arg3[%multiple_of3A_327, %multiple_of3A] : memref<1000x16384xf32, #tpu.memory_space<hbm>> -> memref<40x512xf32, #tpu.memory_space<hbm>>
    tpu.wait_dma2 semaphore(%arg7 : memref<!tpu.dma_semaphore, #tpu.memory_space<semaphore_mem>>) src(%arg4 : memref<40x512xf32, #tpu.memory_space<vmem>>) dst(%dma_wait3A_357 : memref<40x512xf32, #tpu.memory_space<hbm>>)
    %iota3A_358 = tpu.iota {dimensions = array<i32: 0>} : vector<16xi32>
    %broadcast_in_dim3A_359 = arith.constant 1.000000e+00 : f32
    %broadcast_in_dim3A_360 = vector.broadcast %broadcast_in_dim3A_359 : f32 to vector<16xf32>
    %scan3A_361 = arith.constant 0 : i32
    %scan3A_362 = arith.constant 0 : i32
    %scan3A_363 = arith.constant 32 : i32
    %scan3A_364 = arith.addi %scan3A_362, %scan3A_363 : i32
    %scan3A_365 = arith.constant 1 : i32
    %scan3A_366 = scf.for %scan3A_646 = %scan3A_362 to %scan3A_364 step %scan3A_365 iter_args(%scan3A_647 = %scan3A_361) -> (i32)  : i32 {
      %mul3A_648 = arith.constant 16 : i32
      %mul3A_649 = arith.muli %scan3A_646, %mul3A_648 : i32
      %get3A = arith.index_cast %mul3A_649 : i32 to index
      %get3A_650 = tpu.vector_load %arg6[%get3A] {strides = array<i32>} : memref<512xi32, #tpu.memory_space<vmem>>, vector<16xi32>,
      %ge3A = arith.constant 480 : i32
      %ge3A_651 = vector.broadcast %ge3A : i32 to vector<16xi32>
      %ge3A_652 = arith.cmpi sge, %get3A_650, %ge3A_651 : vector<16xi32>
      %lt3A = arith.constant 520 : i32
      %lt3A_653 = vector.broadcast %lt3A : i32 to vector<16xi32>
      %lt3A_654 = arith.cmpi slt, %get3A_650, %lt3A_653 : vector<16xi32>
      %and3A = arith.andi %ge3A_652, %lt3A_654 : vector<16xi1>
      %sub3A = arith.constant 480 : i32
      %sub3A_655 = vector.broadcast %sub3A : i32 to vector<16xi32>
      %sub3A_656 = arith.subi %get3A_650, %sub3A_655 : vector<16xi32>
      %mul3A_657 = arith.constant 16 : i32
      %mul3A_658 = arith.muli %scan3A_646, %mul3A_657 : i32
      %add3A_659 = vector.broadcast %mul3A_658 : i32 to vector<16xi32>
      %add3A_660 = arith.addi %iota3A_358, %add3A_659 : vector<16xi32>
      tpu.vector_store_idx %arg4[%sub3A_656, %add3A_660], %broadcast_in_dim3A_360 masked %and3A : memref<40x512xf32, #tpu.memory_space<vmem>>[vector<16xi32>, vector<16xi32>], vector<16xf32>, vector<16xi1>
      %scan3A_661 = arith.constant 0 : i32
      scf.yield %scan3A_661 : i32
    }
    %scan3A_367 = arith.constant 32 : i32
    %iota3A_368 = tpu.iota {dimensions = array<i32: 0>} : vector<16xi32>
    %broadcast_in_dim3A_369 = arith.constant 1.001000e+03 : f32
    %broadcast_in_dim3A_370 = vector.broadcast %broadcast_in_dim3A_369 : f32 to vector<16xf32>
    %scan3A_371 = arith.constant 0 : i32
    %scan3A_372 = arith.constant 0 : i32
    %scan3A_373 = arith.constant 32 : i32
    %scan3A_374 = arith.addi %scan3A_372, %scan3A_373 : i32
    %scan3A_375 = arith.constant 1 : i32
    %scan3A_376 = scf.for %scan3A_646 = %scan3A_372 to %scan3A_374 step %scan3A_375 iter_args(%scan3A_647 = %scan3A_371) -> (i32)  : i32 {
      %mul3A_648 = arith.constant 16 : i32
      %mul3A_649 = arith.muli %scan3A_646, %mul3A_648 : i32
      %get3A = arith.index_cast %mul3A_649 : i32 to index
      %get3A_650 = tpu.vector_load %arg6[%get3A] {strides = array<i32>} : memref<512xi32, #tpu.memory_space<vmem>>, vector<16xi32>,
      %ge3A = arith.constant 560 : i32
      %ge3A_651 = vector.broadcast %ge3A : i32 to vector<16xi32>
      %ge3A_652 = arith.cmpi sge, %get3A_650, %ge3A_651 : vector<16xi32>
      %lt3A = arith.constant 600 : i32
      %lt3A_653 = vector.broadcast %lt3A : i32 to vector<16xi32>
      %lt3A_654 = arith.cmpi slt, %get3A_650, %lt3A_653 : vector<16xi32>
      %and3A = arith.andi %ge3A_652, %lt3A_654 : vector<16xi1>
      %sub3A = arith.constant 560 : i32
      %sub3A_655 = vector.broadcast %sub3A : i32 to vector<16xi32>
      %sub3A_656 = arith.subi %get3A_650, %sub3A_655 : vector<16xi32>
      %mul3A_657 = arith.constant 16 : i32
      %mul3A_658 = arith.muli %scan3A_646, %mul3A_657 : i32
      %add3A_659 = vector.broadcast %mul3A_658 : i32 to vector<16xi32>
      %add3A_660 = arith.addi %iota3A_368, %add3A_659 : vector<16xi32>
      tpu.vector_store_idx %arg4[%sub3A_656, %add3A_660], %broadcast_in_dim3A_370 masked %and3A : memref<40x512xf32, #tpu.memory_space<vmem>>[vector<16xi32>, vector<16xi32>], vector<16xf32>, vector<16xi1>
      %scan3A_661 = arith.constant 0 : i32
      scf.yield %scan3A_661 : i32
    }
    %scan3A_377 = arith.constant 32 : i32
    %multiple_of3A_378 = arith.constant 560 : i32
    %multiple_of3A_379 = tpu.assume_multiple %multiple_of3A_378, 8 : i32
    %dma_start3A_380 = tpu.memref_slice %arg3[%multiple_of3A_379, %multiple_of3A] : memref<1000x16384xf32, #tpu.memory_space<hbm>> -> memref<40x512xf32, #tpu.memory_space<hbm>>
    %dma_start3A_381 = tpu.memref_slice %arg3[%multiple_of3A_379, %multiple_of3A] : memref<1000x16384xf32, #tpu.memory_space<hbm>> -> memref<40x512xf32, #tpu.memory_space<hbm>>
    tpu.enqueue_dma source(%arg4 : memref<40x512xf32, #tpu.memory_space<vmem>>) target(%dma_start3A_381 : memref<40x512xf32, #tpu.memory_space<hbm>>) target_semaphore(%arg7 : memref<!tpu.dma_semaphore, #tpu.memory_space<semaphore_mem>>)
    %dma_wait3A_382 = tpu.memref_slice %arg3[%multiple_of3A_353, %multiple_of3A] : memref<1000x16384xf32, #tpu.memory_space<hbm>> -> memref<40x512xf32, #tpu.memory_space<hbm>>
    %dma_wait3A_383 = tpu.memref_slice %arg3[%multiple_of3A_353, %multiple_of3A] : memref<1000x16384xf32, #tpu.memory_space<hbm>> -> memref<40x512xf32, #tpu.memory_space<hbm>>
    tpu.wait_dma2 semaphore(%arg8 : memref<!tpu.dma_semaphore, #tpu.memory_space<semaphore_mem>>) src(%arg5 : memref<40x512xf32, #tpu.memory_space<vmem>>) dst(%dma_wait3A_383 : memref<40x512xf32, #tpu.memory_space<hbm>>)
    %iota3A_384 = tpu.iota {dimensions = array<i32: 0>} : vector<16xi32>
    %broadcast_in_dim3A_385 = arith.constant 1.000000e+00 : f32
    %broadcast_in_dim3A_386 = vector.broadcast %broadcast_in_dim3A_385 : f32 to vector<16xf32>
    %scan3A_387 = arith.constant 0 : i32
    %scan3A_388 = arith.constant 0 : i32
    %scan3A_389 = arith.constant 32 : i32
    %scan3A_390 = arith.addi %scan3A_388, %scan3A_389 : i32
    %scan3A_391 = arith.constant 1 : i32
    %scan3A_392 = scf.for %scan3A_646 = %scan3A_388 to %scan3A_390 step %scan3A_391 iter_args(%scan3A_647 = %scan3A_387) -> (i32)  : i32 {
      %mul3A_648 = arith.constant 16 : i32
      %mul3A_649 = arith.muli %scan3A_646, %mul3A_648 : i32
      %get3A = arith.index_cast %mul3A_649 : i32 to index
      %get3A_650 = tpu.vector_load %arg6[%get3A] {strides = array<i32>} : memref<512xi32, #tpu.memory_space<vmem>>, vector<16xi32>,
      %ge3A = arith.constant 520 : i32
      %ge3A_651 = vector.broadcast %ge3A : i32 to vector<16xi32>
      %ge3A_652 = arith.cmpi sge, %get3A_650, %ge3A_651 : vector<16xi32>
      %lt3A = arith.constant 560 : i32
      %lt3A_653 = vector.broadcast %lt3A : i32 to vector<16xi32>
      %lt3A_654 = arith.cmpi slt, %get3A_650, %lt3A_653 : vector<16xi32>
      %and3A = arith.andi %ge3A_652, %lt3A_654 : vector<16xi1>
      %sub3A = arith.constant 520 : i32
      %sub3A_655 = vector.broadcast %sub3A : i32 to vector<16xi32>
      %sub3A_656 = arith.subi %get3A_650, %sub3A_655 : vector<16xi32>
      %mul3A_657 = arith.constant 16 : i32
      %mul3A_658 = arith.muli %scan3A_646, %mul3A_657 : i32
      %add3A_659 = vector.broadcast %mul3A_658 : i32 to vector<16xi32>
      %add3A_660 = arith.addi %iota3A_384, %add3A_659 : vector<16xi32>
      tpu.vector_store_idx %arg5[%sub3A_656, %add3A_660], %broadcast_in_dim3A_386 masked %and3A : memref<40x512xf32, #tpu.memory_space<vmem>>[vector<16xi32>, vector<16xi32>], vector<16xf32>, vector<16xi1>
      %scan3A_661 = arith.constant 0 : i32
      scf.yield %scan3A_661 : i32
    }
    %scan3A_393 = arith.constant 32 : i32
    %iota3A_394 = tpu.iota {dimensions = array<i32: 0>} : vector<16xi32>
    %broadcast_in_dim3A_395 = arith.constant 1.001000e+03 : f32
    %broadcast_in_dim3A_396 = vector.broadcast %broadcast_in_dim3A_395 : f32 to vector<16xf32>
    %scan3A_397 = arith.constant 0 : i32
    %scan3A_398 = arith.constant 0 : i32
    %scan3A_399 = arith.constant 32 : i32
    %scan3A_400 = arith.addi %scan3A_398, %scan3A_399 : i32
    %scan3A_401 = arith.constant 1 : i32
    %scan3A_402 = scf.for %scan3A_646 = %scan3A_398 to %scan3A_400 step %scan3A_401 iter_args(%scan3A_647 = %scan3A_397) -> (i32)  : i32 {
      %mul3A_648 = arith.constant 16 : i32
      %mul3A_649 = arith.muli %scan3A_646, %mul3A_648 : i32
      %get3A = arith.index_cast %mul3A_649 : i32 to index
      %get3A_650 = tpu.vector_load %arg6[%get3A] {strides = array<i32>} : memref<512xi32, #tpu.memory_space<vmem>>, vector<16xi32>,
      %ge3A = arith.constant 600 : i32
      %ge3A_651 = vector.broadcast %ge3A : i32 to vector<16xi32>
      %ge3A_652 = arith.cmpi sge, %get3A_650, %ge3A_651 : vector<16xi32>
      %lt3A = arith.constant 640 : i32
      %lt3A_653 = vector.broadcast %lt3A : i32 to vector<16xi32>
      %lt3A_654 = arith.cmpi slt, %get3A_650, %lt3A_653 : vector<16xi32>
      %and3A = arith.andi %ge3A_652, %lt3A_654 : vector<16xi1>
      %sub3A = arith.constant 600 : i32
      %sub3A_655 = vector.broadcast %sub3A : i32 to vector<16xi32>
      %sub3A_656 = arith.subi %get3A_650, %sub3A_655 : vector<16xi32>
      %mul3A_657 = arith.constant 16 : i32
      %mul3A_658 = arith.muli %scan3A_646, %mul3A_657 : i32
      %add3A_659 = vector.broadcast %mul3A_658 : i32 to vector<16xi32>
      %add3A_660 = arith.addi %iota3A_394, %add3A_659 : vector<16xi32>
      tpu.vector_store_idx %arg5[%sub3A_656, %add3A_660], %broadcast_in_dim3A_396 masked %and3A : memref<40x512xf32, #tpu.memory_space<vmem>>[vector<16xi32>, vector<16xi32>], vector<16xf32>, vector<16xi1>
      %scan3A_661 = arith.constant 0 : i32
      scf.yield %scan3A_661 : i32
    }
    %scan3A_403 = arith.constant 32 : i32
    %multiple_of3A_404 = arith.constant 600 : i32
    %multiple_of3A_405 = tpu.assume_multiple %multiple_of3A_404, 8 : i32
    %dma_start3A_406 = tpu.memref_slice %arg3[%multiple_of3A_405, %multiple_of3A] : memref<1000x16384xf32, #tpu.memory_space<hbm>> -> memref<40x512xf32, #tpu.memory_space<hbm>>
    %dma_start3A_407 = tpu.memref_slice %arg3[%multiple_of3A_405, %multiple_of3A] : memref<1000x16384xf32, #tpu.memory_space<hbm>> -> memref<40x512xf32, #tpu.memory_space<hbm>>
    tpu.enqueue_dma source(%arg5 : memref<40x512xf32, #tpu.memory_space<vmem>>) target(%dma_start3A_407 : memref<40x512xf32, #tpu.memory_space<hbm>>) target_semaphore(%arg8 : memref<!tpu.dma_semaphore, #tpu.memory_space<semaphore_mem>>)
    %dma_wait3A_408 = tpu.memref_slice %arg3[%multiple_of3A_379, %multiple_of3A] : memref<1000x16384xf32, #tpu.memory_space<hbm>> -> memref<40x512xf32, #tpu.memory_space<hbm>>
    %dma_wait3A_409 = tpu.memref_slice %arg3[%multiple_of3A_379, %multiple_of3A] : memref<1000x16384xf32, #tpu.memory_space<hbm>> -> memref<40x512xf32, #tpu.memory_space<hbm>>
    tpu.wait_dma2 semaphore(%arg7 : memref<!tpu.dma_semaphore, #tpu.memory_space<semaphore_mem>>) src(%arg4 : memref<40x512xf32, #tpu.memory_space<vmem>>) dst(%dma_wait3A_409 : memref<40x512xf32, #tpu.memory_space<hbm>>)
    %iota3A_410 = tpu.iota {dimensions = array<i32: 0>} : vector<16xi32>
    %broadcast_in_dim3A_411 = arith.constant 1.000000e+00 : f32
    %broadcast_in_dim3A_412 = vector.broadcast %broadcast_in_dim3A_411 : f32 to vector<16xf32>
    %scan3A_413 = arith.constant 0 : i32
    %scan3A_414 = arith.constant 0 : i32
    %scan3A_415 = arith.constant 32 : i32
    %scan3A_416 = arith.addi %scan3A_414, %scan3A_415 : i32
    %scan3A_417 = arith.constant 1 : i32
    %scan3A_418 = scf.for %scan3A_646 = %scan3A_414 to %scan3A_416 step %scan3A_417 iter_args(%scan3A_647 = %scan3A_413) -> (i32)  : i32 {
      %mul3A_648 = arith.constant 16 : i32
      %mul3A_649 = arith.muli %scan3A_646, %mul3A_648 : i32
      %get3A = arith.index_cast %mul3A_649 : i32 to index
      %get3A_650 = tpu.vector_load %arg6[%get3A] {strides = array<i32>} : memref<512xi32, #tpu.memory_space<vmem>>, vector<16xi32>,
      %ge3A = arith.constant 560 : i32
      %ge3A_651 = vector.broadcast %ge3A : i32 to vector<16xi32>
      %ge3A_652 = arith.cmpi sge, %get3A_650, %ge3A_651 : vector<16xi32>
      %lt3A = arith.constant 600 : i32
      %lt3A_653 = vector.broadcast %lt3A : i32 to vector<16xi32>
      %lt3A_654 = arith.cmpi slt, %get3A_650, %lt3A_653 : vector<16xi32>
      %and3A = arith.andi %ge3A_652, %lt3A_654 : vector<16xi1>
      %sub3A = arith.constant 560 : i32
      %sub3A_655 = vector.broadcast %sub3A : i32 to vector<16xi32>
      %sub3A_656 = arith.subi %get3A_650, %sub3A_655 : vector<16xi32>
      %mul3A_657 = arith.constant 16 : i32
      %mul3A_658 = arith.muli %scan3A_646, %mul3A_657 : i32
      %add3A_659 = vector.broadcast %mul3A_658 : i32 to vector<16xi32>
      %add3A_660 = arith.addi %iota3A_410, %add3A_659 : vector<16xi32>
      tpu.vector_store_idx %arg4[%sub3A_656, %add3A_660], %broadcast_in_dim3A_412 masked %and3A : memref<40x512xf32, #tpu.memory_space<vmem>>[vector<16xi32>, vector<16xi32>], vector<16xf32>, vector<16xi1>
      %scan3A_661 = arith.constant 0 : i32
      scf.yield %scan3A_661 : i32
    }
    %scan3A_419 = arith.constant 32 : i32
    %iota3A_420 = tpu.iota {dimensions = array<i32: 0>} : vector<16xi32>
    %broadcast_in_dim3A_421 = arith.constant 1.001000e+03 : f32
    %broadcast_in_dim3A_422 = vector.broadcast %broadcast_in_dim3A_421 : f32 to vector<16xf32>
    %scan3A_423 = arith.constant 0 : i32
    %scan3A_424 = arith.constant 0 : i32
    %scan3A_425 = arith.constant 32 : i32
    %scan3A_426 = arith.addi %scan3A_424, %scan3A_425 : i32
    %scan3A_427 = arith.constant 1 : i32
    %scan3A_428 = scf.for %scan3A_646 = %scan3A_424 to %scan3A_426 step %scan3A_427 iter_args(%scan3A_647 = %scan3A_423) -> (i32)  : i32 {
      %mul3A_648 = arith.constant 16 : i32
      %mul3A_649 = arith.muli %scan3A_646, %mul3A_648 : i32
      %get3A = arith.index_cast %mul3A_649 : i32 to index
      %get3A_650 = tpu.vector_load %arg6[%get3A] {strides = array<i32>} : memref<512xi32, #tpu.memory_space<vmem>>, vector<16xi32>,
      %ge3A = arith.constant 640 : i32
      %ge3A_651 = vector.broadcast %ge3A : i32 to vector<16xi32>
      %ge3A_652 = arith.cmpi sge, %get3A_650, %ge3A_651 : vector<16xi32>
      %lt3A = arith.constant 680 : i32
      %lt3A_653 = vector.broadcast %lt3A : i32 to vector<16xi32>
      %lt3A_654 = arith.cmpi slt, %get3A_650, %lt3A_653 : vector<16xi32>
      %and3A = arith.andi %ge3A_652, %lt3A_654 : vector<16xi1>
      %sub3A = arith.constant 640 : i32
      %sub3A_655 = vector.broadcast %sub3A : i32 to vector<16xi32>
      %sub3A_656 = arith.subi %get3A_650, %sub3A_655 : vector<16xi32>
      %mul3A_657 = arith.constant 16 : i32
      %mul3A_658 = arith.muli %scan3A_646, %mul3A_657 : i32
      %add3A_659 = vector.broadcast %mul3A_658 : i32 to vector<16xi32>
      %add3A_660 = arith.addi %iota3A_420, %add3A_659 : vector<16xi32>
      tpu.vector_store_idx %arg4[%sub3A_656, %add3A_660], %broadcast_in_dim3A_422 masked %and3A : memref<40x512xf32, #tpu.memory_space<vmem>>[vector<16xi32>, vector<16xi32>], vector<16xf32>, vector<16xi1>
      %scan3A_661 = arith.constant 0 : i32
      scf.yield %scan3A_661 : i32
    }
    %scan3A_429 = arith.constant 32 : i32
    %multiple_of3A_430 = arith.constant 640 : i32
    %multiple_of3A_431 = tpu.assume_multiple %multiple_of3A_430, 8 : i32
    %dma_start3A_432 = tpu.memref_slice %arg3[%multiple_of3A_431, %multiple_of3A] : memref<1000x16384xf32, #tpu.memory_space<hbm>> -> memref<40x512xf32, #tpu.memory_space<hbm>>
    %dma_start3A_433 = tpu.memref_slice %arg3[%multiple_of3A_431, %multiple_of3A] : memref<1000x16384xf32, #tpu.memory_space<hbm>> -> memref<40x512xf32, #tpu.memory_space<hbm>>
    tpu.enqueue_dma source(%arg4 : memref<40x512xf32, #tpu.memory_space<vmem>>) target(%dma_start3A_433 : memref<40x512xf32, #tpu.memory_space<hbm>>) target_semaphore(%arg7 : memref<!tpu.dma_semaphore, #tpu.memory_space<semaphore_mem>>)
    %dma_wait3A_434 = tpu.memref_slice %arg3[%multiple_of3A_405, %multiple_of3A] : memref<1000x16384xf32, #tpu.memory_space<hbm>> -> memref<40x512xf32, #tpu.memory_space<hbm>>
    %dma_wait3A_435 = tpu.memref_slice %arg3[%multiple_of3A_405, %multiple_of3A] : memref<1000x16384xf32, #tpu.memory_space<hbm>> -> memref<40x512xf32, #tpu.memory_space<hbm>>
    tpu.wait_dma2 semaphore(%arg8 : memref<!tpu.dma_semaphore, #tpu.memory_space<semaphore_mem>>) src(%arg5 : memref<40x512xf32, #tpu.memory_space<vmem>>) dst(%dma_wait3A_435 : memref<40x512xf32, #tpu.memory_space<hbm>>)
    %iota3A_436 = tpu.iota {dimensions = array<i32: 0>} : vector<16xi32>
    %broadcast_in_dim3A_437 = arith.constant 1.000000e+00 : f32
    %broadcast_in_dim3A_438 = vector.broadcast %broadcast_in_dim3A_437 : f32 to vector<16xf32>
    %scan3A_439 = arith.constant 0 : i32
    %scan3A_440 = arith.constant 0 : i32
    %scan3A_441 = arith.constant 32 : i32
    %scan3A_442 = arith.addi %scan3A_440, %scan3A_441 : i32
    %scan3A_443 = arith.constant 1 : i32
    %scan3A_444 = scf.for %scan3A_646 = %scan3A_440 to %scan3A_442 step %scan3A_443 iter_args(%scan3A_647 = %scan3A_439) -> (i32)  : i32 {
      %mul3A_648 = arith.constant 16 : i32
      %mul3A_649 = arith.muli %scan3A_646, %mul3A_648 : i32
      %get3A = arith.index_cast %mul3A_649 : i32 to index
      %get3A_650 = tpu.vector_load %arg6[%get3A] {strides = array<i32>} : memref<512xi32, #tpu.memory_space<vmem>>, vector<16xi32>,
      %ge3A = arith.constant 600 : i32
      %ge3A_651 = vector.broadcast %ge3A : i32 to vector<16xi32>
      %ge3A_652 = arith.cmpi sge, %get3A_650, %ge3A_651 : vector<16xi32>
      %lt3A = arith.constant 640 : i32
      %lt3A_653 = vector.broadcast %lt3A : i32 to vector<16xi32>
      %lt3A_654 = arith.cmpi slt, %get3A_650, %lt3A_653 : vector<16xi32>
      %and3A = arith.andi %ge3A_652, %lt3A_654 : vector<16xi1>
      %sub3A = arith.constant 600 : i32
      %sub3A_655 = vector.broadcast %sub3A : i32 to vector<16xi32>
      %sub3A_656 = arith.subi %get3A_650, %sub3A_655 : vector<16xi32>
      %mul3A_657 = arith.constant 16 : i32
      %mul3A_658 = arith.muli %scan3A_646, %mul3A_657 : i32
      %add3A_659 = vector.broadcast %mul3A_658 : i32 to vector<16xi32>
      %add3A_660 = arith.addi %iota3A_436, %add3A_659 : vector<16xi32>
      tpu.vector_store_idx %arg5[%sub3A_656, %add3A_660], %broadcast_in_dim3A_438 masked %and3A : memref<40x512xf32, #tpu.memory_space<vmem>>[vector<16xi32>, vector<16xi32>], vector<16xf32>, vector<16xi1>
      %scan3A_661 = arith.constant 0 : i32
      scf.yield %scan3A_661 : i32
    }
    %scan3A_445 = arith.constant 32 : i32
    %iota3A_446 = tpu.iota {dimensions = array<i32: 0>} : vector<16xi32>
    %broadcast_in_dim3A_447 = arith.constant 1.001000e+03 : f32
    %broadcast_in_dim3A_448 = vector.broadcast %broadcast_in_dim3A_447 : f32 to vector<16xf32>
    %scan3A_449 = arith.constant 0 : i32
    %scan3A_450 = arith.constant 0 : i32
    %scan3A_451 = arith.constant 32 : i32
    %scan3A_452 = arith.addi %scan3A_450, %scan3A_451 : i32
    %scan3A_453 = arith.constant 1 : i32
    %scan3A_454 = scf.for %scan3A_646 = %scan3A_450 to %scan3A_452 step %scan3A_453 iter_args(%scan3A_647 = %scan3A_449) -> (i32)  : i32 {
      %mul3A_648 = arith.constant 16 : i32
      %mul3A_649 = arith.muli %scan3A_646, %mul3A_648 : i32
      %get3A = arith.index_cast %mul3A_649 : i32 to index
      %get3A_650 = tpu.vector_load %arg6[%get3A] {strides = array<i32>} : memref<512xi32, #tpu.memory_space<vmem>>, vector<16xi32>,
      %ge3A = arith.constant 680 : i32
      %ge3A_651 = vector.broadcast %ge3A : i32 to vector<16xi32>
      %ge3A_652 = arith.cmpi sge, %get3A_650, %ge3A_651 : vector<16xi32>
      %lt3A = arith.constant 720 : i32
      %lt3A_653 = vector.broadcast %lt3A : i32 to vector<16xi32>
      %lt3A_654 = arith.cmpi slt, %get3A_650, %lt3A_653 : vector<16xi32>
      %and3A = arith.andi %ge3A_652, %lt3A_654 : vector<16xi1>
      %sub3A = arith.constant 680 : i32
      %sub3A_655 = vector.broadcast %sub3A : i32 to vector<16xi32>
      %sub3A_656 = arith.subi %get3A_650, %sub3A_655 : vector<16xi32>
      %mul3A_657 = arith.constant 16 : i32
      %mul3A_658 = arith.muli %scan3A_646, %mul3A_657 : i32
      %add3A_659 = vector.broadcast %mul3A_658 : i32 to vector<16xi32>
      %add3A_660 = arith.addi %iota3A_446, %add3A_659 : vector<16xi32>
      tpu.vector_store_idx %arg5[%sub3A_656, %add3A_660], %broadcast_in_dim3A_448 masked %and3A : memref<40x512xf32, #tpu.memory_space<vmem>>[vector<16xi32>, vector<16xi32>], vector<16xf32>, vector<16xi1>
      %scan3A_661 = arith.constant 0 : i32
      scf.yield %scan3A_661 : i32
    }
    %scan3A_455 = arith.constant 32 : i32
    %multiple_of3A_456 = arith.constant 680 : i32
    %multiple_of3A_457 = tpu.assume_multiple %multiple_of3A_456, 8 : i32
    %dma_start3A_458 = tpu.memref_slice %arg3[%multiple_of3A_457, %multiple_of3A] : memref<1000x16384xf32, #tpu.memory_space<hbm>> -> memref<40x512xf32, #tpu.memory_space<hbm>>
    %dma_start3A_459 = tpu.memref_slice %arg3[%multiple_of3A_457, %multiple_of3A] : memref<1000x16384xf32, #tpu.memory_space<hbm>> -> memref<40x512xf32, #tpu.memory_space<hbm>>
    tpu.enqueue_dma source(%arg5 : memref<40x512xf32, #tpu.memory_space<vmem>>) target(%dma_start3A_459 : memref<40x512xf32, #tpu.memory_space<hbm>>) target_semaphore(%arg8 : memref<!tpu.dma_semaphore, #tpu.memory_space<semaphore_mem>>)
    %dma_wait3A_460 = tpu.memref_slice %arg3[%multiple_of3A_431, %multiple_of3A] : memref<1000x16384xf32, #tpu.memory_space<hbm>> -> memref<40x512xf32, #tpu.memory_space<hbm>>
    %dma_wait3A_461 = tpu.memref_slice %arg3[%multiple_of3A_431, %multiple_of3A] : memref<1000x16384xf32, #tpu.memory_space<hbm>> -> memref<40x512xf32, #tpu.memory_space<hbm>>
    tpu.wait_dma2 semaphore(%arg7 : memref<!tpu.dma_semaphore, #tpu.memory_space<semaphore_mem>>) src(%arg4 : memref<40x512xf32, #tpu.memory_space<vmem>>) dst(%dma_wait3A_461 : memref<40x512xf32, #tpu.memory_space<hbm>>)
    %iota3A_462 = tpu.iota {dimensions = array<i32: 0>} : vector<16xi32>
    %broadcast_in_dim3A_463 = arith.constant 1.000000e+00 : f32
    %broadcast_in_dim3A_464 = vector.broadcast %broadcast_in_dim3A_463 : f32 to vector<16xf32>
    %scan3A_465 = arith.constant 0 : i32
    %scan3A_466 = arith.constant 0 : i32
    %scan3A_467 = arith.constant 32 : i32
    %scan3A_468 = arith.addi %scan3A_466, %scan3A_467 : i32
    %scan3A_469 = arith.constant 1 : i32
    %scan3A_470 = scf.for %scan3A_646 = %scan3A_466 to %scan3A_468 step %scan3A_469 iter_args(%scan3A_647 = %scan3A_465) -> (i32)  : i32 {
      %mul3A_648 = arith.constant 16 : i32
      %mul3A_649 = arith.muli %scan3A_646, %mul3A_648 : i32
      %get3A = arith.index_cast %mul3A_649 : i32 to index
      %get3A_650 = tpu.vector_load %arg6[%get3A] {strides = array<i32>} : memref<512xi32, #tpu.memory_space<vmem>>, vector<16xi32>,
      %ge3A = arith.constant 640 : i32
      %ge3A_651 = vector.broadcast %ge3A : i32 to vector<16xi32>
      %ge3A_652 = arith.cmpi sge, %get3A_650, %ge3A_651 : vector<16xi32>
      %lt3A = arith.constant 680 : i32
      %lt3A_653 = vector.broadcast %lt3A : i32 to vector<16xi32>
      %lt3A_654 = arith.cmpi slt, %get3A_650, %lt3A_653 : vector<16xi32>
      %and3A = arith.andi %ge3A_652, %lt3A_654 : vector<16xi1>
      %sub3A = arith.constant 640 : i32
      %sub3A_655 = vector.broadcast %sub3A : i32 to vector<16xi32>
      %sub3A_656 = arith.subi %get3A_650, %sub3A_655 : vector<16xi32>
      %mul3A_657 = arith.constant 16 : i32
      %mul3A_658 = arith.muli %scan3A_646, %mul3A_657 : i32
      %add3A_659 = vector.broadcast %mul3A_658 : i32 to vector<16xi32>
      %add3A_660 = arith.addi %iota3A_462, %add3A_659 : vector<16xi32>
      tpu.vector_store_idx %arg4[%sub3A_656, %add3A_660], %broadcast_in_dim3A_464 masked %and3A : memref<40x512xf32, #tpu.memory_space<vmem>>[vector<16xi32>, vector<16xi32>], vector<16xf32>, vector<16xi1>
      %scan3A_661 = arith.constant 0 : i32
      scf.yield %scan3A_661 : i32
    }
    %scan3A_471 = arith.constant 32 : i32
    %iota3A_472 = tpu.iota {dimensions = array<i32: 0>} : vector<16xi32>
    %broadcast_in_dim3A_473 = arith.constant 1.001000e+03 : f32
    %broadcast_in_dim3A_474 = vector.broadcast %broadcast_in_dim3A_473 : f32 to vector<16xf32>
    %scan3A_475 = arith.constant 0 : i32
    %scan3A_476 = arith.constant 0 : i32
    %scan3A_477 = arith.constant 32 : i32
    %scan3A_478 = arith.addi %scan3A_476, %scan3A_477 : i32
    %scan3A_479 = arith.constant 1 : i32
    %scan3A_480 = scf.for %scan3A_646 = %scan3A_476 to %scan3A_478 step %scan3A_479 iter_args(%scan3A_647 = %scan3A_475) -> (i32)  : i32 {
      %mul3A_648 = arith.constant 16 : i32
      %mul3A_649 = arith.muli %scan3A_646, %mul3A_648 : i32
      %get3A = arith.index_cast %mul3A_649 : i32 to index
      %get3A_650 = tpu.vector_load %arg6[%get3A] {strides = array<i32>} : memref<512xi32, #tpu.memory_space<vmem>>, vector<16xi32>,
      %ge3A = arith.constant 720 : i32
      %ge3A_651 = vector.broadcast %ge3A : i32 to vector<16xi32>
      %ge3A_652 = arith.cmpi sge, %get3A_650, %ge3A_651 : vector<16xi32>
      %lt3A = arith.constant 760 : i32
      %lt3A_653 = vector.broadcast %lt3A : i32 to vector<16xi32>
      %lt3A_654 = arith.cmpi slt, %get3A_650, %lt3A_653 : vector<16xi32>
      %and3A = arith.andi %ge3A_652, %lt3A_654 : vector<16xi1>
      %sub3A = arith.constant 720 : i32
      %sub3A_655 = vector.broadcast %sub3A : i32 to vector<16xi32>
      %sub3A_656 = arith.subi %get3A_650, %sub3A_655 : vector<16xi32>
      %mul3A_657 = arith.constant 16 : i32
      %mul3A_658 = arith.muli %scan3A_646, %mul3A_657 : i32
      %add3A_659 = vector.broadcast %mul3A_658 : i32 to vector<16xi32>
      %add3A_660 = arith.addi %iota3A_472, %add3A_659 : vector<16xi32>
      tpu.vector_store_idx %arg4[%sub3A_656, %add3A_660], %broadcast_in_dim3A_474 masked %and3A : memref<40x512xf32, #tpu.memory_space<vmem>>[vector<16xi32>, vector<16xi32>], vector<16xf32>, vector<16xi1>
      %scan3A_661 = arith.constant 0 : i32
      scf.yield %scan3A_661 : i32
    }
    %scan3A_481 = arith.constant 32 : i32
    %multiple_of3A_482 = arith.constant 720 : i32
    %multiple_of3A_483 = tpu.assume_multiple %multiple_of3A_482, 8 : i32
    %dma_start3A_484 = tpu.memref_slice %arg3[%multiple_of3A_483, %multiple_of3A] : memref<1000x16384xf32, #tpu.memory_space<hbm>> -> memref<40x512xf32, #tpu.memory_space<hbm>>
    %dma_start3A_485 = tpu.memref_slice %arg3[%multiple_of3A_483, %multiple_of3A] : memref<1000x16384xf32, #tpu.memory_space<hbm>> -> memref<40x512xf32, #tpu.memory_space<hbm>>
    tpu.enqueue_dma source(%arg4 : memref<40x512xf32, #tpu.memory_space<vmem>>) target(%dma_start3A_485 : memref<40x512xf32, #tpu.memory_space<hbm>>) target_semaphore(%arg7 : memref<!tpu.dma_semaphore, #tpu.memory_space<semaphore_mem>>)
    %dma_wait3A_486 = tpu.memref_slice %arg3[%multiple_of3A_457, %multiple_of3A] : memref<1000x16384xf32, #tpu.memory_space<hbm>> -> memref<40x512xf32, #tpu.memory_space<hbm>>
    %dma_wait3A_487 = tpu.memref_slice %arg3[%multiple_of3A_457, %multiple_of3A] : memref<1000x16384xf32, #tpu.memory_space<hbm>> -> memref<40x512xf32, #tpu.memory_space<hbm>>
    tpu.wait_dma2 semaphore(%arg8 : memref<!tpu.dma_semaphore, #tpu.memory_space<semaphore_mem>>) src(%arg5 : memref<40x512xf32, #tpu.memory_space<vmem>>) dst(%dma_wait3A_487 : memref<40x512xf32, #tpu.memory_space<hbm>>)
    %iota3A_488 = tpu.iota {dimensions = array<i32: 0>} : vector<16xi32>
    %broadcast_in_dim3A_489 = arith.constant 1.000000e+00 : f32
    %broadcast_in_dim3A_490 = vector.broadcast %broadcast_in_dim3A_489 : f32 to vector<16xf32>
    %scan3A_491 = arith.constant 0 : i32
    %scan3A_492 = arith.constant 0 : i32
    %scan3A_493 = arith.constant 32 : i32
    %scan3A_494 = arith.addi %scan3A_492, %scan3A_493 : i32
    %scan3A_495 = arith.constant 1 : i32
    %scan3A_496 = scf.for %scan3A_646 = %scan3A_492 to %scan3A_494 step %scan3A_495 iter_args(%scan3A_647 = %scan3A_491) -> (i32)  : i32 {
      %mul3A_648 = arith.constant 16 : i32
      %mul3A_649 = arith.muli %scan3A_646, %mul3A_648 : i32
      %get3A = arith.index_cast %mul3A_649 : i32 to index
      %get3A_650 = tpu.vector_load %arg6[%get3A] {strides = array<i32>} : memref<512xi32, #tpu.memory_space<vmem>>, vector<16xi32>,
      %ge3A = arith.constant 680 : i32
      %ge3A_651 = vector.broadcast %ge3A : i32 to vector<16xi32>
      %ge3A_652 = arith.cmpi sge, %get3A_650, %ge3A_651 : vector<16xi32>
      %lt3A = arith.constant 720 : i32
      %lt3A_653 = vector.broadcast %lt3A : i32 to vector<16xi32>
      %lt3A_654 = arith.cmpi slt, %get3A_650, %lt3A_653 : vector<16xi32>
      %and3A = arith.andi %ge3A_652, %lt3A_654 : vector<16xi1>
      %sub3A = arith.constant 680 : i32
      %sub3A_655 = vector.broadcast %sub3A : i32 to vector<16xi32>
      %sub3A_656 = arith.subi %get3A_650, %sub3A_655 : vector<16xi32>
      %mul3A_657 = arith.constant 16 : i32
      %mul3A_658 = arith.muli %scan3A_646, %mul3A_657 : i32
      %add3A_659 = vector.broadcast %mul3A_658 : i32 to vector<16xi32>
      %add3A_660 = arith.addi %iota3A_488, %add3A_659 : vector<16xi32>
      tpu.vector_store_idx %arg5[%sub3A_656, %add3A_660], %broadcast_in_dim3A_490 masked %and3A : memref<40x512xf32, #tpu.memory_space<vmem>>[vector<16xi32>, vector<16xi32>], vector<16xf32>, vector<16xi1>
      %scan3A_661 = arith.constant 0 : i32
      scf.yield %scan3A_661 : i32
    }
    %scan3A_497 = arith.constant 32 : i32
    %iota3A_498 = tpu.iota {dimensions = array<i32: 0>} : vector<16xi32>
    %broadcast_in_dim3A_499 = arith.constant 1.001000e+03 : f32
    %broadcast_in_dim3A_500 = vector.broadcast %broadcast_in_dim3A_499 : f32 to vector<16xf32>
    %scan3A_501 = arith.constant 0 : i32
    %scan3A_502 = arith.constant 0 : i32
    %scan3A_503 = arith.constant 32 : i32
    %scan3A_504 = arith.addi %scan3A_502, %scan3A_503 : i32
    %scan3A_505 = arith.constant 1 : i32
    %scan3A_506 = scf.for %scan3A_646 = %scan3A_502 to %scan3A_504 step %scan3A_505 iter_args(%scan3A_647 = %scan3A_501) -> (i32)  : i32 {
      %mul3A_648 = arith.constant 16 : i32
      %mul3A_649 = arith.muli %scan3A_646, %mul3A_648 : i32
      %get3A = arith.index_cast %mul3A_649 : i32 to index
      %get3A_650 = tpu.vector_load %arg6[%get3A] {strides = array<i32>} : memref<512xi32, #tpu.memory_space<vmem>>, vector<16xi32>,
      %ge3A = arith.constant 760 : i32
      %ge3A_651 = vector.broadcast %ge3A : i32 to vector<16xi32>
      %ge3A_652 = arith.cmpi sge, %get3A_650, %ge3A_651 : vector<16xi32>
      %lt3A = arith.constant 800 : i32
      %lt3A_653 = vector.broadcast %lt3A : i32 to vector<16xi32>
      %lt3A_654 = arith.cmpi slt, %get3A_650, %lt3A_653 : vector<16xi32>
      %and3A = arith.andi %ge3A_652, %lt3A_654 : vector<16xi1>
      %sub3A = arith.constant 760 : i32
      %sub3A_655 = vector.broadcast %sub3A : i32 to vector<16xi32>
      %sub3A_656 = arith.subi %get3A_650, %sub3A_655 : vector<16xi32>
      %mul3A_657 = arith.constant 16 : i32
      %mul3A_658 = arith.muli %scan3A_646, %mul3A_657 : i32
      %add3A_659 = vector.broadcast %mul3A_658 : i32 to vector<16xi32>
      %add3A_660 = arith.addi %iota3A_498, %add3A_659 : vector<16xi32>
      tpu.vector_store_idx %arg5[%sub3A_656, %add3A_660], %broadcast_in_dim3A_500 masked %and3A : memref<40x512xf32, #tpu.memory_space<vmem>>[vector<16xi32>, vector<16xi32>], vector<16xf32>, vector<16xi1>
      %scan3A_661 = arith.constant 0 : i32
      scf.yield %scan3A_661 : i32
    }
    %scan3A_507 = arith.constant 32 : i32
    %multiple_of3A_508 = arith.constant 760 : i32
    %multiple_of3A_509 = tpu.assume_multiple %multiple_of3A_508, 8 : i32
    %dma_start3A_510 = tpu.memref_slice %arg3[%multiple_of3A_509, %multiple_of3A] : memref<1000x16384xf32, #tpu.memory_space<hbm>> -> memref<40x512xf32, #tpu.memory_space<hbm>>
    %dma_start3A_511 = tpu.memref_slice %arg3[%multiple_of3A_509, %multiple_of3A] : memref<1000x16384xf32, #tpu.memory_space<hbm>> -> memref<40x512xf32, #tpu.memory_space<hbm>>
    tpu.enqueue_dma source(%arg5 : memref<40x512xf32, #tpu.memory_space<vmem>>) target(%dma_start3A_511 : memref<40x512xf32, #tpu.memory_space<hbm>>) target_semaphore(%arg8 : memref<!tpu.dma_semaphore, #tpu.memory_space<semaphore_mem>>)
    %dma_wait3A_512 = tpu.memref_slice %arg3[%multiple_of3A_483, %multiple_of3A] : memref<1000x16384xf32, #tpu.memory_space<hbm>> -> memref<40x512xf32, #tpu.memory_space<hbm>>
    %dma_wait3A_513 = tpu.memref_slice %arg3[%multiple_of3A_483, %multiple_of3A] : memref<1000x16384xf32, #tpu.memory_space<hbm>> -> memref<40x512xf32, #tpu.memory_space<hbm>>
    tpu.wait_dma2 semaphore(%arg7 : memref<!tpu.dma_semaphore, #tpu.memory_space<semaphore_mem>>) src(%arg4 : memref<40x512xf32, #tpu.memory_space<vmem>>) dst(%dma_wait3A_513 : memref<40x512xf32, #tpu.memory_space<hbm>>)
    %iota3A_514 = tpu.iota {dimensions = array<i32: 0>} : vector<16xi32>
    %broadcast_in_dim3A_515 = arith.constant 1.000000e+00 : f32
    %broadcast_in_dim3A_516 = vector.broadcast %broadcast_in_dim3A_515 : f32 to vector<16xf32>
    %scan3A_517 = arith.constant 0 : i32
    %scan3A_518 = arith.constant 0 : i32
    %scan3A_519 = arith.constant 32 : i32
    %scan3A_520 = arith.addi %scan3A_518, %scan3A_519 : i32
    %scan3A_521 = arith.constant 1 : i32
    %scan3A_522 = scf.for %scan3A_646 = %scan3A_518 to %scan3A_520 step %scan3A_521 iter_args(%scan3A_647 = %scan3A_517) -> (i32)  : i32 {
      %mul3A_648 = arith.constant 16 : i32
      %mul3A_649 = arith.muli %scan3A_646, %mul3A_648 : i32
      %get3A = arith.index_cast %mul3A_649 : i32 to index
      %get3A_650 = tpu.vector_load %arg6[%get3A] {strides = array<i32>} : memref<512xi32, #tpu.memory_space<vmem>>, vector<16xi32>,
      %ge3A = arith.constant 720 : i32
      %ge3A_651 = vector.broadcast %ge3A : i32 to vector<16xi32>
      %ge3A_652 = arith.cmpi sge, %get3A_650, %ge3A_651 : vector<16xi32>
      %lt3A = arith.constant 760 : i32
      %lt3A_653 = vector.broadcast %lt3A : i32 to vector<16xi32>
      %lt3A_654 = arith.cmpi slt, %get3A_650, %lt3A_653 : vector<16xi32>
      %and3A = arith.andi %ge3A_652, %lt3A_654 : vector<16xi1>
      %sub3A = arith.constant 720 : i32
      %sub3A_655 = vector.broadcast %sub3A : i32 to vector<16xi32>
      %sub3A_656 = arith.subi %get3A_650, %sub3A_655 : vector<16xi32>
      %mul3A_657 = arith.constant 16 : i32
      %mul3A_658 = arith.muli %scan3A_646, %mul3A_657 : i32
      %add3A_659 = vector.broadcast %mul3A_658 : i32 to vector<16xi32>
      %add3A_660 = arith.addi %iota3A_514, %add3A_659 : vector<16xi32>
      tpu.vector_store_idx %arg4[%sub3A_656, %add3A_660], %broadcast_in_dim3A_516 masked %and3A : memref<40x512xf32, #tpu.memory_space<vmem>>[vector<16xi32>, vector<16xi32>], vector<16xf32>, vector<16xi1>
      %scan3A_661 = arith.constant 0 : i32
      scf.yield %scan3A_661 : i32
    }
    %scan3A_523 = arith.constant 32 : i32
    %iota3A_524 = tpu.iota {dimensions = array<i32: 0>} : vector<16xi32>
    %broadcast_in_dim3A_525 = arith.constant 1.001000e+03 : f32
    %broadcast_in_dim3A_526 = vector.broadcast %broadcast_in_dim3A_525 : f32 to vector<16xf32>
    %scan3A_527 = arith.constant 0 : i32
    %scan3A_528 = arith.constant 0 : i32
    %scan3A_529 = arith.constant 32 : i32
    %scan3A_530 = arith.addi %scan3A_528, %scan3A_529 : i32
    %scan3A_531 = arith.constant 1 : i32
    %scan3A_532 = scf.for %scan3A_646 = %scan3A_528 to %scan3A_530 step %scan3A_531 iter_args(%scan3A_647 = %scan3A_527) -> (i32)  : i32 {
      %mul3A_648 = arith.constant 16 : i32
      %mul3A_649 = arith.muli %scan3A_646, %mul3A_648 : i32
      %get3A = arith.index_cast %mul3A_649 : i32 to index
      %get3A_650 = tpu.vector_load %arg6[%get3A] {strides = array<i32>} : memref<512xi32, #tpu.memory_space<vmem>>, vector<16xi32>,
      %ge3A = arith.constant 800 : i32
      %ge3A_651 = vector.broadcast %ge3A : i32 to vector<16xi32>
      %ge3A_652 = arith.cmpi sge, %get3A_650, %ge3A_651 : vector<16xi32>
      %lt3A = arith.constant 840 : i32
      %lt3A_653 = vector.broadcast %lt3A : i32 to vector<16xi32>
      %lt3A_654 = arith.cmpi slt, %get3A_650, %lt3A_653 : vector<16xi32>
      %and3A = arith.andi %ge3A_652, %lt3A_654 : vector<16xi1>
      %sub3A = arith.constant 800 : i32
      %sub3A_655 = vector.broadcast %sub3A : i32 to vector<16xi32>
      %sub3A_656 = arith.subi %get3A_650, %sub3A_655 : vector<16xi32>
      %mul3A_657 = arith.constant 16 : i32
      %mul3A_658 = arith.muli %scan3A_646, %mul3A_657 : i32
      %add3A_659 = vector.broadcast %mul3A_658 : i32 to vector<16xi32>
      %add3A_660 = arith.addi %iota3A_524, %add3A_659 : vector<16xi32>
      tpu.vector_store_idx %arg4[%sub3A_656, %add3A_660], %broadcast_in_dim3A_526 masked %and3A : memref<40x512xf32, #tpu.memory_space<vmem>>[vector<16xi32>, vector<16xi32>], vector<16xf32>, vector<16xi1>
      %scan3A_661 = arith.constant 0 : i32
      scf.yield %scan3A_661 : i32
    }
    %scan3A_533 = arith.constant 32 : i32
    %multiple_of3A_534 = arith.constant 800 : i32
    %multiple_of3A_535 = tpu.assume_multiple %multiple_of3A_534, 8 : i32
    %dma_start3A_536 = tpu.memref_slice %arg3[%multiple_of3A_535, %multiple_of3A] : memref<1000x16384xf32, #tpu.memory_space<hbm>> -> memref<40x512xf32, #tpu.memory_space<hbm>>
    %dma_start3A_537 = tpu.memref_slice %arg3[%multiple_of3A_535, %multiple_of3A] : memref<1000x16384xf32, #tpu.memory_space<hbm>> -> memref<40x512xf32, #tpu.memory_space<hbm>>
    tpu.enqueue_dma source(%arg4 : memref<40x512xf32, #tpu.memory_space<vmem>>) target(%dma_start3A_537 : memref<40x512xf32, #tpu.memory_space<hbm>>) target_semaphore(%arg7 : memref<!tpu.dma_semaphore, #tpu.memory_space<semaphore_mem>>)
    %dma_wait3A_538 = tpu.memref_slice %arg3[%multiple_of3A_509, %multiple_of3A] : memref<1000x16384xf32, #tpu.memory_space<hbm>> -> memref<40x512xf32, #tpu.memory_space<hbm>>
    %dma_wait3A_539 = tpu.memref_slice %arg3[%multiple_of3A_509, %multiple_of3A] : memref<1000x16384xf32, #tpu.memory_space<hbm>> -> memref<40x512xf32, #tpu.memory_space<hbm>>
    tpu.wait_dma2 semaphore(%arg8 : memref<!tpu.dma_semaphore, #tpu.memory_space<semaphore_mem>>) src(%arg5 : memref<40x512xf32, #tpu.memory_space<vmem>>) dst(%dma_wait3A_539 : memref<40x512xf32, #tpu.memory_space<hbm>>)
    %iota3A_540 = tpu.iota {dimensions = array<i32: 0>} : vector<16xi32>
    %broadcast_in_dim3A_541 = arith.constant 1.000000e+00 : f32
    %broadcast_in_dim3A_542 = vector.broadcast %broadcast_in_dim3A_541 : f32 to vector<16xf32>
    %scan3A_543 = arith.constant 0 : i32
    %scan3A_544 = arith.constant 0 : i32
    %scan3A_545 = arith.constant 32 : i32
    %scan3A_546 = arith.addi %scan3A_544, %scan3A_545 : i32
    %scan3A_547 = arith.constant 1 : i32
    %scan3A_548 = scf.for %scan3A_646 = %scan3A_544 to %scan3A_546 step %scan3A_547 iter_args(%scan3A_647 = %scan3A_543) -> (i32)  : i32 {
      %mul3A_648 = arith.constant 16 : i32
      %mul3A_649 = arith.muli %scan3A_646, %mul3A_648 : i32
      %get3A = arith.index_cast %mul3A_649 : i32 to index
      %get3A_650 = tpu.vector_load %arg6[%get3A] {strides = array<i32>} : memref<512xi32, #tpu.memory_space<vmem>>, vector<16xi32>,
      %ge3A = arith.constant 760 : i32
      %ge3A_651 = vector.broadcast %ge3A : i32 to vector<16xi32>
      %ge3A_652 = arith.cmpi sge, %get3A_650, %ge3A_651 : vector<16xi32>
      %lt3A = arith.constant 800 : i32
      %lt3A_653 = vector.broadcast %lt3A : i32 to vector<16xi32>
      %lt3A_654 = arith.cmpi slt, %get3A_650, %lt3A_653 : vector<16xi32>
      %and3A = arith.andi %ge3A_652, %lt3A_654 : vector<16xi1>
      %sub3A = arith.constant 760 : i32
      %sub3A_655 = vector.broadcast %sub3A : i32 to vector<16xi32>
      %sub3A_656 = arith.subi %get3A_650, %sub3A_655 : vector<16xi32>
      %mul3A_657 = arith.constant 16 : i32
      %mul3A_658 = arith.muli %scan3A_646, %mul3A_657 : i32
      %add3A_659 = vector.broadcast %mul3A_658 : i32 to vector<16xi32>
      %add3A_660 = arith.addi %iota3A_540, %add3A_659 : vector<16xi32>
      tpu.vector_store_idx %arg5[%sub3A_656, %add3A_660], %broadcast_in_dim3A_542 masked %and3A : memref<40x512xf32, #tpu.memory_space<vmem>>[vector<16xi32>, vector<16xi32>], vector<16xf32>, vector<16xi1>
      %scan3A_661 = arith.constant 0 : i32
      scf.yield %scan3A_661 : i32
    }
    %scan3A_549 = arith.constant 32 : i32
    %iota3A_550 = tpu.iota {dimensions = array<i32: 0>} : vector<16xi32>
    %broadcast_in_dim3A_551 = arith.constant 1.001000e+03 : f32
    %broadcast_in_dim3A_552 = vector.broadcast %broadcast_in_dim3A_551 : f32 to vector<16xf32>
    %scan3A_553 = arith.constant 0 : i32
    %scan3A_554 = arith.constant 0 : i32
    %scan3A_555 = arith.constant 32 : i32
    %scan3A_556 = arith.addi %scan3A_554, %scan3A_555 : i32
    %scan3A_557 = arith.constant 1 : i32
    %scan3A_558 = scf.for %scan3A_646 = %scan3A_554 to %scan3A_556 step %scan3A_557 iter_args(%scan3A_647 = %scan3A_553) -> (i32)  : i32 {
      %mul3A_648 = arith.constant 16 : i32
      %mul3A_649 = arith.muli %scan3A_646, %mul3A_648 : i32
      %get3A = arith.index_cast %mul3A_649 : i32 to index
      %get3A_650 = tpu.vector_load %arg6[%get3A] {strides = array<i32>} : memref<512xi32, #tpu.memory_space<vmem>>, vector<16xi32>,
      %ge3A = arith.constant 840 : i32
      %ge3A_651 = vector.broadcast %ge3A : i32 to vector<16xi32>
      %ge3A_652 = arith.cmpi sge, %get3A_650, %ge3A_651 : vector<16xi32>
      %lt3A = arith.constant 880 : i32
      %lt3A_653 = vector.broadcast %lt3A : i32 to vector<16xi32>
      %lt3A_654 = arith.cmpi slt, %get3A_650, %lt3A_653 : vector<16xi32>
      %and3A = arith.andi %ge3A_652, %lt3A_654 : vector<16xi1>
      %sub3A = arith.constant 840 : i32
      %sub3A_655 = vector.broadcast %sub3A : i32 to vector<16xi32>
      %sub3A_656 = arith.subi %get3A_650, %sub3A_655 : vector<16xi32>
      %mul3A_657 = arith.constant 16 : i32
      %mul3A_658 = arith.muli %scan3A_646, %mul3A_657 : i32
      %add3A_659 = vector.broadcast %mul3A_658 : i32 to vector<16xi32>
      %add3A_660 = arith.addi %iota3A_550, %add3A_659 : vector<16xi32>
      tpu.vector_store_idx %arg5[%sub3A_656, %add3A_660], %broadcast_in_dim3A_552 masked %and3A : memref<40x512xf32, #tpu.memory_space<vmem>>[vector<16xi32>, vector<16xi32>], vector<16xf32>, vector<16xi1>
      %scan3A_661 = arith.constant 0 : i32
      scf.yield %scan3A_661 : i32
    }
    %scan3A_559 = arith.constant 32 : i32
    %multiple_of3A_560 = arith.constant 840 : i32
    %multiple_of3A_561 = tpu.assume_multiple %multiple_of3A_560, 8 : i32
    %dma_start3A_562 = tpu.memref_slice %arg3[%multiple_of3A_561, %multiple_of3A] : memref<1000x16384xf32, #tpu.memory_space<hbm>> -> memref<40x512xf32, #tpu.memory_space<hbm>>
    %dma_start3A_563 = tpu.memref_slice %arg3[%multiple_of3A_561, %multiple_of3A] : memref<1000x16384xf32, #tpu.memory_space<hbm>> -> memref<40x512xf32, #tpu.memory_space<hbm>>
    tpu.enqueue_dma source(%arg5 : memref<40x512xf32, #tpu.memory_space<vmem>>) target(%dma_start3A_563 : memref<40x512xf32, #tpu.memory_space<hbm>>) target_semaphore(%arg8 : memref<!tpu.dma_semaphore, #tpu.memory_space<semaphore_mem>>)
    %dma_wait3A_564 = tpu.memref_slice %arg3[%multiple_of3A_535, %multiple_of3A] : memref<1000x16384xf32, #tpu.memory_space<hbm>> -> memref<40x512xf32, #tpu.memory_space<hbm>>
    %dma_wait3A_565 = tpu.memref_slice %arg3[%multiple_of3A_535, %multiple_of3A] : memref<1000x16384xf32, #tpu.memory_space<hbm>> -> memref<40x512xf32, #tpu.memory_space<hbm>>
    tpu.wait_dma2 semaphore(%arg7 : memref<!tpu.dma_semaphore, #tpu.memory_space<semaphore_mem>>) src(%arg4 : memref<40x512xf32, #tpu.memory_space<vmem>>) dst(%dma_wait3A_565 : memref<40x512xf32, #tpu.memory_space<hbm>>)
    %iota3A_566 = tpu.iota {dimensions = array<i32: 0>} : vector<16xi32>
    %broadcast_in_dim3A_567 = arith.constant 1.000000e+00 : f32
    %broadcast_in_dim3A_568 = vector.broadcast %broadcast_in_dim3A_567 : f32 to vector<16xf32>
    %scan3A_569 = arith.constant 0 : i32
    %scan3A_570 = arith.constant 0 : i32
    %scan3A_571 = arith.constant 32 : i32
    %scan3A_572 = arith.addi %scan3A_570, %scan3A_571 : i32
    %scan3A_573 = arith.constant 1 : i32
    %scan3A_574 = scf.for %scan3A_646 = %scan3A_570 to %scan3A_572 step %scan3A_573 iter_args(%scan3A_647 = %scan3A_569) -> (i32)  : i32 {
      %mul3A_648 = arith.constant 16 : i32
      %mul3A_649 = arith.muli %scan3A_646, %mul3A_648 : i32
      %get3A = arith.index_cast %mul3A_649 : i32 to index
      %get3A_650 = tpu.vector_load %arg6[%get3A] {strides = array<i32>} : memref<512xi32, #tpu.memory_space<vmem>>, vector<16xi32>,
      %ge3A = arith.constant 800 : i32
      %ge3A_651 = vector.broadcast %ge3A : i32 to vector<16xi32>
      %ge3A_652 = arith.cmpi sge, %get3A_650, %ge3A_651 : vector<16xi32>
      %lt3A = arith.constant 840 : i32
      %lt3A_653 = vector.broadcast %lt3A : i32 to vector<16xi32>
      %lt3A_654 = arith.cmpi slt, %get3A_650, %lt3A_653 : vector<16xi32>
      %and3A = arith.andi %ge3A_652, %lt3A_654 : vector<16xi1>
      %sub3A = arith.constant 800 : i32
      %sub3A_655 = vector.broadcast %sub3A : i32 to vector<16xi32>
      %sub3A_656 = arith.subi %get3A_650, %sub3A_655 : vector<16xi32>
      %mul3A_657 = arith.constant 16 : i32
      %mul3A_658 = arith.muli %scan3A_646, %mul3A_657 : i32
      %add3A_659 = vector.broadcast %mul3A_658 : i32 to vector<16xi32>
      %add3A_660 = arith.addi %iota3A_566, %add3A_659 : vector<16xi32>
      tpu.vector_store_idx %arg4[%sub3A_656, %add3A_660], %broadcast_in_dim3A_568 masked %and3A : memref<40x512xf32, #tpu.memory_space<vmem>>[vector<16xi32>, vector<16xi32>], vector<16xf32>, vector<16xi1>
      %scan3A_661 = arith.constant 0 : i32
      scf.yield %scan3A_661 : i32
    }
    %scan3A_575 = arith.constant 32 : i32
    %iota3A_576 = tpu.iota {dimensions = array<i32: 0>} : vector<16xi32>
    %broadcast_in_dim3A_577 = arith.constant 1.001000e+03 : f32
    %broadcast_in_dim3A_578 = vector.broadcast %broadcast_in_dim3A_577 : f32 to vector<16xf32>
    %scan3A_579 = arith.constant 0 : i32
    %scan3A_580 = arith.constant 0 : i32
    %scan3A_581 = arith.constant 32 : i32
    %scan3A_582 = arith.addi %scan3A_580, %scan3A_581 : i32
    %scan3A_583 = arith.constant 1 : i32
    %scan3A_584 = scf.for %scan3A_646 = %scan3A_580 to %scan3A_582 step %scan3A_583 iter_args(%scan3A_647 = %scan3A_579) -> (i32)  : i32 {
      %mul3A_648 = arith.constant 16 : i32
      %mul3A_649 = arith.muli %scan3A_646, %mul3A_648 : i32
      %get3A = arith.index_cast %mul3A_649 : i32 to index
      %get3A_650 = tpu.vector_load %arg6[%get3A] {strides = array<i32>} : memref<512xi32, #tpu.memory_space<vmem>>, vector<16xi32>,
      %ge3A = arith.constant 880 : i32
      %ge3A_651 = vector.broadcast %ge3A : i32 to vector<16xi32>
      %ge3A_652 = arith.cmpi sge, %get3A_650, %ge3A_651 : vector<16xi32>
      %lt3A = arith.constant 920 : i32
      %lt3A_653 = vector.broadcast %lt3A : i32 to vector<16xi32>
      %lt3A_654 = arith.cmpi slt, %get3A_650, %lt3A_653 : vector<16xi32>
      %and3A = arith.andi %ge3A_652, %lt3A_654 : vector<16xi1>
      %sub3A = arith.constant 880 : i32
      %sub3A_655 = vector.broadcast %sub3A : i32 to vector<16xi32>
      %sub3A_656 = arith.subi %get3A_650, %sub3A_655 : vector<16xi32>
      %mul3A_657 = arith.constant 16 : i32
      %mul3A_658 = arith.muli %scan3A_646, %mul3A_657 : i32
      %add3A_659 = vector.broadcast %mul3A_658 : i32 to vector<16xi32>
      %add3A_660 = arith.addi %iota3A_576, %add3A_659 : vector<16xi32>
      tpu.vector_store_idx %arg4[%sub3A_656, %add3A_660], %broadcast_in_dim3A_578 masked %and3A : memref<40x512xf32, #tpu.memory_space<vmem>>[vector<16xi32>, vector<16xi32>], vector<16xf32>, vector<16xi1>
      %scan3A_661 = arith.constant 0 : i32
      scf.yield %scan3A_661 : i32
    }
    %scan3A_585 = arith.constant 32 : i32
    %multiple_of3A_586 = arith.constant 880 : i32
    %multiple_of3A_587 = tpu.assume_multiple %multiple_of3A_586, 8 : i32
    %dma_start3A_588 = tpu.memref_slice %arg3[%multiple_of3A_587, %multiple_of3A] : memref<1000x16384xf32, #tpu.memory_space<hbm>> -> memref<40x512xf32, #tpu.memory_space<hbm>>
    %dma_start3A_589 = tpu.memref_slice %arg3[%multiple_of3A_587, %multiple_of3A] : memref<1000x16384xf32, #tpu.memory_space<hbm>> -> memref<40x512xf32, #tpu.memory_space<hbm>>
    tpu.enqueue_dma source(%arg4 : memref<40x512xf32, #tpu.memory_space<vmem>>) target(%dma_start3A_589 : memref<40x512xf32, #tpu.memory_space<hbm>>) target_semaphore(%arg7 : memref<!tpu.dma_semaphore, #tpu.memory_space<semaphore_mem>>)
    %dma_wait3A_590 = tpu.memref_slice %arg3[%multiple_of3A_561, %multiple_of3A] : memref<1000x16384xf32, #tpu.memory_space<hbm>> -> memref<40x512xf32, #tpu.memory_space<hbm>>
    %dma_wait3A_591 = tpu.memref_slice %arg3[%multiple_of3A_561, %multiple_of3A] : memref<1000x16384xf32, #tpu.memory_space<hbm>> -> memref<40x512xf32, #tpu.memory_space<hbm>>
    tpu.wait_dma2 semaphore(%arg8 : memref<!tpu.dma_semaphore, #tpu.memory_space<semaphore_mem>>) src(%arg5 : memref<40x512xf32, #tpu.memory_space<vmem>>) dst(%dma_wait3A_591 : memref<40x512xf32, #tpu.memory_space<hbm>>)
    %iota3A_592 = tpu.iota {dimensions = array<i32: 0>} : vector<16xi32>
    %broadcast_in_dim3A_593 = arith.constant 1.000000e+00 : f32
    %broadcast_in_dim3A_594 = vector.broadcast %broadcast_in_dim3A_593 : f32 to vector<16xf32>
    %scan3A_595 = arith.constant 0 : i32
    %scan3A_596 = arith.constant 0 : i32
    %scan3A_597 = arith.constant 32 : i32
    %scan3A_598 = arith.addi %scan3A_596, %scan3A_597 : i32
    %scan3A_599 = arith.constant 1 : i32
    %scan3A_600 = scf.for %scan3A_646 = %scan3A_596 to %scan3A_598 step %scan3A_599 iter_args(%scan3A_647 = %scan3A_595) -> (i32)  : i32 {
      %mul3A_648 = arith.constant 16 : i32
      %mul3A_649 = arith.muli %scan3A_646, %mul3A_648 : i32
      %get3A = arith.index_cast %mul3A_649 : i32 to index
      %get3A_650 = tpu.vector_load %arg6[%get3A] {strides = array<i32>} : memref<512xi32, #tpu.memory_space<vmem>>, vector<16xi32>,
      %ge3A = arith.constant 840 : i32
      %ge3A_651 = vector.broadcast %ge3A : i32 to vector<16xi32>
      %ge3A_652 = arith.cmpi sge, %get3A_650, %ge3A_651 : vector<16xi32>
      %lt3A = arith.constant 880 : i32
      %lt3A_653 = vector.broadcast %lt3A : i32 to vector<16xi32>
      %lt3A_654 = arith.cmpi slt, %get3A_650, %lt3A_653 : vector<16xi32>
      %and3A = arith.andi %ge3A_652, %lt3A_654 : vector<16xi1>
      %sub3A = arith.constant 840 : i32
      %sub3A_655 = vector.broadcast %sub3A : i32 to vector<16xi32>
      %sub3A_656 = arith.subi %get3A_650, %sub3A_655 : vector<16xi32>
      %mul3A_657 = arith.constant 16 : i32
      %mul3A_658 = arith.muli %scan3A_646, %mul3A_657 : i32
      %add3A_659 = vector.broadcast %mul3A_658 : i32 to vector<16xi32>
      %add3A_660 = arith.addi %iota3A_592, %add3A_659 : vector<16xi32>
      tpu.vector_store_idx %arg5[%sub3A_656, %add3A_660], %broadcast_in_dim3A_594 masked %and3A : memref<40x512xf32, #tpu.memory_space<vmem>>[vector<16xi32>, vector<16xi32>], vector<16xf32>, vector<16xi1>
      %scan3A_661 = arith.constant 0 : i32
      scf.yield %scan3A_661 : i32
    }
    %scan3A_601 = arith.constant 32 : i32
    %iota3A_602 = tpu.iota {dimensions = array<i32: 0>} : vector<16xi32>
    %broadcast_in_dim3A_603 = arith.constant 1.001000e+03 : f32
    %broadcast_in_dim3A_604 = vector.broadcast %broadcast_in_dim3A_603 : f32 to vector<16xf32>
    %scan3A_605 = arith.constant 0 : i32
    %scan3A_606 = arith.constant 0 : i32
    %scan3A_607 = arith.constant 32 : i32
    %scan3A_608 = arith.addi %scan3A_606, %scan3A_607 : i32
    %scan3A_609 = arith.constant 1 : i32
    %scan3A_610 = scf.for %scan3A_646 = %scan3A_606 to %scan3A_608 step %scan3A_609 iter_args(%scan3A_647 = %scan3A_605) -> (i32)  : i32 {
      %mul3A_648 = arith.constant 16 : i32
      %mul3A_649 = arith.muli %scan3A_646, %mul3A_648 : i32
      %get3A = arith.index_cast %mul3A_649 : i32 to index
      %get3A_650 = tpu.vector_load %arg6[%get3A] {strides = array<i32>} : memref<512xi32, #tpu.memory_space<vmem>>, vector<16xi32>,
      %ge3A = arith.constant 920 : i32
      %ge3A_651 = vector.broadcast %ge3A : i32 to vector<16xi32>
      %ge3A_652 = arith.cmpi sge, %get3A_650, %ge3A_651 : vector<16xi32>
      %lt3A = arith.constant 960 : i32
      %lt3A_653 = vector.broadcast %lt3A : i32 to vector<16xi32>
      %lt3A_654 = arith.cmpi slt, %get3A_650, %lt3A_653 : vector<16xi32>
      %and3A = arith.andi %ge3A_652, %lt3A_654 : vector<16xi1>
      %sub3A = arith.constant 920 : i32
      %sub3A_655 = vector.broadcast %sub3A : i32 to vector<16xi32>
      %sub3A_656 = arith.subi %get3A_650, %sub3A_655 : vector<16xi32>
      %mul3A_657 = arith.constant 16 : i32
      %mul3A_658 = arith.muli %scan3A_646, %mul3A_657 : i32
      %add3A_659 = vector.broadcast %mul3A_658 : i32 to vector<16xi32>
      %add3A_660 = arith.addi %iota3A_602, %add3A_659 : vector<16xi32>
      tpu.vector_store_idx %arg5[%sub3A_656, %add3A_660], %broadcast_in_dim3A_604 masked %and3A : memref<40x512xf32, #tpu.memory_space<vmem>>[vector<16xi32>, vector<16xi32>], vector<16xf32>, vector<16xi1>
      %scan3A_661 = arith.constant 0 : i32
      scf.yield %scan3A_661 : i32
    }
    %scan3A_611 = arith.constant 32 : i32
    %multiple_of3A_612 = arith.constant 920 : i32
    %multiple_of3A_613 = tpu.assume_multiple %multiple_of3A_612, 8 : i32
    %dma_start3A_614 = tpu.memref_slice %arg3[%multiple_of3A_613, %multiple_of3A] : memref<1000x16384xf32, #tpu.memory_space<hbm>> -> memref<40x512xf32, #tpu.memory_space<hbm>>
    %dma_start3A_615 = tpu.memref_slice %arg3[%multiple_of3A_613, %multiple_of3A] : memref<1000x16384xf32, #tpu.memory_space<hbm>> -> memref<40x512xf32, #tpu.memory_space<hbm>>
    tpu.enqueue_dma source(%arg5 : memref<40x512xf32, #tpu.memory_space<vmem>>) target(%dma_start3A_615 : memref<40x512xf32, #tpu.memory_space<hbm>>) target_semaphore(%arg8 : memref<!tpu.dma_semaphore, #tpu.memory_space<semaphore_mem>>)
    %dma_wait3A_616 = tpu.memref_slice %arg3[%multiple_of3A_587, %multiple_of3A] : memref<1000x16384xf32, #tpu.memory_space<hbm>> -> memref<40x512xf32, #tpu.memory_space<hbm>>
    %dma_wait3A_617 = tpu.memref_slice %arg3[%multiple_of3A_587, %multiple_of3A] : memref<1000x16384xf32, #tpu.memory_space<hbm>> -> memref<40x512xf32, #tpu.memory_space<hbm>>
    tpu.wait_dma2 semaphore(%arg7 : memref<!tpu.dma_semaphore, #tpu.memory_space<semaphore_mem>>) src(%arg4 : memref<40x512xf32, #tpu.memory_space<vmem>>) dst(%dma_wait3A_617 : memref<40x512xf32, #tpu.memory_space<hbm>>)
    %iota3A_618 = tpu.iota {dimensions = array<i32: 0>} : vector<16xi32>
    %broadcast_in_dim3A_619 = arith.constant 1.000000e+00 : f32
    %broadcast_in_dim3A_620 = vector.broadcast %broadcast_in_dim3A_619 : f32 to vector<16xf32>
    %scan3A_621 = arith.constant 0 : i32
    %scan3A_622 = arith.constant 0 : i32
    %scan3A_623 = arith.constant 32 : i32
    %scan3A_624 = arith.addi %scan3A_622, %scan3A_623 : i32
    %scan3A_625 = arith.constant 1 : i32
    %scan3A_626 = scf.for %scan3A_646 = %scan3A_622 to %scan3A_624 step %scan3A_625 iter_args(%scan3A_647 = %scan3A_621) -> (i32)  : i32 {
      %mul3A_648 = arith.constant 16 : i32
      %mul3A_649 = arith.muli %scan3A_646, %mul3A_648 : i32
      %get3A = arith.index_cast %mul3A_649 : i32 to index
      %get3A_650 = tpu.vector_load %arg6[%get3A] {strides = array<i32>} : memref<512xi32, #tpu.memory_space<vmem>>, vector<16xi32>,
      %ge3A = arith.constant 880 : i32
      %ge3A_651 = vector.broadcast %ge3A : i32 to vector<16xi32>
      %ge3A_652 = arith.cmpi sge, %get3A_650, %ge3A_651 : vector<16xi32>
      %lt3A = arith.constant 920 : i32
      %lt3A_653 = vector.broadcast %lt3A : i32 to vector<16xi32>
      %lt3A_654 = arith.cmpi slt, %get3A_650, %lt3A_653 : vector<16xi32>
      %and3A = arith.andi %ge3A_652, %lt3A_654 : vector<16xi1>
      %sub3A = arith.constant 880 : i32
      %sub3A_655 = vector.broadcast %sub3A : i32 to vector<16xi32>
      %sub3A_656 = arith.subi %get3A_650, %sub3A_655 : vector<16xi32>
      %mul3A_657 = arith.constant 16 : i32
      %mul3A_658 = arith.muli %scan3A_646, %mul3A_657 : i32
      %add3A_659 = vector.broadcast %mul3A_658 : i32 to vector<16xi32>
      %add3A_660 = arith.addi %iota3A_618, %add3A_659 : vector<16xi32>
      tpu.vector_store_idx %arg4[%sub3A_656, %add3A_660], %broadcast_in_dim3A_620 masked %and3A : memref<40x512xf32, #tpu.memory_space<vmem>>[vector<16xi32>, vector<16xi32>], vector<16xf32>, vector<16xi1>
      %scan3A_661 = arith.constant 0 : i32
      scf.yield %scan3A_661 : i32
    }
    %scan3A_627 = arith.constant 32 : i32
    %iota3A_628 = tpu.iota {dimensions = array<i32: 0>} : vector<16xi32>
    %broadcast_in_dim3A_629 = arith.constant 1.001000e+03 : f32
    %broadcast_in_dim3A_630 = vector.broadcast %broadcast_in_dim3A_629 : f32 to vector<16xf32>
    %scan3A_631 = arith.constant 0 : i32
    %scan3A_632 = arith.constant 0 : i32
    %scan3A_633 = arith.constant 32 : i32
    %scan3A_634 = arith.addi %scan3A_632, %scan3A_633 : i32
    %scan3A_635 = arith.constant 1 : i32
    %scan3A_636 = scf.for %scan3A_646 = %scan3A_632 to %scan3A_634 step %scan3A_635 iter_args(%scan3A_647 = %scan3A_631) -> (i32)  : i32 {
      %mul3A_648 = arith.constant 16 : i32
      %mul3A_649 = arith.muli %scan3A_646, %mul3A_648 : i32
      %get3A = arith.index_cast %mul3A_649 : i32 to index
      %get3A_650 = tpu.vector_load %arg6[%get3A] {strides = array<i32>} : memref<512xi32, #tpu.memory_space<vmem>>, vector<16xi32>,
      %ge3A = arith.constant 960 : i32
      %ge3A_651 = vector.broadcast %ge3A : i32 to vector<16xi32>
      %ge3A_652 = arith.cmpi sge, %get3A_650, %ge3A_651 : vector<16xi32>
      %lt3A = arith.constant 1000 : i32
      %lt3A_653 = vector.broadcast %lt3A : i32 to vector<16xi32>
      %lt3A_654 = arith.cmpi slt, %get3A_650, %lt3A_653 : vector<16xi32>
      %and3A = arith.andi %ge3A_652, %lt3A_654 : vector<16xi1>
      %sub3A = arith.constant 960 : i32
      %sub3A_655 = vector.broadcast %sub3A : i32 to vector<16xi32>
      %sub3A_656 = arith.subi %get3A_650, %sub3A_655 : vector<16xi32>
      %mul3A_657 = arith.constant 16 : i32
      %mul3A_658 = arith.muli %scan3A_646, %mul3A_657 : i32
      %add3A_659 = vector.broadcast %mul3A_658 : i32 to vector<16xi32>
      %add3A_660 = arith.addi %iota3A_628, %add3A_659 : vector<16xi32>
      tpu.vector_store_idx %arg4[%sub3A_656, %add3A_660], %broadcast_in_dim3A_630 masked %and3A : memref<40x512xf32, #tpu.memory_space<vmem>>[vector<16xi32>, vector<16xi32>], vector<16xf32>, vector<16xi1>
      %scan3A_661 = arith.constant 0 : i32
      scf.yield %scan3A_661 : i32
    }
    %scan3A_637 = arith.constant 32 : i32
    %multiple_of3A_638 = arith.constant 960 : i32
    %multiple_of3A_639 = tpu.assume_multiple %multiple_of3A_638, 8 : i32
    %dma_start3A_640 = tpu.memref_slice %arg3[%multiple_of3A_639, %multiple_of3A] : memref<1000x16384xf32, #tpu.memory_space<hbm>> -> memref<40x512xf32, #tpu.memory_space<hbm>>
    %dma_start3A_641 = tpu.memref_slice %arg3[%multiple_of3A_639, %multiple_of3A] : memref<1000x16384xf32, #tpu.memory_space<hbm>> -> memref<40x512xf32, #tpu.memory_space<hbm>>
    tpu.enqueue_dma source(%arg4 : memref<40x512xf32, #tpu.memory_space<vmem>>) target(%dma_start3A_641 : memref<40x512xf32, #tpu.memory_space<hbm>>) target_semaphore(%arg7 : memref<!tpu.dma_semaphore, #tpu.memory_space<semaphore_mem>>)
    %dma_wait3A_642 = tpu.memref_slice %arg3[%multiple_of3A_639, %multiple_of3A] : memref<1000x16384xf32, #tpu.memory_space<hbm>> -> memref<40x512xf32, #tpu.memory_space<hbm>>
    %dma_wait3A_643 = tpu.memref_slice %arg3[%multiple_of3A_639, %multiple_of3A] : memref<1000x16384xf32, #tpu.memory_space<hbm>> -> memref<40x512xf32, #tpu.memory_space<hbm>>
    tpu.wait_dma2 semaphore(%arg7 : memref<!tpu.dma_semaphore, #tpu.memory_space<semaphore_mem>>) src(%arg4 : memref<40x512xf32, #tpu.memory_space<vmem>>) dst(%dma_wait3A_643 : memref<40x512xf32, #tpu.memory_space<hbm>>)
    %dma_wait3A_644 = tpu.memref_slice %arg3[%multiple_of3A_613, %multiple_of3A] : memref<1000x16384xf32, #tpu.memory_space<hbm>> -> memref<40x512xf32, #tpu.memory_space<hbm>>
    %dma_wait3A_645 = tpu.memref_slice %arg3[%multiple_of3A_613, %multiple_of3A] : memref<1000x16384xf32, #tpu.memory_space<hbm>> -> memref<40x512xf32, #tpu.memory_space<hbm>>
    tpu.wait_dma2 semaphore(%arg8 : memref<!tpu.dma_semaphore, #tpu.memory_space<semaphore_mem>>) src(%arg5 : memref<40x512xf32, #tpu.memory_space<vmem>>) dst(%dma_wait3A_645 : memref<40x512xf32, #tpu.memory_space<hbm>>)
    return
  }
}

</mosaic_0001>

<sc_bundles>
// kernel: kernel.3.cloned.1.call-start
scs
__scs_entry_jumppad:
0x0: {  	(pc) =	sbr.rel $0x88, $3  }
0x1: {  	(tag) =	ssettag $0x0;
	lr =	simm.s32 $0x1  }
0x2: {  	[smem:$0x3FA0] =	sst lr;
	_ =	strace $0xD0000000  }
0x3: {  	_ = 	snop  }
0x4: {  	_ = 	snop  }
0x5: {  	_ = 	snop  }
0x6: {  	_ = 	snop  }
0x7: {  	_ = 	snop  }
__scs_overlays_trampoline_lowered:
0x8: {  	[smem:$0x3FAF] =	sst s0  }
0x9: {  	[smem:$0x3FB0] =	sst s1  }
0xa: {  	[smem:$0x3FB1] =	sst s2  }
0xb: {  	[smem:$0x3FB2] =	sst s3  }
0xc: {  	[smem:$0x3FB3] =	sst s4  }
0xd: {  	[smem:$0x3FB4] =	sst s5  }
0xe: {  	[smem:$0x3FB5] =	sst s6  }
0xf: {  	[smem:$0x3FB6] =	sst s7  }
0x10: {  	[smem:$0x3FB7] =	sst s8  }
0x11: {  	[smem:$0x3FB8] =	sst s9;
	s0 =	simm.s32 @!p0 $0x0  }
0x12: {  	s1 =	sld [smem:$0x3F9E];
	s0 =	simm.s32 @p0 $0x1  }
0x13: {  	[smem:$0x3FB9] =	sst s0;
	s0 =	simm.s32 @!p1 $0x0  }
0x14: {  	s2 =	sld [smem:$0x3F9D];
	s0 =	simm.s32 @p1 $0x1  }
0x15: {  	[smem:$0x3FBA] =	sst s0;
	s0 =	simm.s32 @!p2 $0x0  }
0x16: {  	s3 =	sld [smem:$0x3FDB];
	s0 =	simm.s32 @p2 $0x1  }
0x17: {  	s4 =	simm.s32 $0x1BF5;
	[smem:$0x3FBC] =	sst s0  }
0x18: {  	s0 =	sld [smem:$0x3F9F];
	_ =	swait.ge [sflag:s4], $0x0  }
0x19: {  	s7 =	sld [smem:$0x3FA0]  }
0x1a: {  	s8 =	sadd.s32 $0xFFFFE003, lr  }
0x1b: {  	s9 =	sadd.s32 $0xFFFFFEF7, lr;
	s5 =	simm.s32 $0xFFFFFFFF;
	p2 =	slt.u32 s8, $0xFFFFF086  }
0x1c: {  	p1 =	slt.u32 s9, $0xF7A;
	s5 =	simm.s32 @!p2 $0x0  }
0x1d: {  	s5 =	simm.s32 @p1 $0x1;
	p0 =	seq.s32 s7, s2  }
0x1e: {  	s7 =	smul.u32 @!p0 $0xF7A, s2;
	p2 =	seq.s32 @!p0 s5, $0x0  }
0x1f: {  	s9 =	smul.u32 $0xF7A, s1;
	s8 =	simm.s32 @!p0 $0x1BF5;
	p2 =	por !p2, p0  }
0x20: {  	[sflag:s8] =	ssyncset.s32 @!p0 $0xFFFFF086;
	s6 =	sadd.s32 @!p0 s3, s7;
	s7 =	simm.s32 @!p0 $0x108  }
0x21: {  	s3 =	sadd.s32 s3, s9;
	s6 =	sadd.s32 @!p0 $0x88, s6;
	s7 =	simm.s32 @p2 $0x1082  }
0x22: {  	[simem:s7], [sflag:s8] =	dma.local @!p0 [hbm:s6], $0xF7A  }
0x23: {  	s9 =	sor.u32 $0xD0000000, s2;
	s6 =	simm.s32 $0x108;
	_ =	swait.ge @!p0 [sflag:s8], $0x0  }
0x24: {  	s3 =	sadd.s32 $0x88, s3;
	s6 =	simm.s32 @!p1 $0x1082;
	[sflag:s4] =	ssyncset.s32 $0xFFFFF086  }
0x25: {  	[simem:s6], [sflag:s4] =	dma.local [hbm:s3], $0xF7A  }
0x26: {  	[smem:$0x3FA0] =	sst s1;
	(tag) =	ssettag s2;
	_ =	strace s9  }
0x27: {  	s1 =	sld [smem:$0x3FB0]  }
0x28: {  	s2 =	sld [smem:$0x3FB1]  }
0x29: {  	s4 =	sld [smem:$0x3FB3]  }
0x2a: {  	p0 =	seq.s32 s5, $0x0;
	s5 =	sld [smem:$0x3FB4]  }
0x2b: {  	s6 =	sld [smem:$0x3FB5]  }
0x2c: {  	s7 =	sld [smem:$0x3FB6]  }
0x2d: {  	s3 =	simm.s32 $0x108;
	s8 =	sld [smem:$0x3FB7]  }
0x2e: {  	s3 =	simm.s32 @!p0 $0x1082;
	s9 =	sld [smem:$0x3FB8]  }
0x2f: {  	lr =	sadd.s32 s0, s3;
	s0 =	sld [smem:$0x3FAF]  }
0x30: {  	s3 =	sld [smem:$0x3FB2]  }
0x31: {  	[smem:$0x3FBB] =	sst s10  }
0x32: {  	s10 =	sld [smem:$0x3FB9];
	_ =	sdelay $0x3  }
0x33: {  	p0 =	seq.s32 s10, $0x1;
	s10 =	sld [smem:$0x3FBB];
	_ =	sdelay $0x3  }
0x34: {  	[smem:$0x3FBB] =	sst s10  }
0x35: {  	s10 =	sld [smem:$0x3FBA];
	_ =	sdelay $0x3  }
0x36: {  	p1 =	seq.s32 s10, $0x1;
	s10 =	sld [smem:$0x3FBB];
	_ =	sdelay $0x3  }
0x37: {  	[smem:$0x3FBB] =	sst s10  }
0x38: {  	s10 =	sld [smem:$0x3FBC]  }
0x39: {  	_ = 	snop;
	(pc) =	sbr.ind lr, $3  }
0x3a: {  	_ = 	snop  }
0x3b: {  	_ = 	snop  }
0x3c: {  	p2 =	seq.s32 s10, $0x1;
	s10 =	sld [smem:$0x3FBB]  }
0x3d: {  	_ =	shalt  }
0x3e: {  	_ =	shalt  }
0x3f: {  	_ =	shalt  }
0x40: {  	_ =	shalt  }
0x41: {  	_ =	shalt  }
0x42: {  	_ =	shalt  }
0x43: {  	_ =	shalt  }
0x44: {  	_ =	shalt  }
0x45: {  	_ =	shalt  }
0x46: {  	_ =	shalt  }
0x47: {  	_ =	shalt  }
0x48: {  	_ =	shalt  }
0x49: {  	_ =	shalt  }
0x4a: {  	_ =	shalt  }
0x4b: {  	_ =	shalt  }
0x4c: {  	_ =	shalt  }
0x4d: {  	_ =	shalt  }
0x4e: {  	_ =	shalt  }
0x4f: {  	_ =	shalt  }
0x50: {  	_ =	shalt  }
0x51: {  	_ =	shalt  }
0x52: {  	_ =	shalt  }
0x53: {  	_ =	shalt  }
0x54: {  	_ =	shalt  }
0x55: {  	_ =	shalt  }
0x56: {  	_ =	shalt  }
0x57: {  	_ =	shalt  }
0x58: {  	_ =	shalt  }
0x59: {  	_ =	shalt  }
0x5a: {  	_ =	shalt  }
0x5b: {  	_ =	shalt  }
0x5c: {  	_ =	shalt  }
0x5d: {  	_ =	shalt  }
0x5e: {  	_ =	shalt  }
0x5f: {  	_ =	shalt  }
0x60: {  	_ =	shalt  }
0x61: {  	_ =	shalt  }
0x62: {  	_ =	shalt  }
0x63: {  	_ =	shalt  }
0x64: {  	_ =	shalt  }
0x65: {  	_ =	shalt  }
0x66: {  	_ =	shalt  }
0x67: {  	_ =	shalt  }
0x68: {  	_ =	shalt  }
0x69: {  	_ =	shalt  }
0x6a: {  	_ =	shalt  }
0x6b: {  	_ =	shalt  }
0x6c: {  	_ =	shalt  }
0x6d: {  	_ =	shalt  }
0x6e: {  	_ =	shalt  }
0x6f: {  	_ =	shalt  }
0x70: {  	_ =	shalt  }
0x71: {  	_ =	shalt  }
0x72: {  	_ =	shalt  }
0x73: {  	_ =	shalt  }
0x74: {  	_ =	shalt  }
0x75: {  	_ =	shalt  }
0x76: {  	_ =	shalt  }
0x77: {  	_ =	shalt  }
0x78: {  	_ =	shalt  }
0x79: {  	_ =	shalt  }
0x7a: {  	_ =	shalt  }
0x7b: {  	_ =	shalt  }
0x7c: {  	_ =	shalt  }
0x7d: {  	_ =	shalt  }
0x7e: {  	_ =	shalt  }
0x7f: {  	_ =	shalt  }
0x80: {  	_ =	shalt  }
0x81: {  	_ =	shalt  }
0x82: {  	_ =	shalt  }
0x83: {  	_ =	shalt  }
0x84: {  	_ =	shalt  }
0x85: {  	_ =	shalt  }
0x86: {  	_ =	shalt  }
0x87: {  	_ =	shalt  }
.Lfunc_end0:
.L_simem_size_0:
called_computation_lowered:
.L_overlay_start_0:
0x88: {  	s2 =	sld [smem:$0x3FD9]  }
0x89: {  	s3 =	sld [smem:$0x3FFE];
	_ =	sdelay $0x1  }
0x8a: {  	s1 =	srdreg.scid  }
0x8b: {  	s0 =	sand.u32 $0x1, s1  }
0x8c: {  	s18 =	sshll.u32 s0, $0xA;
	s2 =	sadd.s32 s3, s2  }
0x8d: {  	s2 =	sadd.s32 s2, s18  }
0x8e: {  	[smem:$0x3FC7] =	sst s2  }
0x8f: {  	_ = 	snop  }
0x90: {  	s2 =	sld [smem:$0x3FC9]  }
0x91: {  	s19 =	sld [smem:$0x3FD0];
	(tm) =	ssettm $0x1  }
0x92: {  	s4 =	sld [smem:$0x3FFB];
	_ =	sdelay $0x3  }
0x93: {  	_ =	strace s4  }
0x94: {  	s4 =	sld [smem:$0x3FFC];
	_ =	sdelay $0x3  }
0x95: {  	_ =	strace s4  }
0x96: {  	s4 =	sld [smem:$0x3FFD];
	_ =	sdelay $0x3  }
0x97: {  	_ =	strace s4  }
0x98: {  	_ =	strace $0x8FFFFFFF  }
0x99: {  	s20 =	sld [smem:$0x3FDB];
	_ =	sdelay $0x1  }
0x9a: {  	s5 =	simm.s32 $_scs_section_size  }
0x9b: {  	s6 =	simm.s32 $_size__tile_overlayer_lowered;
	s7 =	simm.s32 $_tile_overlayer_lowered  }
0x9c: {  	s23 =	simm.s32 $0x1BFF;
	s22 =	sshll.u32 s7, $0x1;
	s4 =	sadd.s32 s5, s20  }
0x9d: {  	s8 =	simm.s32 $0x0;
	s21 =	sshll.u32 s6, $0x1;
	s6 =	sadd.s32 s22, s4  }
0x9e: {  	[timem:s8], [sflag:s23] =	dma.local [hbm:s6], s21  }
0x9f: {  	_ =	swait.ge [sflag:s23], s21  }
0xa0: {  	s5 =	ssub.s32 $0x0, s21;
	[sflag:s23] =	ssyncset.done $0x0  }
0xa1: {  	[sflag:s23] =	ssyncadd.s32 s5;
	_ =	sdelay $0x1  }
0xa2: {  	s24 =	simm.s32 $0x1B8B  }
0xa3: {  	_ =	swait.ge [sflag:s24], $0x1  }
0xa4: {  	[sflag:s24] =	ssyncset.done $0x0  }
0xa5: {  	s25 =	simm.s32 $0x1B8E;
	[sflag:s24] =	ssyncadd.s32 $0xFFFFFFFF  }
0xa6: {  	s26 =	simm.s32 $execute0_lowered;
	[smem:$0x3FD2] =	sst s25  }
0xa7: {  	s5 =	sshll.u32 s26, $0x1;
	_ =	strace $0x80000046;
	[dreg:$0x1] =	wrdreg $0xFFFFFFFF  }
0xa8: {  	s28 =	simm.s32 $_size_execute0_lowered;
	s4 =	sadd.s32 s4, s5;
	[dreg:$0x0] =	wrdreg $0x0  }
0xa9: {  	s5 =	sshll.u32 s28, $0x1;
	[dreg:$0x2] =	wrdreg s4  }
0xaa: {  	[dreg:$0x3] =	wrdreg s5  }
0xab: {  	[dreg:$0x4] =	wrdreg $0xC0  }
0xac: {  	_ =	task [dreg:s8], $0x5FFFF  }
0xad: {  	[dreg:$0x1] =	wrdreg $0xFFFFFFFF  }
0xae: {  	[dreg:$0x0] =	wrdreg $0x60  }
0xaf: {  	[dreg:$0x2] =	wrdreg s2  }
0xb0: {  	[dreg:$0x3] =	wrdreg s19  }
0xb1: {  	[dreg:$0x4] =	wrdreg $0x9  }
0xb2: {  	_ =	task.clear_ibuf [dreg:s8], $0x5FFFF;
	_ =	strace $0x90000046  }
0xb3: {  	s29 =	simm.s32 $0x9;
	_ =	strace $0x80000048  }
0xb4: {  	_ =	swait.ge [sflag:s29], $0x1  }
0xb5: {  	[sflag:s29] =	ssyncadd.s32 $0xFFFFFFFF  }
0xb6: {  	_ =	strace $0x90000048  }
0xb7: {  	_ =	sfence  }
0xb8: {  	s30 =	sld [smem:$0x0];
	_ =	sdelay $0x2  }
0xb9: {  	s31 =	sshll.u32 s1, $0xD;
	s1 =	sshrl.u32 s1, $0x2  }
0xba: {  	s3 =	sand.u32 $0x4000, s31;
	s1 =	sadd.s32 s1, s30  }
0xbb: {  	s0 =	sor.u32 s3, s0;
	s1 =	sshll.u32 s1, $0x11  }
0xbc: {  	s0 =	sor.u32 s1, s0  }
0xbd: {  	s0 =	sadd.s32 $0x8F2B, s0  }
0xbe: {  	[sflag:s0] =	ssyncadd.remote.s32 $0x1  }
0xbf: {  	_ =	sfence.sel $0xFFFF  }
0xc0: {  	[dreg:$0x0] =	wrdreg $0xFFFFFFFF;
	(pc) =	sbr.abs _section_cstart, $3  }
0xc1: {  	[dreg:$0x1] =	wrdreg $0xFFFFFFFF  }
0xc2: {  	_ =	task.clear_ibuf [dreg:s8], $0x2FFFF;
	_ =	strace $0x9FFFFFFF  }
0xc3: {  	(tm) =	ssettm $0x7FFFFFFF  }
tec
execute0_lowered:
.L_overlay_start_1:
0x0: {  	(tag) =	ssettag $0x1  }
0x1: {  	s2 =	srdreg.scid  }
0x2: {  	s4 =	stileid.u32;
	s3 =	sand.u32 $0x1, s2  }
0x3: {  	s0 =	rddreg [dreg:$0x0];
	s4 =	sshll.u32 s4, $0xA;
	s5 =	sshll.u32 s3, $0x9  }
0x4: {  	s1 =	rddreg [dreg:$0x1];
	s31 =	simm.s32 $0x20000;
	s4 =	sor.u32 s5, s4  }
0x5: {  	s7 =	simm.s32 $0x0;
	s2 =	simm.s32 $0x0;
	s6 =	sshrl.u32 s4, $0x3  }
0x6: {  	[smem:$0x7FF] =	sst s2;
	s4 =	sadd.s32 s1, s4;
	s0 =	sadd.s32 s0, s6  }
0x7: {  	_ =	strace $0x80000047;
	s17 =	sadd.s32 $0x14000, s4;
	[dreg:$0x3] =	wrdreg s0  }
0x8: {  	s3 =	ssub.s32 $0x2, s3;
	s18 =	sadd.s32 $0x28000, s4;
	[dreg:$0x4] =	wrdreg s17  }
0x9: {  	s16 =	sshrl.u32 s3, $0x1;
	s19 =	sadd.s32 $0x3C000, s4;
	[dreg:$0x5] =	wrdreg s18  }
0xa: {  	s5 =	simm.s32 $0x1;
	s20 =	sadd.s32 $0x50000, s4;
	[dreg:$0x6] =	wrdreg s19  }
0xb: {  	s3 =	ssub.s32 s3, s16;
	s21 =	sadd.s32 $0x64000, s4;
	[dreg:$0x7] =	wrdreg s20  }
0xc: {  	s1 =	simm.s32 $0x1000;
	s22 =	sadd.s32 $0x78000, s4;
	[dreg:$0x8] =	wrdreg s21  }
0xd: {  	s23 =	sadd.s32 $0x8C000, s4;
	s24 =	sadd.s32 $0xA0000, s4;
	[dreg:$0x9] =	wrdreg s22  }
0xe: {  	s25 =	sadd.s32 $0xB4000, s4;
	s26 =	sadd.s32 $0xC8000, s4;
	[dreg:$0xa] =	wrdreg s23  }
0xf: {  	s15 =	sadd.s32 $0xDC000, s4;
	s16 =	sadd.s32 $0xF0000, s4;
	[dreg:$0xb] =	wrdreg s24  }
0x10: {  	s28 =	sadd.s32 $0x1B8000, s4;
	s29 =	sadd.s32 $0x1CC000, s4;
	[dreg:$0xc] =	wrdreg s25  }
0x11: {  	s30 =	sadd.s32 $0x1E0000, s4;
	s6 =	simm.s32 $0x2;
	[dreg:$0xd] =	wrdreg s26  }
0x12: {  	s17 =	sadd.s32 $0x104000, s4;
	s18 =	sadd.s32 $0x118000, s4;
	s19 =	sadd.s32 $0x12C000, s4  }
0x13: {  	s20 =	sadd.s32 $0x140000, s4;
	s21 =	sadd.s32 $0x154000, s4;
	s22 =	sadd.s32 $0x168000, s4  }
0x14: {  	s23 =	sadd.s32 $0x17C000, s4;
	s24 =	sadd.s32 $0x190000, s4;
	s25 =	smax.u32 s3, $0x1  }
0x15: {  	v0 =	vimm.f32 $1.000000000e+00;
	v1 =	vlaneseq.u32;
	v2 =	vimm.f32 $1.001000000e+03;
	s26 =	sadd.s32 $0x1A4000, s4;
	s0 =	simm.s32 $0x3;
	s3 =	simm.s32 $0x5000  }
.LBB2_1:
0x16: {  	s8 =	rddreg [dreg:$0x3];
	s9 =	simm.s32 $0xA000  }
0x17: {  	[tilespmem:s9], [sflag:$0x3] =	stream.linear.gather [hbm4b:s8+s2], $0x200, $0x38;
	[tilespmem:$0xA200] =	vst v63  }
0x18: {  	_ =	swait.ge [sflag:s0], $0x200  }
0x19: {  	[sflag:s0] =	ssyncset.done $0x0  }
0x1a: {  	s8 =	simm.s32 $0x0;
	[sflag:s0] =	ssyncadd.s32 $0xFFFFFE00  }
.LBB2_2:
0x1b: {  	s9 =	sshll.u32 s8, $0x9;
	s10 =	sshll.u32 s8, $0x7  }
0x1c: {  	s11 =	sand.u32 $0x7000, s9;
	s10 =	sand.u32 $0x380, s10;
	s9 =	simm.s32 $0x0  }
0x1d: {  	s10 =	sor.u32 s10, s11;
	s14 =	sand.u32 $0xC00, s9  }
0x1e: {  	s12 =	sand.u32 $0x70, s9;
	s13 =	sadd.s32 s14, s10  }
0x1f: {  	s11 =	simm.s32 $0x10;
	s12 =	sadd.s32 s12, s13  }
.LBB2_3:
0x20: {  	p0 =	sne.s32 s11, $0x1F0  }
0x21: {  	[tilespmem:s12+$0x0] =	vst v0;
	s9 =	sadd.s32 $0x80, s9;
	s12 =	smov.u32 s11;
	s11 =	sadd.s32 $0x10, s11  }
.Ltmp0:
0x22: {  	(pc) =	sbr.rel @p0 .LBB2_3-.Ltmp0, $4  }
0x23: {  	_ = 	snop  }
0x24: {  	s13 =	sand.u32 $0xC00, s9  }
0x25: {  	s12 =	sand.u32 $0x70, s12;
	s13 =	sadd.s32 s13, s10  }
0x26: {  	s12 =	sadd.s32 s12, s13  }
0x27: {  	s8 =	sadd.s32 $0x1, s8  }
0x28: {  	p0 =	sne.s32 s8, $0x28  }
.Ltmp1:
0x29: {  	_ = 	snop;
	(pc) =	sbr.rel @p0 .LBB2_2-.Ltmp1, $2  }
0x2a: {  	_ =	sdelay $0x2  }
0x2b: {  	[tilespmem:s12+$0x0] =	vst v0  }
0x2c: {  	s8 =	simm.s32 $0xA000  }
0x2d: {  	s9 =	simm.s32 $0x0;
	s10 =	simm.s32 $0x10;
	v3 =	vld [tilespmem:s8+$0x0]  }
.LBB2_6:
0x2e: {  	p0 =	sne.s32 s10, $0x1F0;
	_ =	sdelay $0x1  }
0x2f: {  	v4 =	vmov s9  }
0x30: {  	v5 =	vor.u32 s9, v1;
	s9 =	smov.u32 s10;
	v4 =	vshll.u32 v4, $0x3  }
0x31: {  	v5 =	vand.u32 $0x7F, v5;
	v4 =	vand.u32 $0xC00, v4;
	v6 =	vshll.u32 v3, $0x9  }
0x32: {  	v4 =	vor.u32 v4, v5;
	v7 =	vshll.u32 v3, $0x7;
	v6 =	vand.u32 $0xFFFFF000, v6  }
0x33: {  	vm0 =	vlt.u32 v3, $0x28;
	v3 =	vand.u32 $0x380, v7;
	v4 =	vor.u32 v6, v4  }
0x34: {  	v3 =	vor.u32 v3, v4;
	_ =	sdelay $0x1  }
.Ltmp2:
0x35: {  	(pc) =	sbr.rel @p0 .LBB2_6-.Ltmp2, $3  }
0x36: {  	_ =	sdelay $0x1  }
0x37: {  	s8 =	sadd.s32 $0x10, s8;
	[tilespmem:v3+s2+$0x0] =	vst.idx.msk vm0, v2  }
0x38: {  	s10 =	sadd.s32 $0x10, s10;
	v3 =	vld [tilespmem:s8+$0x0]  }
0x39: {  	_ =	sdelay $0x1  }
0x3a: {  	v4 =	vmov s9  }
0x3b: {  	v5 =	vor.u32 s9, v1;
	v4 =	vshll.u32 v4, $0x3  }
0x3c: {  	v5 =	vand.u32 $0x7F, v5;
	v4 =	vand.u32 $0xC00, v4;
	v6 =	vshll.u32 v3, $0x9  }
0x3d: {  	v4 =	vor.u32 v4, v5;
	v7 =	vshll.u32 v3, $0x7;
	v6 =	vand.u32 $0xFFFFF000, v6  }
0x3e: {  	vm0 =	vlt.u32 v3, $0x28;
	v3 =	vand.u32 $0x380, v7;
	v4 =	vor.u32 v6, v4  }
0x3f: {  	v3 =	vor.u32 v3, v4;
	_ =	sdelay $0x4  }
0x40: {  	s8 =	simm.s32 $0x0;
	s9 =	simm.s32 $0x0;
	[tilespmem:v3+s2+$0x0] =	vst.idx.msk vm0, v2  }
0x41: {  	[hbm4b:s4+s1] =	stream.strided.scatter [tilespmem:s8], [sflag:$0x1], $0x5000, s31, s1, $0x38;
	[tilespmem:$0xA200] =	vst v63  }
.LBB2_8:
0x42: {  	s10 =	sshll.u32 s9, $0x9;
	s11 =	sshll.u32 s9, $0x7  }
0x43: {  	s10 =	sand.u32 $0x7000, s10;
	s11 =	sand.u32 $0x380, s11  }
0x44: {  	s10 =	sor.u32 s11, s10  }
0x45: {  	s14 =	sand.u32 $0xC00, s8;
	s10 =	sadd.s32 $0x5000, s10  }
0x46: {  	s12 =	sand.u32 $0x70, s8;
	s13 =	sadd.s32 s14, s10  }
0x47: {  	s11 =	simm.s32 $0x10;
	s13 =	sadd.s32 s12, s13;
	s12 =	simm.s32 $0x0  }
.LBB2_9:
0x48: {  	p0 =	sne.s32 s11, $0x1F0  }
0x49: {  	[tilespmem:s13+$0x0] =	vst v0;
	s12 =	sadd.s32 $0x80, s12;
	s13 =	smov.u32 s11;
	s11 =	sadd.s32 $0x10, s11  }
.Ltmp3:
0x4a: {  	(pc) =	sbr.rel @p0 .LBB2_9-.Ltmp3, $4  }
0x4b: {  	_ = 	snop  }
0x4c: {  	s14 =	sand.u32 $0xC00, s12  }
0x4d: {  	s13 =	sand.u32 $0x70, s13;
	s14 =	sadd.s32 s14, s10  }
0x4e: {  	s13 =	sadd.s32 s13, s14  }
0x4f: {  	s9 =	sadd.s32 $0x1, s9  }
0x50: {  	p0 =	sne.s32 s9, $0x28  }
.Ltmp4:
0x51: {  	_ = 	snop;
	(pc) =	sbr.rel @p0 .LBB2_8-.Ltmp4, $2  }
0x52: {  	_ =	sdelay $0x2  }
0x53: {  	[tilespmem:s13+$0x0] =	vst v0  }
0x54: {  	s9 =	simm.s32 $0xA000  }
0x55: {  	s8 =	simm.s32 $0x0;
	s10 =	simm.s32 $0x10;
	v3 =	vld [tilespmem:s9+$0x0]  }
.LBB2_12:
0x56: {  	p0 =	sne.s32 s10, $0x1F0;
	_ =	sdelay $0x2  }
0x57: {  	v4 =	vmov s8  }
0x58: {  	v4 =	vshll.u32 v4, $0x3;
	v5 =	vshll.u32 v3, $0x9  }
0x59: {  	v4 =	vand.u32 $0xC00, v4;
	v6 =	vshll.u32 v3, $0x7;
	v5 =	vand.u32 $0xFFFFF000, v5  }
0x5a: {  	v7 =	vor.u32 s8, v1;
	s8 =	smov.u32 s10;
	v4 =	vor.u32 v4, v5;
	v5 =	vand.u32 $0x380, v6  }
0x5b: {  	v3 =	vadd.s32 $0xFFFFFFD8, v3;
	v6 =	vand.u32 $0x7F, v7;
	v4 =	vor.u32 v5, v4  }
0x5c: {  	vm0 =	vlt.u32 v3, $0x28;
	v3 =	vor.u32 v6, v4  }
0x5d: {  	v3 =	vadd.s32 $0xFFFFB000, v3;
	_ =	sdelay $0x1  }
.Ltmp5:
0x5e: {  	(pc) =	sbr.rel @p0 .LBB2_12-.Ltmp5, $3  }
0x5f: {  	_ =	sdelay $0x1  }
0x60: {  	s9 =	sadd.s32 $0x10, s9;
	[tilespmem:v3+s3+$0x0] =	vst.idx.msk vm0, v2  }
0x61: {  	s10 =	sadd.s32 $0x10, s10;
	v3 =	vld [tilespmem:s9+$0x0]  }
0x62: {  	_ =	sdelay $0x2  }
0x63: {  	v4 =	vmov s8  }
0x64: {  	v4 =	vshll.u32 v4, $0x3;
	v5 =	vshll.u32 v3, $0x9  }
0x65: {  	v4 =	vand.u32 $0xC00, v4;
	v6 =	vshll.u32 v3, $0x7;
	v5 =	vand.u32 $0xFFFFF000, v5  }
0x66: {  	v7 =	vor.u32 s8, v1;
	v4 =	vor.u32 v4, v5;
	v5 =	vand.u32 $0x380, v6  }
0x67: {  	v63 =	vand.u32 $0x7F, v7;
	v3 =	vadd.s32 $0xFFFFFFD8, v3;
	v4 =	vor.u32 v5, v4  }
0x68: {  	vm0 =	vlt.u32 v3, $0x28;
	v3 =	vor.u32 v63, v4  }
0x69: {  	v3 =	vadd.s32 $0xFFFFB000, v3;
	_ =	sdelay $0x4  }
0x6a: {  	s14 =	rddreg [dreg:$0x4];
	[tilespmem:v3+s3+$0x0] =	vst.idx.msk vm0, v2  }
0x6b: {  	[hbm4b:s14+s1] =	stream.strided.scatter [tilespmem:s3], [sflag:$0x2], $0x5000, s31, s1, $0x38;
	[tilespmem:$0xA200] =	vst v63  }
0x6c: {  	_ =	swait.ge [sflag:s5], $0x5000  }
0x6d: {  	[sflag:s5] =	ssyncset.done $0x0  }
0x6e: {  	s8 =	simm.s32 $0x0;
	s9 =	simm.s32 $0xA000;
	[sflag:s5] =	ssyncadd.s32 $0xFFFFB000  }
0x6f: {  	s10 =	simm.s32 $0x10;
	s11 =	simm.s32 $0x0;
	s12 =	simm.s32 $0xA000;
	v3 =	vld [tilespmem:s9+$0x0]  }
.LBB2_14:
0x70: {  	p0 =	sne.s32 s10, $0x1F0;
	_ =	sdelay $0x1  }
0x71: {  	v4 =	vmov s11  }
0x72: {  	v5 =	vor.u32 s11, v1;
	s11 =	smov.u32 s10;
	v4 =	vshll.u32 v4, $0x3  }
0x73: {  	v5 =	vand.u32 $0x7F, v5;
	v4 =	vand.u32 $0xC00, v4;
	v6 =	vshll.u32 v3, $0x9  }
0x74: {  	v4 =	vor.u32 v4, v5;
	v7 =	vshll.u32 v3, $0x7;
	v6 =	vand.u32 $0xFFFFF000, v6  }
0x75: {  	vm0 =	vlt.u32 v3, $0x28;
	v3 =	vand.u32 $0x380, v7;
	v4 =	vor.u32 v6, v4  }
0x76: {  	v3 =	vor.u32 v3, v4;
	_ =	sdelay $0x1  }
.Ltmp6:
0x77: {  	(pc) =	sbr.rel @p0 .LBB2_14-.Ltmp6, $3  }
0x78: {  	_ =	sdelay $0x1  }
0x79: {  	s12 =	sadd.s32 $0x10, s12;
	[tilespmem:v3+s8+$0x0] =	vst.idx.msk vm0, v0  }
0x7a: {  	s10 =	sadd.s32 $0x10, s10;
	v3 =	vld [tilespmem:s12+$0x0]  }
0x7b: {  	_ =	sdelay $0x1  }
0x7c: {  	v4 =	vmov s11  }
0x7d: {  	v5 =	vor.u32 s11, v1;
	v4 =	vshll.u32 v4, $0x3  }
0x7e: {  	v5 =	vand.u32 $0x7F, v5;
	v4 =	vand.u32 $0xC00, v4;
	v6 =	vshll.u32 v3, $0x9  }
0x7f: {  	v4 =	vor.u32 v4, v5;
	v7 =	vshll.u32 v3, $0x7;
	v6 =	vand.u32 $0xFFFFF000, v6  }
0x80: {  	vm0 =	vlt.u32 v3, $0x28;
	v3 =	vand.u32 $0x380, v7;
	v4 =	vor.u32 v6, v4  }
0x81: {  	v3 =	vor.u32 v3, v4;
	_ =	sdelay $0x4  }
0x82: {  	[tilespmem:v3+s8+$0x0] =	vst.idx.msk vm0, v0  }
0x83: {  	s10 =	simm.s32 $0x10;
	v3 =	vld [tilespmem:s9+$0x0]  }
.LBB2_16:
0x84: {  	p0 =	sne.s32 s10, $0x1F0;
	_ =	sdelay $0x2  }
0x85: {  	v4 =	vmov s8  }
0x86: {  	v4 =	vshll.u32 v4, $0x3;
	v5 =	vshll.u32 v3, $0x9  }
0x87: {  	v4 =	vand.u32 $0xC00, v4;
	v6 =	vshll.u32 v3, $0x7;
	v5 =	vand.u32 $0xFFFFF000, v5  }
0x88: {  	v7 =	vor.u32 s8, v1;
	s8 =	smov.u32 s10;
	v4 =	vor.u32 v4, v5;
	v5 =	vand.u32 $0x380, v6  }
0x89: {  	v3 =	vadd.s32 $0xFFFFFFB0, v3;
	v6 =	vand.u32 $0x7F, v7;
	v4 =	vor.u32 v5, v4  }
0x8a: {  	vm0 =	vlt.u32 v3, $0x28;
	v3 =	vor.u32 v6, v4  }
0x8b: {  	v3 =	vadd.s32 $0xFFFF6000, v3;
	_ =	sdelay $0x1  }
.Ltmp7:
0x8c: {  	(pc) =	sbr.rel @p0 .LBB2_16-.Ltmp7, $3  }
0x8d: {  	_ =	sdelay $0x1  }
0x8e: {  	s9 =	sadd.s32 $0x10, s9;
	[tilespmem:v3+s2+$0x0] =	vst.idx.msk vm0, v2  }
0x8f: {  	s10 =	sadd.s32 $0x10, s10;
	v3 =	vld [tilespmem:s9+$0x0]  }
0x90: {  	_ =	sdelay $0x2  }
0x91: {  	v4 =	vmov s8  }
0x92: {  	v4 =	vshll.u32 v4, $0x3;
	v5 =	vshll.u32 v3, $0x9  }
0x93: {  	v4 =	vand.u32 $0xC00, v4;
	v6 =	vshll.u32 v3, $0x7;
	v5 =	vand.u32 $0xFFFFF000, v5  }
0x94: {  	v7 =	vor.u32 s8, v1;
	v4 =	vor.u32 v4, v5;
	v5 =	vand.u32 $0x380, v6  }
0x95: {  	v63 =	vand.u32 $0x7F, v7;
	v3 =	vadd.s32 $0xFFFFFFB0, v3;
	v4 =	vor.u32 v5, v4  }
0x96: {  	vm0 =	vlt.u32 v3, $0x28;
	v3 =	vor.u32 v63, v4  }
0x97: {  	v3 =	vadd.s32 $0xFFFF6000, v3;
	_ =	sdelay $0x4  }
0x98: {  	s8 =	simm.s32 $0x0;
	s9 =	rddreg [dreg:$0x5];
	[tilespmem:v3+s2+$0x0] =	vst.idx.msk vm0, v2  }
0x99: {  	[hbm4b:s9+s1] =	stream.strided.scatter [tilespmem:s8], [sflag:$0x1], $0x5000, s31, s1, $0x38;
	[tilespmem:$0xA200] =	vst v63  }
0x9a: {  	_ =	swait.ge [sflag:s6], $0x5000  }
0x9b: {  	[sflag:s6] =	ssyncset.done $0x0  }
0x9c: {  	s9 =	simm.s32 $0xA000;
	[sflag:s6] =	ssyncadd.s32 $0xFFFFB000  }
0x9d: {  	s11 =	simm.s32 $0x10;
	s10 =	simm.s32 $0x0;
	s12 =	simm.s32 $0xA000;
	v3 =	vld [tilespmem:s9+$0x0]  }
.LBB2_18:
0x9e: {  	p0 =	sne.s32 s11, $0x1F0;
	_ =	sdelay $0x2  }
0x9f: {  	v4 =	vmov s10  }
0xa0: {  	v4 =	vshll.u32 v4, $0x3;
	v5 =	vshll.u32 v3, $0x9  }
0xa1: {  	v4 =	vand.u32 $0xC00, v4;
	v6 =	vshll.u32 v3, $0x7;
	v5 =	vand.u32 $0xFFFFF000, v5  }
0xa2: {  	v7 =	vor.u32 s10, v1;
	s10 =	smov.u32 s11;
	v4 =	vor.u32 v4, v5;
	v5 =	vand.u32 $0x380, v6  }
0xa3: {  	v3 =	vadd.s32 $0xFFFFFFD8, v3;
	v6 =	vand.u32 $0x7F, v7;
	v4 =	vor.u32 v5, v4  }
0xa4: {  	vm0 =	vlt.u32 v3, $0x28;
	v3 =	vor.u32 v6, v4  }
0xa5: {  	v3 =	vadd.s32 $0xFFFFB000, v3;
	_ =	sdelay $0x1  }
.Ltmp8:
0xa6: {  	(pc) =	sbr.rel @p0 .LBB2_18-.Ltmp8, $3  }
0xa7: {  	_ =	sdelay $0x1  }
0xa8: {  	s12 =	sadd.s32 $0x10, s12;
	[tilespmem:v3+s3+$0x0] =	vst.idx.msk vm0, v0  }
0xa9: {  	s11 =	sadd.s32 $0x10, s11;
	v3 =	vld [tilespmem:s12+$0x0]  }
0xaa: {  	_ =	sdelay $0x2  }
0xab: {  	v4 =	vmov s10  }
0xac: {  	v4 =	vshll.u32 v4, $0x3;
	v5 =	vshll.u32 v3, $0x9  }
0xad: {  	v4 =	vand.u32 $0xC00, v4;
	v6 =	vshll.u32 v3, $0x7;
	v5 =	vand.u32 $0xFFFFF000, v5  }
0xae: {  	v7 =	vor.u32 s10, v1;
	v4 =	vor.u32 v4, v5;
	v5 =	vand.u32 $0x380, v6  }
0xaf: {  	v63 =	vand.u32 $0x7F, v7;
	v3 =	vadd.s32 $0xFFFFFFD8, v3;
	v4 =	vor.u32 v5, v4  }
0xb0: {  	vm0 =	vlt.u32 v3, $0x28;
	v3 =	vor.u32 v63, v4  }
0xb1: {  	v3 =	vadd.s32 $0xFFFFB000, v3;
	_ =	sdelay $0x4  }
0xb2: {  	[tilespmem:v3+s3+$0x0] =	vst.idx.msk vm0, v0  }
0xb3: {  	s10 =	simm.s32 $0x10;
	v3 =	vld [tilespmem:s9+$0x0]  }
.LBB2_20:
0xb4: {  	p0 =	sne.s32 s10, $0x1F0;
	_ =	sdelay $0x2  }
0xb5: {  	v4 =	vmov s8  }
0xb6: {  	v4 =	vshll.u32 v4, $0x3;
	v5 =	vshll.u32 v3, $0x9  }
0xb7: {  	v4 =	vand.u32 $0xC00, v4;
	v6 =	vshll.u32 v3, $0x7;
	v5 =	vand.u32 $0xFFFFF000, v5  }
0xb8: {  	v7 =	vor.u32 s8, v1;
	s8 =	smov.u32 s10;
	v4 =	vor.u32 v4, v5;
	v5 =	vand.u32 $0x380, v6  }
0xb9: {  	v3 =	vadd.s32 $0xFFFFFF88, v3;
	v6 =	vand.u32 $0x7F, v7;
	v4 =	vor.u32 v5, v4  }
0xba: {  	vm0 =	vlt.u32 v3, $0x28;
	v3 =	vor.u32 v6, v4  }
0xbb: {  	v3 =	vadd.s32 $0xFFFF1000, v3;
	_ =	sdelay $0x1  }
.Ltmp9:
0xbc: {  	(pc) =	sbr.rel @p0 .LBB2_20-.Ltmp9, $3  }
0xbd: {  	_ =	sdelay $0x1  }
0xbe: {  	s9 =	sadd.s32 $0x10, s9;
	[tilespmem:v3+s3+$0x0] =	vst.idx.msk vm0, v2  }
0xbf: {  	s10 =	sadd.s32 $0x10, s10;
	v3 =	vld [tilespmem:s9+$0x0]  }
0xc0: {  	_ =	sdelay $0x2  }
0xc1: {  	v4 =	vmov s8  }
0xc2: {  	v4 =	vshll.u32 v4, $0x3;
	v5 =	vshll.u32 v3, $0x9  }
0xc3: {  	v4 =	vand.u32 $0xC00, v4;
	v6 =	vshll.u32 v3, $0x7;
	v5 =	vand.u32 $0xFFFFF000, v5  }
0xc4: {  	v7 =	vor.u32 s8, v1;
	v4 =	vor.u32 v4, v5;
	v5 =	vand.u32 $0x380, v6  }
0xc5: {  	v63 =	vand.u32 $0x7F, v7;
	v3 =	vadd.s32 $0xFFFFFF88, v3;
	v4 =	vor.u32 v5, v4  }
0xc6: {  	vm0 =	vlt.u32 v3, $0x28;
	v3 =	vor.u32 v63, v4  }
0xc7: {  	v3 =	vadd.s32 $0xFFFF1000, v3;
	_ =	sdelay $0x4  }
0xc8: {  	s14 =	rddreg [dreg:$0x6];
	[tilespmem:v3+s3+$0x0] =	vst.idx.msk vm0, v2  }
0xc9: {  	[hbm4b:s14+s1] =	stream.strided.scatter [tilespmem:s3], [sflag:$0x2], $0x5000, s31, s1, $0x38;
	[tilespmem:$0xA200] =	vst v63  }
0xca: {  	_ =	swait.ge [sflag:s5], $0x5000  }
0xcb: {  	[sflag:s5] =	ssyncset.done $0x0  }
0xcc: {  	s8 =	simm.s32 $0x0;
	s9 =	simm.s32 $0xA000;
	[sflag:s5] =	ssyncadd.s32 $0xFFFFB000  }
0xcd: {  	s11 =	simm.s32 $0x10;
	s10 =	simm.s32 $0x0;
	s12 =	simm.s32 $0xA000;
	v3 =	vld [tilespmem:s9+$0x0]  }
.LBB2_22:
0xce: {  	p0 =	sne.s32 s11, $0x1F0;
	_ =	sdelay $0x2  }
0xcf: {  	v4 =	vmov s10  }
0xd0: {  	v4 =	vshll.u32 v4, $0x3;
	v5 =	vshll.u32 v3, $0x9  }
0xd1: {  	v4 =	vand.u32 $0xC00, v4;
	v6 =	vshll.u32 v3, $0x7;
	v5 =	vand.u32 $0xFFFFF000, v5  }
0xd2: {  	v7 =	vor.u32 s10, v1;
	s10 =	smov.u32 s11;
	v4 =	vor.u32 v4, v5;
	v5 =	vand.u32 $0x380, v6  }
0xd3: {  	v3 =	vadd.s32 $0xFFFFFFB0, v3;
	v6 =	vand.u32 $0x7F, v7;
	v4 =	vor.u32 v5, v4  }
0xd4: {  	vm0 =	vlt.u32 v3, $0x28;
	v3 =	vor.u32 v6, v4  }
0xd5: {  	v3 =	vadd.s32 $0xFFFF6000, v3;
	_ =	sdelay $0x1  }
.Ltmp10:
0xd6: {  	(pc) =	sbr.rel @p0 .LBB2_22-.Ltmp10, $3  }
0xd7: {  	_ =	sdelay $0x1  }
0xd8: {  	s12 =	sadd.s32 $0x10, s12;
	[tilespmem:v3+s8+$0x0] =	vst.idx.msk vm0, v0  }
0xd9: {  	s11 =	sadd.s32 $0x10, s11;
	v3 =	vld [tilespmem:s12+$0x0]  }
0xda: {  	_ =	sdelay $0x2  }
0xdb: {  	v4 =	vmov s10  }
0xdc: {  	v4 =	vshll.u32 v4, $0x3;
	v5 =	vshll.u32 v3, $0x9  }
0xdd: {  	v4 =	vand.u32 $0xC00, v4;
	v6 =	vshll.u32 v3, $0x7;
	v5 =	vand.u32 $0xFFFFF000, v5  }
0xde: {  	v7 =	vor.u32 s10, v1;
	v4 =	vor.u32 v4, v5;
	v5 =	vand.u32 $0x380, v6  }
0xdf: {  	v63 =	vand.u32 $0x7F, v7;
	v3 =	vadd.s32 $0xFFFFFFB0, v3;
	v4 =	vor.u32 v5, v4  }
0xe0: {  	vm0 =	vlt.u32 v3, $0x28;
	v3 =	vor.u32 v63, v4  }
0xe1: {  	v3 =	vadd.s32 $0xFFFF6000, v3;
	_ =	sdelay $0x4  }
0xe2: {  	[tilespmem:v3+s8+$0x0] =	vst.idx.msk vm0, v0  }
0xe3: {  	s10 =	simm.s32 $0x10;
	v3 =	vld [tilespmem:s9+$0x0]  }
.LBB2_24:
0xe4: {  	p0 =	sne.s32 s10, $0x1F0;
	_ =	sdelay $0x2  }
0xe5: {  	v4 =	vmov s8  }
0xe6: {  	v4 =	vshll.u32 v4, $0x3;
	v5 =	vshll.u32 v3, $0x9  }
0xe7: {  	v4 =	vand.u32 $0xC00, v4;
	v6 =	vshll.u32 v3, $0x7;
	v5 =	vand.u32 $0xFFFFF000, v5  }
0xe8: {  	v7 =	vor.u32 s8, v1;
	s8 =	smov.u32 s10;
	v4 =	vor.u32 v4, v5;
	v5 =	vand.u32 $0x380, v6  }
0xe9: {  	v3 =	vadd.s32 $0xFFFFFF60, v3;
	v6 =	vand.u32 $0x7F, v7;
	v4 =	vor.u32 v5, v4  }
0xea: {  	vm0 =	vlt.u32 v3, $0x28;
	v3 =	vor.u32 v6, v4  }
0xeb: {  	v3 =	vadd.s32 $0xFFFEC000, v3;
	_ =	sdelay $0x1  }
.Ltmp11:
0xec: {  	(pc) =	sbr.rel @p0 .LBB2_24-.Ltmp11, $3  }
0xed: {  	_ =	sdelay $0x1  }
0xee: {  	s9 =	sadd.s32 $0x10, s9;
	[tilespmem:v3+s2+$0x0] =	vst.idx.msk vm0, v2  }
0xef: {  	s10 =	sadd.s32 $0x10, s10;
	v3 =	vld [tilespmem:s9+$0x0]  }
0xf0: {  	_ =	sdelay $0x2  }
0xf1: {  	v4 =	vmov s8  }
0xf2: {  	v4 =	vshll.u32 v4, $0x3;
	v5 =	vshll.u32 v3, $0x9  }
0xf3: {  	v4 =	vand.u32 $0xC00, v4;
	v6 =	vshll.u32 v3, $0x7;
	v5 =	vand.u32 $0xFFFFF000, v5  }
0xf4: {  	v7 =	vor.u32 s8, v1;
	v4 =	vor.u32 v4, v5;
	v5 =	vand.u32 $0x380, v6  }
0xf5: {  	v63 =	vand.u32 $0x7F, v7;
	v3 =	vadd.s32 $0xFFFFFF60, v3;
	v4 =	vor.u32 v5, v4  }
0xf6: {  	vm0 =	vlt.u32 v3, $0x28;
	v3 =	vor.u32 v63, v4  }
0xf7: {  	v3 =	vadd.s32 $0xFFFEC000, v3;
	_ =	sdelay $0x4  }
0xf8: {  	s8 =	simm.s32 $0x0;
	s9 =	rddreg [dreg:$0x7];
	[tilespmem:v3+s2+$0x0] =	vst.idx.msk vm0, v2  }
0xf9: {  	[hbm4b:s9+s1] =	stream.strided.scatter [tilespmem:s8], [sflag:$0x1], $0x5000, s31, s1, $0x38;
	[tilespmem:$0xA200] =	vst v63  }
0xfa: {  	_ =	swait.ge [sflag:s6], $0x5000  }
0xfb: {  	[sflag:s6] =	ssyncset.done $0x0  }
0xfc: {  	s9 =	simm.s32 $0xA000;
	[sflag:s6] =	ssyncadd.s32 $0xFFFFB000  }
0xfd: {  	s11 =	simm.s32 $0x10;
	s10 =	simm.s32 $0x0;
	s12 =	simm.s32 $0xA000;
	v3 =	vld [tilespmem:s9+$0x0]  }
.LBB2_26:
0xfe: {  	p0 =	sne.s32 s11, $0x1F0;
	_ =	sdelay $0x2  }
0xff: {  	v4 =	vmov s10  }
0x100: {  	v4 =	vshll.u32 v4, $0x3;
	v5 =	vshll.u32 v3, $0x9  }
0x101: {  	v4 =	vand.u32 $0xC00, v4;
	v6 =	vshll.u32 v3, $0x7;
	v5 =	vand.u32 $0xFFFFF000, v5  }
0x102: {  	v7 =	vor.u32 s10, v1;
	s10 =	smov.u32 s11;
	v4 =	vor.u32 v4, v5;
	v5 =	vand.u32 $0x380, v6  }
0x103: {  	v3 =	vadd.s32 $0xFFFFFF88, v3;
	v6 =	vand.u32 $0x7F, v7;
	v4 =	vor.u32 v5, v4  }
0x104: {  	vm0 =	vlt.u32 v3, $0x28;
	v3 =	vor.u32 v6, v4  }
0x105: {  	v3 =	vadd.s32 $0xFFFF1000, v3;
	_ =	sdelay $0x1  }
.Ltmp12:
0x106: {  	(pc) =	sbr.rel @p0 .LBB2_26-.Ltmp12, $3  }
0x107: {  	_ =	sdelay $0x1  }
0x108: {  	s12 =	sadd.s32 $0x10, s12;
	[tilespmem:v3+s3+$0x0] =	vst.idx.msk vm0, v0  }
0x109: {  	s11 =	sadd.s32 $0x10, s11;
	v3 =	vld [tilespmem:s12+$0x0]  }
0x10a: {  	_ =	sdelay $0x2  }
0x10b: {  	v4 =	vmov s10  }
0x10c: {  	v4 =	vshll.u32 v4, $0x3;
	v5 =	vshll.u32 v3, $0x9  }
0x10d: {  	v4 =	vand.u32 $0xC00, v4;
	v6 =	vshll.u32 v3, $0x7;
	v5 =	vand.u32 $0xFFFFF000, v5  }
0x10e: {  	v7 =	vor.u32 s10, v1;
	v4 =	vor.u32 v4, v5;
	v5 =	vand.u32 $0x380, v6  }
0x10f: {  	v63 =	vand.u32 $0x7F, v7;
	v3 =	vadd.s32 $0xFFFFFF88, v3;
	v4 =	vor.u32 v5, v4  }
0x110: {  	vm0 =	vlt.u32 v3, $0x28;
	v3 =	vor.u32 v63, v4  }
0x111: {  	v3 =	vadd.s32 $0xFFFF1000, v3;
	_ =	sdelay $0x4  }
0x112: {  	[tilespmem:v3+s3+$0x0] =	vst.idx.msk vm0, v0  }
0x113: {  	s10 =	simm.s32 $0x10;
	v3 =	vld [tilespmem:s9+$0x0]  }
.LBB2_28:
0x114: {  	p0 =	sne.s32 s10, $0x1F0;
	_ =	sdelay $0x2  }
0x115: {  	v4 =	vmov s8  }
0x116: {  	v4 =	vshll.u32 v4, $0x3;
	v5 =	vshll.u32 v3, $0x9  }
0x117: {  	v4 =	vand.u32 $0xC00, v4;
	v6 =	vshll.u32 v3, $0x7;
	v5 =	vand.u32 $0xFFFFF000, v5  }
0x118: {  	v7 =	vor.u32 s8, v1;
	s8 =	smov.u32 s10;
	v4 =	vor.u32 v4, v5;
	v5 =	vand.u32 $0x380, v6  }
0x119: {  	v3 =	vadd.s32 $0xFFFFFF38, v3;
	v6 =	vand.u32 $0x7F, v7;
	v4 =	vor.u32 v5, v4  }
0x11a: {  	vm0 =	vlt.u32 v3, $0x28;
	v3 =	vor.u32 v6, v4  }
0x11b: {  	v3 =	vadd.s32 $0xFFFE7000, v3;
	_ =	sdelay $0x1  }
.Ltmp13:
0x11c: {  	(pc) =	sbr.rel @p0 .LBB2_28-.Ltmp13, $3  }
0x11d: {  	_ =	sdelay $0x1  }
0x11e: {  	s9 =	sadd.s32 $0x10, s9;
	[tilespmem:v3+s3+$0x0] =	vst.idx.msk vm0, v2  }
0x11f: {  	s10 =	sadd.s32 $0x10, s10;
	v3 =	vld [tilespmem:s9+$0x0]  }
0x120: {  	_ =	sdelay $0x2  }
0x121: {  	v4 =	vmov s8  }
0x122: {  	v4 =	vshll.u32 v4, $0x3;
	v5 =	vshll.u32 v3, $0x9  }
0x123: {  	v4 =	vand.u32 $0xC00, v4;
	v6 =	vshll.u32 v3, $0x7;
	v5 =	vand.u32 $0xFFFFF000, v5  }
0x124: {  	v7 =	vor.u32 s8, v1;
	v4 =	vor.u32 v4, v5;
	v5 =	vand.u32 $0x380, v6  }
0x125: {  	v63 =	vand.u32 $0x7F, v7;
	v3 =	vadd.s32 $0xFFFFFF38, v3;
	v4 =	vor.u32 v5, v4  }
0x126: {  	vm0 =	vlt.u32 v3, $0x28;
	v3 =	vor.u32 v63, v4  }
0x127: {  	v3 =	vadd.s32 $0xFFFE7000, v3;
	_ =	sdelay $0x4  }
0x128: {  	s14 =	rddreg [dreg:$0x8];
	[tilespmem:v3+s3+$0x0] =	vst.idx.msk vm0, v2  }
0x129: {  	[hbm4b:s14+s1] =	stream.strided.scatter [tilespmem:s3], [sflag:$0x2], $0x5000, s31, s1, $0x38;
	[tilespmem:$0xA200] =	vst v63  }
0x12a: {  	_ =	swait.ge [sflag:s5], $0x5000  }
0x12b: {  	[sflag:s5] =	ssyncset.done $0x0  }
0x12c: {  	s8 =	simm.s32 $0x0;
	s9 =	simm.s32 $0xA000;
	[sflag:s5] =	ssyncadd.s32 $0xFFFFB000  }
0x12d: {  	s11 =	simm.s32 $0x10;
	s10 =	simm.s32 $0x0;
	s12 =	simm.s32 $0xA000;
	v3 =	vld [tilespmem:s9+$0x0]  }
.LBB2_30:
0x12e: {  	p0 =	sne.s32 s11, $0x1F0;
	_ =	sdelay $0x2  }
0x12f: {  	v4 =	vmov s10  }
0x130: {  	v4 =	vshll.u32 v4, $0x3;
	v5 =	vshll.u32 v3, $0x9  }
0x131: {  	v4 =	vand.u32 $0xC00, v4;
	v6 =	vshll.u32 v3, $0x7;
	v5 =	vand.u32 $0xFFFFF000, v5  }
0x132: {  	v7 =	vor.u32 s10, v1;
	s10 =	smov.u32 s11;
	v4 =	vor.u32 v4, v5;
	v5 =	vand.u32 $0x380, v6  }
0x133: {  	v3 =	vadd.s32 $0xFFFFFF60, v3;
	v6 =	vand.u32 $0x7F, v7;
	v4 =	vor.u32 v5, v4  }
0x134: {  	vm0 =	vlt.u32 v3, $0x28;
	v3 =	vor.u32 v6, v4  }
0x135: {  	v3 =	vadd.s32 $0xFFFEC000, v3;
	_ =	sdelay $0x1  }
.Ltmp14:
0x136: {  	(pc) =	sbr.rel @p0 .LBB2_30-.Ltmp14, $3  }
0x137: {  	_ =	sdelay $0x1  }
0x138: {  	s12 =	sadd.s32 $0x10, s12;
	[tilespmem:v3+s8+$0x0] =	vst.idx.msk vm0, v0  }
0x139: {  	s11 =	sadd.s32 $0x10, s11;
	v3 =	vld [tilespmem:s12+$0x0]  }
0x13a: {  	_ =	sdelay $0x2  }
0x13b: {  	v4 =	vmov s10  }
0x13c: {  	v4 =	vshll.u32 v4, $0x3;
	v5 =	vshll.u32 v3, $0x9  }
0x13d: {  	v4 =	vand.u32 $0xC00, v4;
	v6 =	vshll.u32 v3, $0x7;
	v5 =	vand.u32 $0xFFFFF000, v5  }
0x13e: {  	v7 =	vor.u32 s10, v1;
	v4 =	vor.u32 v4, v5;
	v5 =	vand.u32 $0x380, v6  }
0x13f: {  	v63 =	vand.u32 $0x7F, v7;
	v3 =	vadd.s32 $0xFFFFFF60, v3;
	v4 =	vor.u32 v5, v4  }
0x140: {  	vm0 =	vlt.u32 v3, $0x28;
	v3 =	vor.u32 v63, v4  }
0x141: {  	v3 =	vadd.s32 $0xFFFEC000, v3;
	_ =	sdelay $0x4  }
0x142: {  	[tilespmem:v3+s8+$0x0] =	vst.idx.msk vm0, v0  }
0x143: {  	s10 =	simm.s32 $0x10;
	v3 =	vld [tilespmem:s9+$0x0]  }
.LBB2_32:
0x144: {  	p0 =	sne.s32 s10, $0x1F0;
	_ =	sdelay $0x2  }
0x145: {  	v4 =	vmov s8  }
0x146: {  	v4 =	vshll.u32 v4, $0x3;
	v5 =	vshll.u32 v3, $0x9  }
0x147: {  	v4 =	vand.u32 $0xC00, v4;
	v6 =	vshll.u32 v3, $0x7;
	v5 =	vand.u32 $0xFFFFF000, v5  }
0x148: {  	v7 =	vor.u32 s8, v1;
	s8 =	smov.u32 s10;
	v4 =	vor.u32 v4, v5;
	v5 =	vand.u32 $0x380, v6  }
0x149: {  	v3 =	vadd.s32 $0xFFFFFF10, v3;
	v6 =	vand.u32 $0x7F, v7;
	v4 =	vor.u32 v5, v4  }
0x14a: {  	vm0 =	vlt.u32 v3, $0x28;
	v3 =	vor.u32 v6, v4  }
0x14b: {  	v3 =	vadd.s32 $0xFFFE2000, v3;
	_ =	sdelay $0x1  }
.Ltmp15:
0x14c: {  	(pc) =	sbr.rel @p0 .LBB2_32-.Ltmp15, $3  }
0x14d: {  	_ =	sdelay $0x1  }
0x14e: {  	s9 =	sadd.s32 $0x10, s9;
	[tilespmem:v3+s2+$0x0] =	vst.idx.msk vm0, v2  }
0x14f: {  	s10 =	sadd.s32 $0x10, s10;
	v3 =	vld [tilespmem:s9+$0x0]  }
0x150: {  	_ =	sdelay $0x2  }
0x151: {  	v4 =	vmov s8  }
0x152: {  	v4 =	vshll.u32 v4, $0x3;
	v5 =	vshll.u32 v3, $0x9  }
0x153: {  	v4 =	vand.u32 $0xC00, v4;
	v6 =	vshll.u32 v3, $0x7;
	v5 =	vand.u32 $0xFFFFF000, v5  }
0x154: {  	v7 =	vor.u32 s8, v1;
	v4 =	vor.u32 v4, v5;
	v5 =	vand.u32 $0x380, v6  }
0x155: {  	v63 =	vand.u32 $0x7F, v7;
	v3 =	vadd.s32 $0xFFFFFF10, v3;
	v4 =	vor.u32 v5, v4  }
0x156: {  	vm0 =	vlt.u32 v3, $0x28;
	v3 =	vor.u32 v63, v4  }
0x157: {  	v3 =	vadd.s32 $0xFFFE2000, v3;
	_ =	sdelay $0x4  }
0x158: {  	s8 =	simm.s32 $0x0;
	s9 =	rddreg [dreg:$0x9];
	[tilespmem:v3+s2+$0x0] =	vst.idx.msk vm0, v2  }
0x159: {  	[hbm4b:s9+s1] =	stream.strided.scatter [tilespmem:s8], [sflag:$0x1], $0x5000, s31, s1, $0x38;
	[tilespmem:$0xA200] =	vst v63  }
0x15a: {  	_ =	swait.ge [sflag:s6], $0x5000  }
0x15b: {  	[sflag:s6] =	ssyncset.done $0x0  }
0x15c: {  	s9 =	simm.s32 $0xA000;
	[sflag:s6] =	ssyncadd.s32 $0xFFFFB000  }
0x15d: {  	s11 =	simm.s32 $0x10;
	s10 =	simm.s32 $0x0;
	s12 =	simm.s32 $0xA000;
	v3 =	vld [tilespmem:s9+$0x0]  }
.LBB2_34:
0x15e: {  	p0 =	sne.s32 s11, $0x1F0;
	_ =	sdelay $0x2  }
0x15f: {  	v4 =	vmov s10  }
0x160: {  	v4 =	vshll.u32 v4, $0x3;
	v5 =	vshll.u32 v3, $0x9  }
0x161: {  	v4 =	vand.u32 $0xC00, v4;
	v6 =	vshll.u32 v3, $0x7;
	v5 =	vand.u32 $0xFFFFF000, v5  }
0x162: {  	v7 =	vor.u32 s10, v1;
	s10 =	smov.u32 s11;
	v4 =	vor.u32 v4, v5;
	v5 =	vand.u32 $0x380, v6  }
0x163: {  	v3 =	vadd.s32 $0xFFFFFF38, v3;
	v6 =	vand.u32 $0x7F, v7;
	v4 =	vor.u32 v5, v4  }
0x164: {  	vm0 =	vlt.u32 v3, $0x28;
	v3 =	vor.u32 v6, v4  }
0x165: {  	v3 =	vadd.s32 $0xFFFE7000, v3;
	_ =	sdelay $0x1  }
.Ltmp16:
0x166: {  	(pc) =	sbr.rel @p0 .LBB2_34-.Ltmp16, $3  }
0x167: {  	_ =	sdelay $0x1  }
0x168: {  	s12 =	sadd.s32 $0x10, s12;
	[tilespmem:v3+s3+$0x0] =	vst.idx.msk vm0, v0  }
0x169: {  	s11 =	sadd.s32 $0x10, s11;
	v3 =	vld [tilespmem:s12+$0x0]  }
0x16a: {  	_ =	sdelay $0x2  }
0x16b: {  	v4 =	vmov s10  }
0x16c: {  	v4 =	vshll.u32 v4, $0x3;
	v5 =	vshll.u32 v3, $0x9  }
0x16d: {  	v4 =	vand.u32 $0xC00, v4;
	v6 =	vshll.u32 v3, $0x7;
	v5 =	vand.u32 $0xFFFFF000, v5  }
0x16e: {  	v7 =	vor.u32 s10, v1;
	v4 =	vor.u32 v4, v5;
	v5 =	vand.u32 $0x380, v6  }
0x16f: {  	v63 =	vand.u32 $0x7F, v7;
	v3 =	vadd.s32 $0xFFFFFF38, v3;
	v4 =	vor.u32 v5, v4  }
0x170: {  	vm0 =	vlt.u32 v3, $0x28;
	v3 =	vor.u32 v63, v4  }
0x171: {  	v3 =	vadd.s32 $0xFFFE7000, v3;
	_ =	sdelay $0x4  }
0x172: {  	[tilespmem:v3+s3+$0x0] =	vst.idx.msk vm0, v0  }
0x173: {  	s10 =	simm.s32 $0x10;
	v3 =	vld [tilespmem:s9+$0x0]  }
.LBB2_36:
0x174: {  	p0 =	sne.s32 s10, $0x1F0;
	_ =	sdelay $0x2  }
0x175: {  	v4 =	vmov s8  }
0x176: {  	v4 =	vshll.u32 v4, $0x3;
	v5 =	vshll.u32 v3, $0x9  }
0x177: {  	v4 =	vand.u32 $0xC00, v4;
	v6 =	vshll.u32 v3, $0x7;
	v5 =	vand.u32 $0xFFFFF000, v5  }
0x178: {  	v7 =	vor.u32 s8, v1;
	s8 =	smov.u32 s10;
	v4 =	vor.u32 v4, v5;
	v5 =	vand.u32 $0x380, v6  }
0x179: {  	v3 =	vadd.s32 $0xFFFFFEE8, v3;
	v6 =	vand.u32 $0x7F, v7;
	v4 =	vor.u32 v5, v4  }
0x17a: {  	vm0 =	vlt.u32 v3, $0x28;
	v3 =	vor.u32 v6, v4  }
0x17b: {  	v3 =	vadd.s32 $0xFFFDD000, v3;
	_ =	sdelay $0x1  }
.Ltmp17:
0x17c: {  	(pc) =	sbr.rel @p0 .LBB2_36-.Ltmp17, $3  }
0x17d: {  	_ =	sdelay $0x1  }
0x17e: {  	s9 =	sadd.s32 $0x10, s9;
	[tilespmem:v3+s3+$0x0] =	vst.idx.msk vm0, v2  }
0x17f: {  	s10 =	sadd.s32 $0x10, s10;
	v3 =	vld [tilespmem:s9+$0x0]  }
0x180: {  	_ =	sdelay $0x2  }
0x181: {  	v4 =	vmov s8  }
0x182: {  	v4 =	vshll.u32 v4, $0x3;
	v5 =	vshll.u32 v3, $0x9  }
0x183: {  	v4 =	vand.u32 $0xC00, v4;
	v6 =	vshll.u32 v3, $0x7;
	v5 =	vand.u32 $0xFFFFF000, v5  }
0x184: {  	v7 =	vor.u32 s8, v1;
	v4 =	vor.u32 v4, v5;
	v5 =	vand.u32 $0x380, v6  }
0x185: {  	v63 =	vand.u32 $0x7F, v7;
	v3 =	vadd.s32 $0xFFFFFEE8, v3;
	v4 =	vor.u32 v5, v4  }
0x186: {  	vm0 =	vlt.u32 v3, $0x28;
	v3 =	vor.u32 v63, v4  }
0x187: {  	v3 =	vadd.s32 $0xFFFDD000, v3;
	_ =	sdelay $0x4  }
0x188: {  	s14 =	rddreg [dreg:$0xa];
	[tilespmem:v3+s3+$0x0] =	vst.idx.msk vm0, v2  }
0x189: {  	[hbm4b:s14+s1] =	stream.strided.scatter [tilespmem:s3], [sflag:$0x2], $0x5000, s31, s1, $0x38;
	[tilespmem:$0xA200] =	vst v63  }
0x18a: {  	_ =	swait.ge [sflag:s5], $0x5000  }
0x18b: {  	[sflag:s5] =	ssyncset.done $0x0  }
0x18c: {  	s8 =	simm.s32 $0x0;
	s9 =	simm.s32 $0xA000;
	[sflag:s5] =	ssyncadd.s32 $0xFFFFB000  }
0x18d: {  	s11 =	simm.s32 $0x10;
	s10 =	simm.s32 $0x0;
	s12 =	simm.s32 $0xA000;
	v3 =	vld [tilespmem:s9+$0x0]  }
.LBB2_38:
0x18e: {  	p0 =	sne.s32 s11, $0x1F0;
	_ =	sdelay $0x2  }
0x18f: {  	v4 =	vmov s10  }
0x190: {  	v4 =	vshll.u32 v4, $0x3;
	v5 =	vshll.u32 v3, $0x9  }
0x191: {  	v4 =	vand.u32 $0xC00, v4;
	v6 =	vshll.u32 v3, $0x7;
	v5 =	vand.u32 $0xFFFFF000, v5  }
0x192: {  	v7 =	vor.u32 s10, v1;
	s10 =	smov.u32 s11;
	v4 =	vor.u32 v4, v5;
	v5 =	vand.u32 $0x380, v6  }
0x193: {  	v3 =	vadd.s32 $0xFFFFFF10, v3;
	v6 =	vand.u32 $0x7F, v7;
	v4 =	vor.u32 v5, v4  }
0x194: {  	vm0 =	vlt.u32 v3, $0x28;
	v3 =	vor.u32 v6, v4  }
0x195: {  	v3 =	vadd.s32 $0xFFFE2000, v3;
	_ =	sdelay $0x1  }
.Ltmp18:
0x196: {  	(pc) =	sbr.rel @p0 .LBB2_38-.Ltmp18, $3  }
0x197: {  	_ =	sdelay $0x1  }
0x198: {  	s12 =	sadd.s32 $0x10, s12;
	[tilespmem:v3+s8+$0x0] =	vst.idx.msk vm0, v0  }
0x199: {  	s11 =	sadd.s32 $0x10, s11;
	v3 =	vld [tilespmem:s12+$0x0]  }
0x19a: {  	_ =	sdelay $0x2  }
0x19b: {  	v4 =	vmov s10  }
0x19c: {  	v4 =	vshll.u32 v4, $0x3;
	v5 =	vshll.u32 v3, $0x9  }
0x19d: {  	v4 =	vand.u32 $0xC00, v4;
	v6 =	vshll.u32 v3, $0x7;
	v5 =	vand.u32 $0xFFFFF000, v5  }
0x19e: {  	v7 =	vor.u32 s10, v1;
	v4 =	vor.u32 v4, v5;
	v5 =	vand.u32 $0x380, v6  }
0x19f: {  	v63 =	vand.u32 $0x7F, v7;
	v3 =	vadd.s32 $0xFFFFFF10, v3;
	v4 =	vor.u32 v5, v4  }
0x1a0: {  	vm0 =	vlt.u32 v3, $0x28;
	v3 =	vor.u32 v63, v4  }
0x1a1: {  	v3 =	vadd.s32 $0xFFFE2000, v3;
	_ =	sdelay $0x4  }
0x1a2: {  	[tilespmem:v3+s8+$0x0] =	vst.idx.msk vm0, v0  }
0x1a3: {  	s10 =	simm.s32 $0x10;
	v3 =	vld [tilespmem:s9+$0x0]  }
.LBB2_40:
0x1a4: {  	p0 =	sne.s32 s10, $0x1F0;
	_ =	sdelay $0x2  }
0x1a5: {  	v4 =	vmov s8  }
0x1a6: {  	v4 =	vshll.u32 v4, $0x3;
	v5 =	vshll.u32 v3, $0x9  }
0x1a7: {  	v4 =	vand.u32 $0xC00, v4;
	v6 =	vshll.u32 v3, $0x7;
	v5 =	vand.u32 $0xFFFFF000, v5  }
0x1a8: {  	v7 =	vor.u32 s8, v1;
	s8 =	smov.u32 s10;
	v4 =	vor.u32 v4, v5;
	v5 =	vand.u32 $0x380, v6  }
0x1a9: {  	v3 =	vadd.s32 $0xFFFFFEC0, v3;
	v6 =	vand.u32 $0x7F, v7;
	v4 =	vor.u32 v5, v4  }
0x1aa: {  	vm0 =	vlt.u32 v3, $0x28;
	v3 =	vor.u32 v6, v4  }
0x1ab: {  	v3 =	vadd.s32 $0xFFFD8000, v3;
	_ =	sdelay $0x1  }
.Ltmp19:
0x1ac: {  	(pc) =	sbr.rel @p0 .LBB2_40-.Ltmp19, $3  }
0x1ad: {  	_ =	sdelay $0x1  }
0x1ae: {  	s9 =	sadd.s32 $0x10, s9;
	[tilespmem:v3+s2+$0x0] =	vst.idx.msk vm0, v2  }
0x1af: {  	s10 =	sadd.s32 $0x10, s10;
	v3 =	vld [tilespmem:s9+$0x0]  }
0x1b0: {  	_ =	sdelay $0x2  }
0x1b1: {  	v4 =	vmov s8  }
0x1b2: {  	v4 =	vshll.u32 v4, $0x3;
	v5 =	vshll.u32 v3, $0x9  }
0x1b3: {  	v4 =	vand.u32 $0xC00, v4;
	v6 =	vshll.u32 v3, $0x7;
	v5 =	vand.u32 $0xFFFFF000, v5  }
0x1b4: {  	v7 =	vor.u32 s8, v1;
	v4 =	vor.u32 v4, v5;
	v5 =	vand.u32 $0x380, v6  }
0x1b5: {  	v63 =	vand.u32 $0x7F, v7;
	v3 =	vadd.s32 $0xFFFFFEC0, v3;
	v4 =	vor.u32 v5, v4  }
0x1b6: {  	vm0 =	vlt.u32 v3, $0x28;
	v3 =	vor.u32 v63, v4  }
0x1b7: {  	v3 =	vadd.s32 $0xFFFD8000, v3;
	_ =	sdelay $0x4  }
0x1b8: {  	s8 =	simm.s32 $0x0;
	s9 =	rddreg [dreg:$0xb];
	[tilespmem:v3+s2+$0x0] =	vst.idx.msk vm0, v2  }
0x1b9: {  	[hbm4b:s9+s1] =	stream.strided.scatter [tilespmem:s8], [sflag:$0x1], $0x5000, s31, s1, $0x38;
	[tilespmem:$0xA200] =	vst v63  }
0x1ba: {  	_ =	swait.ge [sflag:s6], $0x5000  }
0x1bb: {  	[sflag:s6] =	ssyncset.done $0x0  }
0x1bc: {  	s9 =	simm.s32 $0xA000;
	[sflag:s6] =	ssyncadd.s32 $0xFFFFB000  }
0x1bd: {  	s11 =	simm.s32 $0x10;
	s10 =	simm.s32 $0x0;
	s12 =	simm.s32 $0xA000;
	v3 =	vld [tilespmem:s9+$0x0]  }
.LBB2_42:
0x1be: {  	p0 =	sne.s32 s11, $0x1F0;
	_ =	sdelay $0x2  }
0x1bf: {  	v4 =	vmov s10  }
0x1c0: {  	v4 =	vshll.u32 v4, $0x3;
	v5 =	vshll.u32 v3, $0x9  }
0x1c1: {  	v4 =	vand.u32 $0xC00, v4;
	v6 =	vshll.u32 v3, $0x7;
	v5 =	vand.u32 $0xFFFFF000, v5  }
0x1c2: {  	v7 =	vor.u32 s10, v1;
	s10 =	smov.u32 s11;
	v4 =	vor.u32 v4, v5;
	v5 =	vand.u32 $0x380, v6  }
0x1c3: {  	v3 =	vadd.s32 $0xFFFFFEE8, v3;
	v6 =	vand.u32 $0x7F, v7;
	v4 =	vor.u32 v5, v4  }
0x1c4: {  	vm0 =	vlt.u32 v3, $0x28;
	v3 =	vor.u32 v6, v4  }
0x1c5: {  	v3 =	vadd.s32 $0xFFFDD000, v3;
	_ =	sdelay $0x1  }
.Ltmp20:
0x1c6: {  	(pc) =	sbr.rel @p0 .LBB2_42-.Ltmp20, $3  }
0x1c7: {  	_ =	sdelay $0x1  }
0x1c8: {  	s12 =	sadd.s32 $0x10, s12;
	[tilespmem:v3+s3+$0x0] =	vst.idx.msk vm0, v0  }
0x1c9: {  	s11 =	sadd.s32 $0x10, s11;
	v3 =	vld [tilespmem:s12+$0x0]  }
0x1ca: {  	_ =	sdelay $0x2  }
0x1cb: {  	v4 =	vmov s10  }
0x1cc: {  	v4 =	vshll.u32 v4, $0x3;
	v5 =	vshll.u32 v3, $0x9  }
0x1cd: {  	v4 =	vand.u32 $0xC00, v4;
	v6 =	vshll.u32 v3, $0x7;
	v5 =	vand.u32 $0xFFFFF000, v5  }
0x1ce: {  	v7 =	vor.u32 s10, v1;
	v4 =	vor.u32 v4, v5;
	v5 =	vand.u32 $0x380, v6  }
0x1cf: {  	v63 =	vand.u32 $0x7F, v7;
	v3 =	vadd.s32 $0xFFFFFEE8, v3;
	v4 =	vor.u32 v5, v4  }
0x1d0: {  	vm0 =	vlt.u32 v3, $0x28;
	v3 =	vor.u32 v63, v4  }
0x1d1: {  	v3 =	vadd.s32 $0xFFFDD000, v3;
	_ =	sdelay $0x4  }
0x1d2: {  	[tilespmem:v3+s3+$0x0] =	vst.idx.msk vm0, v0  }
0x1d3: {  	s10 =	simm.s32 $0x10;
	v3 =	vld [tilespmem:s9+$0x0]  }
.LBB2_44:
0x1d4: {  	p0 =	sne.s32 s10, $0x1F0;
	_ =	sdelay $0x2  }
0x1d5: {  	v4 =	vmov s8  }
0x1d6: {  	v4 =	vshll.u32 v4, $0x3;
	v5 =	vshll.u32 v3, $0x9  }
0x1d7: {  	v4 =	vand.u32 $0xC00, v4;
	v6 =	vshll.u32 v3, $0x7;
	v5 =	vand.u32 $0xFFFFF000, v5  }
0x1d8: {  	v7 =	vor.u32 s8, v1;
	s8 =	smov.u32 s10;
	v4 =	vor.u32 v4, v5;
	v5 =	vand.u32 $0x380, v6  }
0x1d9: {  	v3 =	vadd.s32 $0xFFFFFE98, v3;
	v6 =	vand.u32 $0x7F, v7;
	v4 =	vor.u32 v5, v4  }
0x1da: {  	vm0 =	vlt.u32 v3, $0x28;
	v3 =	vor.u32 v6, v4  }
0x1db: {  	v3 =	vadd.s32 $0xFFFD3000, v3;
	_ =	sdelay $0x1  }
.Ltmp21:
0x1dc: {  	(pc) =	sbr.rel @p0 .LBB2_44-.Ltmp21, $3  }
0x1dd: {  	_ =	sdelay $0x1  }
0x1de: {  	s9 =	sadd.s32 $0x10, s9;
	[tilespmem:v3+s3+$0x0] =	vst.idx.msk vm0, v2  }
0x1df: {  	s10 =	sadd.s32 $0x10, s10;
	v3 =	vld [tilespmem:s9+$0x0]  }
0x1e0: {  	_ =	sdelay $0x2  }
0x1e1: {  	v4 =	vmov s8  }
0x1e2: {  	v4 =	vshll.u32 v4, $0x3;
	v5 =	vshll.u32 v3, $0x9  }
0x1e3: {  	v4 =	vand.u32 $0xC00, v4;
	v6 =	vshll.u32 v3, $0x7;
	v5 =	vand.u32 $0xFFFFF000, v5  }
0x1e4: {  	v7 =	vor.u32 s8, v1;
	v4 =	vor.u32 v4, v5;
	v5 =	vand.u32 $0x380, v6  }
0x1e5: {  	v63 =	vand.u32 $0x7F, v7;
	v3 =	vadd.s32 $0xFFFFFE98, v3;
	v4 =	vor.u32 v5, v4  }
0x1e6: {  	vm0 =	vlt.u32 v3, $0x28;
	v3 =	vor.u32 v63, v4  }
0x1e7: {  	v3 =	vadd.s32 $0xFFFD3000, v3;
	_ =	sdelay $0x4  }
0x1e8: {  	s14 =	rddreg [dreg:$0xc];
	[tilespmem:v3+s3+$0x0] =	vst.idx.msk vm0, v2  }
0x1e9: {  	[hbm4b:s14+s1] =	stream.strided.scatter [tilespmem:s3], [sflag:$0x2], $0x5000, s31, s1, $0x38;
	[tilespmem:$0xA200] =	vst v63  }
0x1ea: {  	_ =	swait.ge [sflag:s5], $0x5000  }
0x1eb: {  	[sflag:s5] =	ssyncset.done $0x0  }
0x1ec: {  	s8 =	simm.s32 $0x0;
	s9 =	simm.s32 $0xA000;
	[sflag:s5] =	ssyncadd.s32 $0xFFFFB000  }
0x1ed: {  	s11 =	simm.s32 $0x10;
	s10 =	simm.s32 $0x0;
	s12 =	simm.s32 $0xA000;
	v3 =	vld [tilespmem:s9+$0x0]  }
.LBB2_46:
0x1ee: {  	p0 =	sne.s32 s11, $0x1F0;
	_ =	sdelay $0x2  }
0x1ef: {  	v4 =	vmov s10  }
0x1f0: {  	v4 =	vshll.u32 v4, $0x3;
	v5 =	vshll.u32 v3, $0x9  }
0x1f1: {  	v4 =	vand.u32 $0xC00, v4;
	v6 =	vshll.u32 v3, $0x7;
	v5 =	vand.u32 $0xFFFFF000, v5  }
0x1f2: {  	v7 =	vor.u32 s10, v1;
	s10 =	smov.u32 s11;
	v4 =	vor.u32 v4, v5;
	v5 =	vand.u32 $0x380, v6  }
0x1f3: {  	v3 =	vadd.s32 $0xFFFFFEC0, v3;
	v6 =	vand.u32 $0x7F, v7;
	v4 =	vor.u32 v5, v4  }
0x1f4: {  	vm0 =	vlt.u32 v3, $0x28;
	v3 =	vor.u32 v6, v4  }
0x1f5: {  	v3 =	vadd.s32 $0xFFFD8000, v3;
	_ =	sdelay $0x1  }
.Ltmp22:
0x1f6: {  	(pc) =	sbr.rel @p0 .LBB2_46-.Ltmp22, $3  }
0x1f7: {  	_ =	sdelay $0x1  }
0x1f8: {  	s12 =	sadd.s32 $0x10, s12;
	[tilespmem:v3+s8+$0x0] =	vst.idx.msk vm0, v0  }
0x1f9: {  	s11 =	sadd.s32 $0x10, s11;
	v3 =	vld [tilespmem:s12+$0x0]  }
0x1fa: {  	_ =	sdelay $0x2  }
0x1fb: {  	v4 =	vmov s10  }
0x1fc: {  	v4 =	vshll.u32 v4, $0x3;
	v5 =	vshll.u32 v3, $0x9  }
0x1fd: {  	v4 =	vand.u32 $0xC00, v4;
	v6 =	vshll.u32 v3, $0x7;
	v5 =	vand.u32 $0xFFFFF000, v5  }
0x1fe: {  	v7 =	vor.u32 s10, v1;
	v4 =	vor.u32 v4, v5;
	v5 =	vand.u32 $0x380, v6  }
0x1ff: {  	v63 =	vand.u32 $0x7F, v7;
	v3 =	vadd.s32 $0xFFFFFEC0, v3;
	v4 =	vor.u32 v5, v4  }
0x200: {  	vm0 =	vlt.u32 v3, $0x28;
	v3 =	vor.u32 v63, v4  }
0x201: {  	v3 =	vadd.s32 $0xFFFD8000, v3;
	_ =	sdelay $0x4  }
0x202: {  	[tilespmem:v3+s8+$0x0] =	vst.idx.msk vm0, v0  }
0x203: {  	s10 =	simm.s32 $0x10;
	v3 =	vld [tilespmem:s9+$0x0]  }
.LBB2_48:
0x204: {  	p0 =	sne.s32 s10, $0x1F0;
	_ =	sdelay $0x2  }
0x205: {  	v4 =	vmov s8  }
0x206: {  	v4 =	vshll.u32 v4, $0x3;
	v5 =	vshll.u32 v3, $0x9  }
0x207: {  	v4 =	vand.u32 $0xC00, v4;
	v6 =	vshll.u32 v3, $0x7;
	v5 =	vand.u32 $0xFFFFF000, v5  }
0x208: {  	v7 =	vor.u32 s8, v1;
	s8 =	smov.u32 s10;
	v4 =	vor.u32 v4, v5;
	v5 =	vand.u32 $0x380, v6  }
0x209: {  	v3 =	vadd.s32 $0xFFFFFE70, v3;
	v6 =	vand.u32 $0x7F, v7;
	v4 =	vor.u32 v5, v4  }
0x20a: {  	vm0 =	vlt.u32 v3, $0x28;
	v3 =	vor.u32 v6, v4  }
0x20b: {  	v3 =	vadd.s32 $0xFFFCE000, v3;
	_ =	sdelay $0x1  }
.Ltmp23:
0x20c: {  	(pc) =	sbr.rel @p0 .LBB2_48-.Ltmp23, $3  }
0x20d: {  	_ =	sdelay $0x1  }
0x20e: {  	s9 =	sadd.s32 $0x10, s9;
	[tilespmem:v3+s2+$0x0] =	vst.idx.msk vm0, v2  }
0x20f: {  	s10 =	sadd.s32 $0x10, s10;
	v3 =	vld [tilespmem:s9+$0x0]  }
0x210: {  	_ =	sdelay $0x2  }
0x211: {  	v4 =	vmov s8  }
0x212: {  	v4 =	vshll.u32 v4, $0x3;
	v5 =	vshll.u32 v3, $0x9  }
0x213: {  	v4 =	vand.u32 $0xC00, v4;
	v6 =	vshll.u32 v3, $0x7;
	v5 =	vand.u32 $0xFFFFF000, v5  }
0x214: {  	v7 =	vor.u32 s8, v1;
	v4 =	vor.u32 v4, v5;
	v5 =	vand.u32 $0x380, v6  }
0x215: {  	v63 =	vand.u32 $0x7F, v7;
	v3 =	vadd.s32 $0xFFFFFE70, v3;
	v4 =	vor.u32 v5, v4  }
0x216: {  	vm0 =	vlt.u32 v3, $0x28;
	v3 =	vor.u32 v63, v4  }
0x217: {  	v3 =	vadd.s32 $0xFFFCE000, v3;
	_ =	sdelay $0x4  }
0x218: {  	s8 =	simm.s32 $0x0;
	s9 =	rddreg [dreg:$0xd];
	[tilespmem:v3+s2+$0x0] =	vst.idx.msk vm0, v2  }
0x219: {  	[hbm4b:s9+s1] =	stream.strided.scatter [tilespmem:s8], [sflag:$0x1], $0x5000, s31, s1, $0x38;
	[tilespmem:$0xA200] =	vst v63  }
0x21a: {  	_ =	swait.ge [sflag:s6], $0x5000  }
0x21b: {  	[sflag:s6] =	ssyncset.done $0x0  }
0x21c: {  	s9 =	simm.s32 $0xA000;
	[sflag:s6] =	ssyncadd.s32 $0xFFFFB000  }
0x21d: {  	s11 =	simm.s32 $0x10;
	s10 =	simm.s32 $0x0;
	s12 =	simm.s32 $0xA000;
	v3 =	vld [tilespmem:s9+$0x0]  }
.LBB2_50:
0x21e: {  	p0 =	sne.s32 s11, $0x1F0;
	_ =	sdelay $0x2  }
0x21f: {  	v4 =	vmov s10  }
0x220: {  	v4 =	vshll.u32 v4, $0x3;
	v5 =	vshll.u32 v3, $0x9  }
0x221: {  	v4 =	vand.u32 $0xC00, v4;
	v6 =	vshll.u32 v3, $0x7;
	v5 =	vand.u32 $0xFFFFF000, v5  }
0x222: {  	v7 =	vor.u32 s10, v1;
	s10 =	smov.u32 s11;
	v4 =	vor.u32 v4, v5;
	v5 =	vand.u32 $0x380, v6  }
0x223: {  	v3 =	vadd.s32 $0xFFFFFE98, v3;
	v6 =	vand.u32 $0x7F, v7;
	v4 =	vor.u32 v5, v4  }
0x224: {  	vm0 =	vlt.u32 v3, $0x28;
	v3 =	vor.u32 v6, v4  }
0x225: {  	v3 =	vadd.s32 $0xFFFD3000, v3;
	_ =	sdelay $0x1  }
.Ltmp24:
0x226: {  	(pc) =	sbr.rel @p0 .LBB2_50-.Ltmp24, $3  }
0x227: {  	_ =	sdelay $0x1  }
0x228: {  	s12 =	sadd.s32 $0x10, s12;
	[tilespmem:v3+s3+$0x0] =	vst.idx.msk vm0, v0  }
0x229: {  	s11 =	sadd.s32 $0x10, s11;
	v3 =	vld [tilespmem:s12+$0x0]  }
0x22a: {  	_ =	sdelay $0x2  }
0x22b: {  	v4 =	vmov s10  }
0x22c: {  	v4 =	vshll.u32 v4, $0x3;
	v5 =	vshll.u32 v3, $0x9  }
0x22d: {  	v4 =	vand.u32 $0xC00, v4;
	v6 =	vshll.u32 v3, $0x7;
	v5 =	vand.u32 $0xFFFFF000, v5  }
0x22e: {  	v7 =	vor.u32 s10, v1;
	v4 =	vor.u32 v4, v5;
	v5 =	vand.u32 $0x380, v6  }
0x22f: {  	v63 =	vand.u32 $0x7F, v7;
	v3 =	vadd.s32 $0xFFFFFE98, v3;
	v4 =	vor.u32 v5, v4  }
0x230: {  	vm0 =	vlt.u32 v3, $0x28;
	v3 =	vor.u32 v63, v4  }
0x231: {  	v3 =	vadd.s32 $0xFFFD3000, v3;
	_ =	sdelay $0x4  }
0x232: {  	[tilespmem:v3+s3+$0x0] =	vst.idx.msk vm0, v0  }
0x233: {  	s10 =	simm.s32 $0x10;
	v3 =	vld [tilespmem:s9+$0x0]  }
.LBB2_52:
0x234: {  	p0 =	sne.s32 s10, $0x1F0;
	_ =	sdelay $0x2  }
0x235: {  	v4 =	vmov s8  }
0x236: {  	v4 =	vshll.u32 v4, $0x3;
	v5 =	vshll.u32 v3, $0x9  }
0x237: {  	v4 =	vand.u32 $0xC00, v4;
	v6 =	vshll.u32 v3, $0x7;
	v5 =	vand.u32 $0xFFFFF000, v5  }
0x238: {  	v7 =	vor.u32 s8, v1;
	s8 =	smov.u32 s10;
	v4 =	vor.u32 v4, v5;
	v5 =	vand.u32 $0x380, v6  }
0x239: {  	v3 =	vadd.s32 $0xFFFFFE48, v3;
	v6 =	vand.u32 $0x7F, v7;
	v4 =	vor.u32 v5, v4  }
0x23a: {  	vm0 =	vlt.u32 v3, $0x28;
	v3 =	vor.u32 v6, v4  }
0x23b: {  	v3 =	vadd.s32 $0xFFFC9000, v3;
	_ =	sdelay $0x1  }
.Ltmp25:
0x23c: {  	(pc) =	sbr.rel @p0 .LBB2_52-.Ltmp25, $3  }
0x23d: {  	_ =	sdelay $0x1  }
0x23e: {  	s9 =	sadd.s32 $0x10, s9;
	[tilespmem:v3+s3+$0x0] =	vst.idx.msk vm0, v2  }
0x23f: {  	s10 =	sadd.s32 $0x10, s10;
	v3 =	vld [tilespmem:s9+$0x0]  }
0x240: {  	_ =	sdelay $0x2  }
0x241: {  	v4 =	vmov s8  }
0x242: {  	v4 =	vshll.u32 v4, $0x3;
	v5 =	vshll.u32 v3, $0x9  }
0x243: {  	v4 =	vand.u32 $0xC00, v4;
	v6 =	vshll.u32 v3, $0x7;
	v5 =	vand.u32 $0xFFFFF000, v5  }
0x244: {  	v7 =	vor.u32 s8, v1;
	v4 =	vor.u32 v4, v5;
	v5 =	vand.u32 $0x380, v6  }
0x245: {  	v63 =	vand.u32 $0x7F, v7;
	v3 =	vadd.s32 $0xFFFFFE48, v3;
	v4 =	vor.u32 v5, v4  }
0x246: {  	vm0 =	vlt.u32 v3, $0x28;
	v3 =	vor.u32 v63, v4  }
0x247: {  	v3 =	vadd.s32 $0xFFFC9000, v3;
	_ =	sdelay $0x4  }
0x248: {  	[tilespmem:v3+s3+$0x0] =	vst.idx.msk vm0, v2  }
0x249: {  	[hbm4b:s15+s1] =	stream.strided.scatter [tilespmem:s3], [sflag:$0x2], $0x5000, s31, s1, $0x38;
	[tilespmem:$0xA200] =	vst v63  }
0x24a: {  	_ =	swait.ge [sflag:s5], $0x5000  }
0x24b: {  	[sflag:s5] =	ssyncset.done $0x0  }
0x24c: {  	s8 =	simm.s32 $0x0;
	s9 =	simm.s32 $0xA000;
	[sflag:s5] =	ssyncadd.s32 $0xFFFFB000  }
0x24d: {  	s11 =	simm.s32 $0x10;
	s10 =	simm.s32 $0x0;
	s12 =	simm.s32 $0xA000;
	v3 =	vld [tilespmem:s9+$0x0]  }
.LBB2_54:
0x24e: {  	p0 =	sne.s32 s11, $0x1F0;
	_ =	sdelay $0x2  }
0x24f: {  	v4 =	vmov s10  }
0x250: {  	v4 =	vshll.u32 v4, $0x3;
	v5 =	vshll.u32 v3, $0x9  }
0x251: {  	v4 =	vand.u32 $0xC00, v4;
	v6 =	vshll.u32 v3, $0x7;
	v5 =	vand.u32 $0xFFFFF000, v5  }
0x252: {  	v7 =	vor.u32 s10, v1;
	s10 =	smov.u32 s11;
	v4 =	vor.u32 v4, v5;
	v5 =	vand.u32 $0x380, v6  }
0x253: {  	v3 =	vadd.s32 $0xFFFFFE70, v3;
	v6 =	vand.u32 $0x7F, v7;
	v4 =	vor.u32 v5, v4  }
0x254: {  	vm0 =	vlt.u32 v3, $0x28;
	v3 =	vor.u32 v6, v4  }
0x255: {  	v3 =	vadd.s32 $0xFFFCE000, v3;
	_ =	sdelay $0x1  }
.Ltmp26:
0x256: {  	(pc) =	sbr.rel @p0 .LBB2_54-.Ltmp26, $3  }
0x257: {  	_ =	sdelay $0x1  }
0x258: {  	s12 =	sadd.s32 $0x10, s12;
	[tilespmem:v3+s8+$0x0] =	vst.idx.msk vm0, v0  }
0x259: {  	s11 =	sadd.s32 $0x10, s11;
	v3 =	vld [tilespmem:s12+$0x0]  }
0x25a: {  	_ =	sdelay $0x2  }
0x25b: {  	v4 =	vmov s10  }
0x25c: {  	v4 =	vshll.u32 v4, $0x3;
	v5 =	vshll.u32 v3, $0x9  }
0x25d: {  	v4 =	vand.u32 $0xC00, v4;
	v6 =	vshll.u32 v3, $0x7;
	v5 =	vand.u32 $0xFFFFF000, v5  }
0x25e: {  	v7 =	vor.u32 s10, v1;
	v4 =	vor.u32 v4, v5;
	v5 =	vand.u32 $0x380, v6  }
0x25f: {  	v63 =	vand.u32 $0x7F, v7;
	v3 =	vadd.s32 $0xFFFFFE70, v3;
	v4 =	vor.u32 v5, v4  }
0x260: {  	vm0 =	vlt.u32 v3, $0x28;
	v3 =	vor.u32 v63, v4  }
0x261: {  	v3 =	vadd.s32 $0xFFFCE000, v3;
	_ =	sdelay $0x4  }
0x262: {  	[tilespmem:v3+s8+$0x0] =	vst.idx.msk vm0, v0  }
0x263: {  	s10 =	simm.s32 $0x10;
	v3 =	vld [tilespmem:s9+$0x0]  }
.LBB2_56:
0x264: {  	p0 =	sne.s32 s10, $0x1F0;
	_ =	sdelay $0x2  }
0x265: {  	v4 =	vmov s8  }
0x266: {  	v4 =	vshll.u32 v4, $0x3;
	v5 =	vshll.u32 v3, $0x9  }
0x267: {  	v4 =	vand.u32 $0xC00, v4;
	v6 =	vshll.u32 v3, $0x7;
	v5 =	vand.u32 $0xFFFFF000, v5  }
0x268: {  	v7 =	vor.u32 s8, v1;
	s8 =	smov.u32 s10;
	v4 =	vor.u32 v4, v5;
	v5 =	vand.u32 $0x380, v6  }
0x269: {  	v3 =	vadd.s32 $0xFFFFFE20, v3;
	v6 =	vand.u32 $0x7F, v7;
	v4 =	vor.u32 v5, v4  }
0x26a: {  	vm0 =	vlt.u32 v3, $0x28;
	v3 =	vor.u32 v6, v4  }
0x26b: {  	v3 =	vadd.s32 $0xFFFC4000, v3;
	_ =	sdelay $0x1  }
.Ltmp27:
0x26c: {  	(pc) =	sbr.rel @p0 .LBB2_56-.Ltmp27, $3  }
0x26d: {  	_ =	sdelay $0x1  }
0x26e: {  	s9 =	sadd.s32 $0x10, s9;
	[tilespmem:v3+s2+$0x0] =	vst.idx.msk vm0, v2  }
0x26f: {  	s10 =	sadd.s32 $0x10, s10;
	v3 =	vld [tilespmem:s9+$0x0]  }
0x270: {  	_ =	sdelay $0x2  }
0x271: {  	v4 =	vmov s8  }
0x272: {  	v4 =	vshll.u32 v4, $0x3;
	v5 =	vshll.u32 v3, $0x9  }
0x273: {  	v4 =	vand.u32 $0xC00, v4;
	v6 =	vshll.u32 v3, $0x7;
	v5 =	vand.u32 $0xFFFFF000, v5  }
0x274: {  	v7 =	vor.u32 s8, v1;
	v4 =	vor.u32 v4, v5;
	v5 =	vand.u32 $0x380, v6  }
0x275: {  	v63 =	vand.u32 $0x7F, v7;
	v3 =	vadd.s32 $0xFFFFFE20, v3;
	v4 =	vor.u32 v5, v4  }
0x276: {  	vm0 =	vlt.u32 v3, $0x28;
	v3 =	vor.u32 v63, v4  }
0x277: {  	v3 =	vadd.s32 $0xFFFC4000, v3;
	_ =	sdelay $0x4  }
0x278: {  	s8 =	simm.s32 $0x0;
	[tilespmem:v3+s2+$0x0] =	vst.idx.msk vm0, v2  }
0x279: {  	[hbm4b:s16+s1] =	stream.strided.scatter [tilespmem:s8], [sflag:$0x1], $0x5000, s31, s1, $0x38;
	[tilespmem:$0xA200] =	vst v63  }
0x27a: {  	_ =	swait.ge [sflag:s6], $0x5000  }
0x27b: {  	[sflag:s6] =	ssyncset.done $0x0  }
0x27c: {  	s9 =	simm.s32 $0xA000;
	[sflag:s6] =	ssyncadd.s32 $0xFFFFB000  }
0x27d: {  	s11 =	simm.s32 $0x10;
	s10 =	simm.s32 $0x0;
	s12 =	simm.s32 $0xA000;
	v3 =	vld [tilespmem:s9+$0x0]  }
.LBB2_58:
0x27e: {  	p0 =	sne.s32 s11, $0x1F0;
	_ =	sdelay $0x2  }
0x27f: {  	v4 =	vmov s10  }
0x280: {  	v4 =	vshll.u32 v4, $0x3;
	v5 =	vshll.u32 v3, $0x9  }
0x281: {  	v4 =	vand.u32 $0xC00, v4;
	v6 =	vshll.u32 v3, $0x7;
	v5 =	vand.u32 $0xFFFFF000, v5  }
0x282: {  	v7 =	vor.u32 s10, v1;
	s10 =	smov.u32 s11;
	v4 =	vor.u32 v4, v5;
	v5 =	vand.u32 $0x380, v6  }
0x283: {  	v3 =	vadd.s32 $0xFFFFFE48, v3;
	v6 =	vand.u32 $0x7F, v7;
	v4 =	vor.u32 v5, v4  }
0x284: {  	vm0 =	vlt.u32 v3, $0x28;
	v3 =	vor.u32 v6, v4  }
0x285: {  	v3 =	vadd.s32 $0xFFFC9000, v3;
	_ =	sdelay $0x1  }
.Ltmp28:
0x286: {  	(pc) =	sbr.rel @p0 .LBB2_58-.Ltmp28, $3  }
0x287: {  	_ =	sdelay $0x1  }
0x288: {  	s12 =	sadd.s32 $0x10, s12;
	[tilespmem:v3+s3+$0x0] =	vst.idx.msk vm0, v0  }
0x289: {  	s11 =	sadd.s32 $0x10, s11;
	v3 =	vld [tilespmem:s12+$0x0]  }
0x28a: {  	_ =	sdelay $0x2  }
0x28b: {  	v4 =	vmov s10  }
0x28c: {  	v4 =	vshll.u32 v4, $0x3;
	v5 =	vshll.u32 v3, $0x9  }
0x28d: {  	v4 =	vand.u32 $0xC00, v4;
	v6 =	vshll.u32 v3, $0x7;
	v5 =	vand.u32 $0xFFFFF000, v5  }
0x28e: {  	v7 =	vor.u32 s10, v1;
	v4 =	vor.u32 v4, v5;
	v5 =	vand.u32 $0x380, v6  }
0x28f: {  	v63 =	vand.u32 $0x7F, v7;
	v3 =	vadd.s32 $0xFFFFFE48, v3;
	v4 =	vor.u32 v5, v4  }
0x290: {  	vm0 =	vlt.u32 v3, $0x28;
	v3 =	vor.u32 v63, v4  }
0x291: {  	v3 =	vadd.s32 $0xFFFC9000, v3;
	_ =	sdelay $0x4  }
0x292: {  	[tilespmem:v3+s3+$0x0] =	vst.idx.msk vm0, v0  }
0x293: {  	s10 =	simm.s32 $0x10;
	v3 =	vld [tilespmem:s9+$0x0]  }
.LBB2_60:
0x294: {  	p0 =	sne.s32 s10, $0x1F0;
	_ =	sdelay $0x2  }
0x295: {  	v4 =	vmov s8  }
0x296: {  	v4 =	vshll.u32 v4, $0x3;
	v5 =	vshll.u32 v3, $0x9  }
0x297: {  	v4 =	vand.u32 $0xC00, v4;
	v6 =	vshll.u32 v3, $0x7;
	v5 =	vand.u32 $0xFFFFF000, v5  }
0x298: {  	v7 =	vor.u32 s8, v1;
	s8 =	smov.u32 s10;
	v4 =	vor.u32 v4, v5;
	v5 =	vand.u32 $0x380, v6  }
0x299: {  	v3 =	vadd.s32 $0xFFFFFDF8, v3;
	v6 =	vand.u32 $0x7F, v7;
	v4 =	vor.u32 v5, v4  }
0x29a: {  	vm0 =	vlt.u32 v3, $0x28;
	v3 =	vor.u32 v6, v4  }
0x29b: {  	v3 =	vadd.s32 $0xFFFBF000, v3;
	_ =	sdelay $0x1  }
.Ltmp29:
0x29c: {  	(pc) =	sbr.rel @p0 .LBB2_60-.Ltmp29, $3  }
0x29d: {  	_ =	sdelay $0x1  }
0x29e: {  	s9 =	sadd.s32 $0x10, s9;
	[tilespmem:v3+s3+$0x0] =	vst.idx.msk vm0, v2  }
0x29f: {  	s10 =	sadd.s32 $0x10, s10;
	v3 =	vld [tilespmem:s9+$0x0]  }
0x2a0: {  	_ =	sdelay $0x2  }
0x2a1: {  	v4 =	vmov s8  }
0x2a2: {  	v4 =	vshll.u32 v4, $0x3;
	v5 =	vshll.u32 v3, $0x9  }
0x2a3: {  	v4 =	vand.u32 $0xC00, v4;
	v6 =	vshll.u32 v3, $0x7;
	v5 =	vand.u32 $0xFFFFF000, v5  }
0x2a4: {  	v7 =	vor.u32 s8, v1;
	v4 =	vor.u32 v4, v5;
	v5 =	vand.u32 $0x380, v6  }
0x2a5: {  	v63 =	vand.u32 $0x7F, v7;
	v3 =	vadd.s32 $0xFFFFFDF8, v3;
	v4 =	vor.u32 v5, v4  }
0x2a6: {  	vm0 =	vlt.u32 v3, $0x28;
	v3 =	vor.u32 v63, v4  }
0x2a7: {  	v3 =	vadd.s32 $0xFFFBF000, v3;
	_ =	sdelay $0x4  }
0x2a8: {  	[tilespmem:v3+s3+$0x0] =	vst.idx.msk vm0, v2  }
0x2a9: {  	[hbm4b:s17+s1] =	stream.strided.scatter [tilespmem:s3], [sflag:$0x2], $0x5000, s31, s1, $0x38;
	[tilespmem:$0xA200] =	vst v63  }
0x2aa: {  	_ =	swait.ge [sflag:s5], $0x5000  }
0x2ab: {  	[sflag:s5] =	ssyncset.done $0x0  }
0x2ac: {  	s8 =	simm.s32 $0x0;
	s9 =	simm.s32 $0xA000;
	[sflag:s5] =	ssyncadd.s32 $0xFFFFB000  }
0x2ad: {  	s11 =	simm.s32 $0x10;
	s10 =	simm.s32 $0x0;
	s12 =	simm.s32 $0xA000;
	v3 =	vld [tilespmem:s9+$0x0]  }
.LBB2_62:
0x2ae: {  	p0 =	sne.s32 s11, $0x1F0;
	_ =	sdelay $0x2  }
0x2af: {  	v4 =	vmov s10  }
0x2b0: {  	v4 =	vshll.u32 v4, $0x3;
	v5 =	vshll.u32 v3, $0x9  }
0x2b1: {  	v4 =	vand.u32 $0xC00, v4;
	v6 =	vshll.u32 v3, $0x7;
	v5 =	vand.u32 $0xFFFFF000, v5  }
0x2b2: {  	v7 =	vor.u32 s10, v1;
	s10 =	smov.u32 s11;
	v4 =	vor.u32 v4, v5;
	v5 =	vand.u32 $0x380, v6  }
0x2b3: {  	v3 =	vadd.s32 $0xFFFFFE20, v3;
	v6 =	vand.u32 $0x7F, v7;
	v4 =	vor.u32 v5, v4  }
0x2b4: {  	vm0 =	vlt.u32 v3, $0x28;
	v3 =	vor.u32 v6, v4  }
0x2b5: {  	v3 =	vadd.s32 $0xFFFC4000, v3;
	_ =	sdelay $0x1  }
.Ltmp30:
0x2b6: {  	(pc) =	sbr.rel @p0 .LBB2_62-.Ltmp30, $3  }
0x2b7: {  	_ =	sdelay $0x1  }
0x2b8: {  	s12 =	sadd.s32 $0x10, s12;
	[tilespmem:v3+s8+$0x0] =	vst.idx.msk vm0, v0  }
0x2b9: {  	s11 =	sadd.s32 $0x10, s11;
	v3 =	vld [tilespmem:s12+$0x0]  }
0x2ba: {  	_ =	sdelay $0x2  }
0x2bb: {  	v4 =	vmov s10  }
0x2bc: {  	v4 =	vshll.u32 v4, $0x3;
	v5 =	vshll.u32 v3, $0x9  }
0x2bd: {  	v4 =	vand.u32 $0xC00, v4;
	v6 =	vshll.u32 v3, $0x7;
	v5 =	vand.u32 $0xFFFFF000, v5  }
0x2be: {  	v7 =	vor.u32 s10, v1;
	v4 =	vor.u32 v4, v5;
	v5 =	vand.u32 $0x380, v6  }
0x2bf: {  	v63 =	vand.u32 $0x7F, v7;
	v3 =	vadd.s32 $0xFFFFFE20, v3;
	v4 =	vor.u32 v5, v4  }
0x2c0: {  	vm0 =	vlt.u32 v3, $0x28;
	v3 =	vor.u32 v63, v4  }
0x2c1: {  	v3 =	vadd.s32 $0xFFFC4000, v3;
	_ =	sdelay $0x4  }
0x2c2: {  	[tilespmem:v3+s8+$0x0] =	vst.idx.msk vm0, v0  }
0x2c3: {  	s10 =	simm.s32 $0x10;
	v3 =	vld [tilespmem:s9+$0x0]  }
.LBB2_64:
0x2c4: {  	p0 =	sne.s32 s10, $0x1F0;
	_ =	sdelay $0x2  }
0x2c5: {  	v4 =	vmov s8  }
0x2c6: {  	v4 =	vshll.u32 v4, $0x3;
	v5 =	vshll.u32 v3, $0x9  }
0x2c7: {  	v4 =	vand.u32 $0xC00, v4;
	v6 =	vshll.u32 v3, $0x7;
	v5 =	vand.u32 $0xFFFFF000, v5  }
0x2c8: {  	v7 =	vor.u32 s8, v1;
	s8 =	smov.u32 s10;
	v4 =	vor.u32 v4, v5;
	v5 =	vand.u32 $0x380, v6  }
0x2c9: {  	v3 =	vadd.s32 $0xFFFFFDD0, v3;
	v6 =	vand.u32 $0x7F, v7;
	v4 =	vor.u32 v5, v4  }
0x2ca: {  	vm0 =	vlt.u32 v3, $0x28;
	v3 =	vor.u32 v6, v4  }
0x2cb: {  	v3 =	vadd.s32 $0xFFFBA000, v3;
	_ =	sdelay $0x1  }
.Ltmp31:
0x2cc: {  	(pc) =	sbr.rel @p0 .LBB2_64-.Ltmp31, $3  }
0x2cd: {  	_ =	sdelay $0x1  }
0x2ce: {  	s9 =	sadd.s32 $0x10, s9;
	[tilespmem:v3+s2+$0x0] =	vst.idx.msk vm0, v2  }
0x2cf: {  	s10 =	sadd.s32 $0x10, s10;
	v3 =	vld [tilespmem:s9+$0x0]  }
0x2d0: {  	_ =	sdelay $0x2  }
0x2d1: {  	v4 =	vmov s8  }
0x2d2: {  	v4 =	vshll.u32 v4, $0x3;
	v5 =	vshll.u32 v3, $0x9  }
0x2d3: {  	v4 =	vand.u32 $0xC00, v4;
	v6 =	vshll.u32 v3, $0x7;
	v5 =	vand.u32 $0xFFFFF000, v5  }
0x2d4: {  	v7 =	vor.u32 s8, v1;
	v4 =	vor.u32 v4, v5;
	v5 =	vand.u32 $0x380, v6  }
0x2d5: {  	v63 =	vand.u32 $0x7F, v7;
	v3 =	vadd.s32 $0xFFFFFDD0, v3;
	v4 =	vor.u32 v5, v4  }
0x2d6: {  	vm0 =	vlt.u32 v3, $0x28;
	v3 =	vor.u32 v63, v4  }
0x2d7: {  	v3 =	vadd.s32 $0xFFFBA000, v3;
	_ =	sdelay $0x4  }
0x2d8: {  	s8 =	simm.s32 $0x0;
	[tilespmem:v3+s2+$0x0] =	vst.idx.msk vm0, v2  }
0x2d9: {  	[hbm4b:s18+s1] =	stream.strided.scatter [tilespmem:s8], [sflag:$0x1], $0x5000, s31, s1, $0x38;
	[tilespmem:$0xA200] =	vst v63  }
0x2da: {  	_ =	swait.ge [sflag:s6], $0x5000  }
0x2db: {  	[sflag:s6] =	ssyncset.done $0x0  }
0x2dc: {  	s9 =	simm.s32 $0xA000;
	[sflag:s6] =	ssyncadd.s32 $0xFFFFB000  }
0x2dd: {  	s11 =	simm.s32 $0x10;
	s10 =	simm.s32 $0x0;
	s12 =	simm.s32 $0xA000;
	v3 =	vld [tilespmem:s9+$0x0]  }
.LBB2_66:
0x2de: {  	p0 =	sne.s32 s11, $0x1F0;
	_ =	sdelay $0x2  }
0x2df: {  	v4 =	vmov s10  }
0x2e0: {  	v4 =	vshll.u32 v4, $0x3;
	v5 =	vshll.u32 v3, $0x9  }
0x2e1: {  	v4 =	vand.u32 $0xC00, v4;
	v6 =	vshll.u32 v3, $0x7;
	v5 =	vand.u32 $0xFFFFF000, v5  }
0x2e2: {  	v7 =	vor.u32 s10, v1;
	s10 =	smov.u32 s11;
	v4 =	vor.u32 v4, v5;
	v5 =	vand.u32 $0x380, v6  }
0x2e3: {  	v3 =	vadd.s32 $0xFFFFFDF8, v3;
	v6 =	vand.u32 $0x7F, v7;
	v4 =	vor.u32 v5, v4  }
0x2e4: {  	vm0 =	vlt.u32 v3, $0x28;
	v3 =	vor.u32 v6, v4  }
0x2e5: {  	v3 =	vadd.s32 $0xFFFBF000, v3;
	_ =	sdelay $0x1  }
.Ltmp32:
0x2e6: {  	(pc) =	sbr.rel @p0 .LBB2_66-.Ltmp32, $3  }
0x2e7: {  	_ =	sdelay $0x1  }
0x2e8: {  	s12 =	sadd.s32 $0x10, s12;
	[tilespmem:v3+s3+$0x0] =	vst.idx.msk vm0, v0  }
0x2e9: {  	s11 =	sadd.s32 $0x10, s11;
	v3 =	vld [tilespmem:s12+$0x0]  }
0x2ea: {  	_ =	sdelay $0x2  }
0x2eb: {  	v4 =	vmov s10  }
0x2ec: {  	v4 =	vshll.u32 v4, $0x3;
	v5 =	vshll.u32 v3, $0x9  }
0x2ed: {  	v4 =	vand.u32 $0xC00, v4;
	v6 =	vshll.u32 v3, $0x7;
	v5 =	vand.u32 $0xFFFFF000, v5  }
0x2ee: {  	v7 =	vor.u32 s10, v1;
	v4 =	vor.u32 v4, v5;
	v5 =	vand.u32 $0x380, v6  }
0x2ef: {  	v63 =	vand.u32 $0x7F, v7;
	v3 =	vadd.s32 $0xFFFFFDF8, v3;
	v4 =	vor.u32 v5, v4  }
0x2f0: {  	vm0 =	vlt.u32 v3, $0x28;
	v3 =	vor.u32 v63, v4  }
0x2f1: {  	v3 =	vadd.s32 $0xFFFBF000, v3;
	_ =	sdelay $0x4  }
0x2f2: {  	[tilespmem:v3+s3+$0x0] =	vst.idx.msk vm0, v0  }
0x2f3: {  	s10 =	simm.s32 $0x10;
	v3 =	vld [tilespmem:s9+$0x0]  }
.LBB2_68:
0x2f4: {  	p0 =	sne.s32 s10, $0x1F0;
	_ =	sdelay $0x2  }
0x2f5: {  	v4 =	vmov s8  }
0x2f6: {  	v4 =	vshll.u32 v4, $0x3;
	v5 =	vshll.u32 v3, $0x9  }
0x2f7: {  	v4 =	vand.u32 $0xC00, v4;
	v6 =	vshll.u32 v3, $0x7;
	v5 =	vand.u32 $0xFFFFF000, v5  }
0x2f8: {  	v7 =	vor.u32 s8, v1;
	s8 =	smov.u32 s10;
	v4 =	vor.u32 v4, v5;
	v5 =	vand.u32 $0x380, v6  }
0x2f9: {  	v3 =	vadd.s32 $0xFFFFFDA8, v3;
	v6 =	vand.u32 $0x7F, v7;
	v4 =	vor.u32 v5, v4  }
0x2fa: {  	vm0 =	vlt.u32 v3, $0x28;
	v3 =	vor.u32 v6, v4  }
0x2fb: {  	v3 =	vadd.s32 $0xFFFB5000, v3;
	_ =	sdelay $0x1  }
.Ltmp33:
0x2fc: {  	(pc) =	sbr.rel @p0 .LBB2_68-.Ltmp33, $3  }
0x2fd: {  	_ =	sdelay $0x1  }
0x2fe: {  	s9 =	sadd.s32 $0x10, s9;
	[tilespmem:v3+s3+$0x0] =	vst.idx.msk vm0, v2  }
0x2ff: {  	s10 =	sadd.s32 $0x10, s10;
	v3 =	vld [tilespmem:s9+$0x0]  }
0x300: {  	_ =	sdelay $0x2  }
0x301: {  	v4 =	vmov s8  }
0x302: {  	v4 =	vshll.u32 v4, $0x3;
	v5 =	vshll.u32 v3, $0x9  }
0x303: {  	v4 =	vand.u32 $0xC00, v4;
	v6 =	vshll.u32 v3, $0x7;
	v5 =	vand.u32 $0xFFFFF000, v5  }
0x304: {  	v7 =	vor.u32 s8, v1;
	v4 =	vor.u32 v4, v5;
	v5 =	vand.u32 $0x380, v6  }
0x305: {  	v63 =	vand.u32 $0x7F, v7;
	v3 =	vadd.s32 $0xFFFFFDA8, v3;
	v4 =	vor.u32 v5, v4  }
0x306: {  	vm0 =	vlt.u32 v3, $0x28;
	v3 =	vor.u32 v63, v4  }
0x307: {  	v3 =	vadd.s32 $0xFFFB5000, v3;
	_ =	sdelay $0x4  }
0x308: {  	[tilespmem:v3+s3+$0x0] =	vst.idx.msk vm0, v2  }
0x309: {  	[hbm4b:s19+s1] =	stream.strided.scatter [tilespmem:s3], [sflag:$0x2], $0x5000, s31, s1, $0x38;
	[tilespmem:$0xA200] =	vst v63  }
0x30a: {  	_ =	swait.ge [sflag:s5], $0x5000  }
0x30b: {  	[sflag:s5] =	ssyncset.done $0x0  }
0x30c: {  	s8 =	simm.s32 $0x0;
	s9 =	simm.s32 $0xA000;
	[sflag:s5] =	ssyncadd.s32 $0xFFFFB000  }
0x30d: {  	s11 =	simm.s32 $0x10;
	s10 =	simm.s32 $0x0;
	s12 =	simm.s32 $0xA000;
	v3 =	vld [tilespmem:s9+$0x0]  }
.LBB2_70:
0x30e: {  	p0 =	sne.s32 s11, $0x1F0;
	_ =	sdelay $0x2  }
0x30f: {  	v4 =	vmov s10  }
0x310: {  	v4 =	vshll.u32 v4, $0x3;
	v5 =	vshll.u32 v3, $0x9  }
0x311: {  	v4 =	vand.u32 $0xC00, v4;
	v6 =	vshll.u32 v3, $0x7;
	v5 =	vand.u32 $0xFFFFF000, v5  }
0x312: {  	v7 =	vor.u32 s10, v1;
	s10 =	smov.u32 s11;
	v4 =	vor.u32 v4, v5;
	v5 =	vand.u32 $0x380, v6  }
0x313: {  	v3 =	vadd.s32 $0xFFFFFDD0, v3;
	v6 =	vand.u32 $0x7F, v7;
	v4 =	vor.u32 v5, v4  }
0x314: {  	vm0 =	vlt.u32 v3, $0x28;
	v3 =	vor.u32 v6, v4  }
0x315: {  	v3 =	vadd.s32 $0xFFFBA000, v3;
	_ =	sdelay $0x1  }
.Ltmp34:
0x316: {  	(pc) =	sbr.rel @p0 .LBB2_70-.Ltmp34, $3  }
0x317: {  	_ =	sdelay $0x1  }
0x318: {  	s12 =	sadd.s32 $0x10, s12;
	[tilespmem:v3+s8+$0x0] =	vst.idx.msk vm0, v0  }
0x319: {  	s11 =	sadd.s32 $0x10, s11;
	v3 =	vld [tilespmem:s12+$0x0]  }
0x31a: {  	_ =	sdelay $0x2  }
0x31b: {  	v4 =	vmov s10  }
0x31c: {  	v4 =	vshll.u32 v4, $0x3;
	v5 =	vshll.u32 v3, $0x9  }
0x31d: {  	v4 =	vand.u32 $0xC00, v4;
	v6 =	vshll.u32 v3, $0x7;
	v5 =	vand.u32 $0xFFFFF000, v5  }
0x31e: {  	v7 =	vor.u32 s10, v1;
	v4 =	vor.u32 v4, v5;
	v5 =	vand.u32 $0x380, v6  }
0x31f: {  	v63 =	vand.u32 $0x7F, v7;
	v3 =	vadd.s32 $0xFFFFFDD0, v3;
	v4 =	vor.u32 v5, v4  }
0x320: {  	vm0 =	vlt.u32 v3, $0x28;
	v3 =	vor.u32 v63, v4  }
0x321: {  	v3 =	vadd.s32 $0xFFFBA000, v3;
	_ =	sdelay $0x4  }
0x322: {  	[tilespmem:v3+s8+$0x0] =	vst.idx.msk vm0, v0  }
0x323: {  	s10 =	simm.s32 $0x10;
	v3 =	vld [tilespmem:s9+$0x0]  }
.LBB2_72:
0x324: {  	p0 =	sne.s32 s10, $0x1F0;
	_ =	sdelay $0x2  }
0x325: {  	v4 =	vmov s8  }
0x326: {  	v4 =	vshll.u32 v4, $0x3;
	v5 =	vshll.u32 v3, $0x9  }
0x327: {  	v4 =	vand.u32 $0xC00, v4;
	v6 =	vshll.u32 v3, $0x7;
	v5 =	vand.u32 $0xFFFFF000, v5  }
0x328: {  	v7 =	vor.u32 s8, v1;
	s8 =	smov.u32 s10;
	v4 =	vor.u32 v4, v5;
	v5 =	vand.u32 $0x380, v6  }
0x329: {  	v3 =	vadd.s32 $0xFFFFFD80, v3;
	v6 =	vand.u32 $0x7F, v7;
	v4 =	vor.u32 v5, v4  }
0x32a: {  	vm0 =	vlt.u32 v3, $0x28;
	v3 =	vor.u32 v6, v4  }
0x32b: {  	v3 =	vadd.s32 $0xFFFB0000, v3;
	_ =	sdelay $0x1  }
.Ltmp35:
0x32c: {  	(pc) =	sbr.rel @p0 .LBB2_72-.Ltmp35, $3  }
0x32d: {  	_ =	sdelay $0x1  }
0x32e: {  	s9 =	sadd.s32 $0x10, s9;
	[tilespmem:v3+s2+$0x0] =	vst.idx.msk vm0, v2  }
0x32f: {  	s10 =	sadd.s32 $0x10, s10;
	v3 =	vld [tilespmem:s9+$0x0]  }
0x330: {  	_ =	sdelay $0x2  }
0x331: {  	v4 =	vmov s8  }
0x332: {  	v4 =	vshll.u32 v4, $0x3;
	v5 =	vshll.u32 v3, $0x9  }
0x333: {  	v4 =	vand.u32 $0xC00, v4;
	v6 =	vshll.u32 v3, $0x7;
	v5 =	vand.u32 $0xFFFFF000, v5  }
0x334: {  	v7 =	vor.u32 s8, v1;
	v4 =	vor.u32 v4, v5;
	v5 =	vand.u32 $0x380, v6  }
0x335: {  	v63 =	vand.u32 $0x7F, v7;
	v3 =	vadd.s32 $0xFFFFFD80, v3;
	v4 =	vor.u32 v5, v4  }
0x336: {  	vm0 =	vlt.u32 v3, $0x28;
	v3 =	vor.u32 v63, v4  }
0x337: {  	v3 =	vadd.s32 $0xFFFB0000, v3;
	_ =	sdelay $0x4  }
0x338: {  	s8 =	simm.s32 $0x0;
	[tilespmem:v3+s2+$0x0] =	vst.idx.msk vm0, v2  }
0x339: {  	[hbm4b:s20+s1] =	stream.strided.scatter [tilespmem:s8], [sflag:$0x1], $0x5000, s31, s1, $0x38;
	[tilespmem:$0xA200] =	vst v63  }
0x33a: {  	_ =	swait.ge [sflag:s6], $0x5000  }
0x33b: {  	[sflag:s6] =	ssyncset.done $0x0  }
0x33c: {  	s9 =	simm.s32 $0xA000;
	[sflag:s6] =	ssyncadd.s32 $0xFFFFB000  }
0x33d: {  	s11 =	simm.s32 $0x10;
	s10 =	simm.s32 $0x0;
	s12 =	simm.s32 $0xA000;
	v3 =	vld [tilespmem:s9+$0x0]  }
.LBB2_74:
0x33e: {  	p0 =	sne.s32 s11, $0x1F0;
	_ =	sdelay $0x2  }
0x33f: {  	v4 =	vmov s10  }
0x340: {  	v4 =	vshll.u32 v4, $0x3;
	v5 =	vshll.u32 v3, $0x9  }
0x341: {  	v4 =	vand.u32 $0xC00, v4;
	v6 =	vshll.u32 v3, $0x7;
	v5 =	vand.u32 $0xFFFFF000, v5  }
0x342: {  	v7 =	vor.u32 s10, v1;
	s10 =	smov.u32 s11;
	v4 =	vor.u32 v4, v5;
	v5 =	vand.u32 $0x380, v6  }
0x343: {  	v3 =	vadd.s32 $0xFFFFFDA8, v3;
	v6 =	vand.u32 $0x7F, v7;
	v4 =	vor.u32 v5, v4  }
0x344: {  	vm0 =	vlt.u32 v3, $0x28;
	v3 =	vor.u32 v6, v4  }
0x345: {  	v3 =	vadd.s32 $0xFFFB5000, v3;
	_ =	sdelay $0x1  }
.Ltmp36:
0x346: {  	(pc) =	sbr.rel @p0 .LBB2_74-.Ltmp36, $3  }
0x347: {  	_ =	sdelay $0x1  }
0x348: {  	s12 =	sadd.s32 $0x10, s12;
	[tilespmem:v3+s3+$0x0] =	vst.idx.msk vm0, v0  }
0x349: {  	s11 =	sadd.s32 $0x10, s11;
	v3 =	vld [tilespmem:s12+$0x0]  }
0x34a: {  	_ =	sdelay $0x2  }
0x34b: {  	v4 =	vmov s10  }
0x34c: {  	v4 =	vshll.u32 v4, $0x3;
	v5 =	vshll.u32 v3, $0x9  }
0x34d: {  	v4 =	vand.u32 $0xC00, v4;
	v6 =	vshll.u32 v3, $0x7;
	v5 =	vand.u32 $0xFFFFF000, v5  }
0x34e: {  	v7 =	vor.u32 s10, v1;
	v4 =	vor.u32 v4, v5;
	v5 =	vand.u32 $0x380, v6  }
0x34f: {  	v63 =	vand.u32 $0x7F, v7;
	v3 =	vadd.s32 $0xFFFFFDA8, v3;
	v4 =	vor.u32 v5, v4  }
0x350: {  	vm0 =	vlt.u32 v3, $0x28;
	v3 =	vor.u32 v63, v4  }
0x351: {  	v3 =	vadd.s32 $0xFFFB5000, v3;
	_ =	sdelay $0x4  }
0x352: {  	[tilespmem:v3+s3+$0x0] =	vst.idx.msk vm0, v0  }
0x353: {  	s10 =	simm.s32 $0x10;
	v3 =	vld [tilespmem:s9+$0x0]  }
.LBB2_76:
0x354: {  	p0 =	sne.s32 s10, $0x1F0;
	_ =	sdelay $0x2  }
0x355: {  	v4 =	vmov s8  }
0x356: {  	v4 =	vshll.u32 v4, $0x3;
	v5 =	vshll.u32 v3, $0x9  }
0x357: {  	v4 =	vand.u32 $0xC00, v4;
	v6 =	vshll.u32 v3, $0x7;
	v5 =	vand.u32 $0xFFFFF000, v5  }
0x358: {  	v7 =	vor.u32 s8, v1;
	s8 =	smov.u32 s10;
	v4 =	vor.u32 v4, v5;
	v5 =	vand.u32 $0x380, v6  }
0x359: {  	v3 =	vadd.s32 $0xFFFFFD58, v3;
	v6 =	vand.u32 $0x7F, v7;
	v4 =	vor.u32 v5, v4  }
0x35a: {  	vm0 =	vlt.u32 v3, $0x28;
	v3 =	vor.u32 v6, v4  }
0x35b: {  	v3 =	vadd.s32 $0xFFFAB000, v3;
	_ =	sdelay $0x1  }
.Ltmp37:
0x35c: {  	(pc) =	sbr.rel @p0 .LBB2_76-.Ltmp37, $3  }
0x35d: {  	_ =	sdelay $0x1  }
0x35e: {  	s9 =	sadd.s32 $0x10, s9;
	[tilespmem:v3+s3+$0x0] =	vst.idx.msk vm0, v2  }
0x35f: {  	s10 =	sadd.s32 $0x10, s10;
	v3 =	vld [tilespmem:s9+$0x0]  }
0x360: {  	_ =	sdelay $0x2  }
0x361: {  	v4 =	vmov s8  }
0x362: {  	v4 =	vshll.u32 v4, $0x3;
	v5 =	vshll.u32 v3, $0x9  }
0x363: {  	v4 =	vand.u32 $0xC00, v4;
	v6 =	vshll.u32 v3, $0x7;
	v5 =	vand.u32 $0xFFFFF000, v5  }
0x364: {  	v7 =	vor.u32 s8, v1;
	v4 =	vor.u32 v4, v5;
	v5 =	vand.u32 $0x380, v6  }
0x365: {  	v63 =	vand.u32 $0x7F, v7;
	v3 =	vadd.s32 $0xFFFFFD58, v3;
	v4 =	vor.u32 v5, v4  }
0x366: {  	vm0 =	vlt.u32 v3, $0x28;
	v3 =	vor.u32 v63, v4  }
0x367: {  	v3 =	vadd.s32 $0xFFFAB000, v3;
	_ =	sdelay $0x4  }
0x368: {  	[tilespmem:v3+s3+$0x0] =	vst.idx.msk vm0, v2  }
0x369: {  	[hbm4b:s21+s1] =	stream.strided.scatter [tilespmem:s3], [sflag:$0x2], $0x5000, s31, s1, $0x38;
	[tilespmem:$0xA200] =	vst v63  }
0x36a: {  	_ =	swait.ge [sflag:s5], $0x5000  }
0x36b: {  	[sflag:s5] =	ssyncset.done $0x0  }
0x36c: {  	s8 =	simm.s32 $0x0;
	s9 =	simm.s32 $0xA000;
	[sflag:s5] =	ssyncadd.s32 $0xFFFFB000  }
0x36d: {  	s11 =	simm.s32 $0x10;
	s10 =	simm.s32 $0x0;
	s12 =	simm.s32 $0xA000;
	v3 =	vld [tilespmem:s9+$0x0]  }
.LBB2_78:
0x36e: {  	p0 =	sne.s32 s11, $0x1F0;
	_ =	sdelay $0x2  }
0x36f: {  	v4 =	vmov s10  }
0x370: {  	v4 =	vshll.u32 v4, $0x3;
	v5 =	vshll.u32 v3, $0x9  }
0x371: {  	v4 =	vand.u32 $0xC00, v4;
	v6 =	vshll.u32 v3, $0x7;
	v5 =	vand.u32 $0xFFFFF000, v5  }
0x372: {  	v7 =	vor.u32 s10, v1;
	s10 =	smov.u32 s11;
	v4 =	vor.u32 v4, v5;
	v5 =	vand.u32 $0x380, v6  }
0x373: {  	v3 =	vadd.s32 $0xFFFFFD80, v3;
	v6 =	vand.u32 $0x7F, v7;
	v4 =	vor.u32 v5, v4  }
0x374: {  	vm0 =	vlt.u32 v3, $0x28;
	v3 =	vor.u32 v6, v4  }
0x375: {  	v3 =	vadd.s32 $0xFFFB0000, v3;
	_ =	sdelay $0x1  }
.Ltmp38:
0x376: {  	(pc) =	sbr.rel @p0 .LBB2_78-.Ltmp38, $3  }
0x377: {  	_ =	sdelay $0x1  }
0x378: {  	s12 =	sadd.s32 $0x10, s12;
	[tilespmem:v3+s8+$0x0] =	vst.idx.msk vm0, v0  }
0x379: {  	s11 =	sadd.s32 $0x10, s11;
	v3 =	vld [tilespmem:s12+$0x0]  }
0x37a: {  	_ =	sdelay $0x2  }
0x37b: {  	v4 =	vmov s10  }
0x37c: {  	v4 =	vshll.u32 v4, $0x3;
	v5 =	vshll.u32 v3, $0x9  }
0x37d: {  	v4 =	vand.u32 $0xC00, v4;
	v6 =	vshll.u32 v3, $0x7;
	v5 =	vand.u32 $0xFFFFF000, v5  }
0x37e: {  	v7 =	vor.u32 s10, v1;
	v4 =	vor.u32 v4, v5;
	v5 =	vand.u32 $0x380, v6  }
0x37f: {  	v63 =	vand.u32 $0x7F, v7;
	v3 =	vadd.s32 $0xFFFFFD80, v3;
	v4 =	vor.u32 v5, v4  }
0x380: {  	vm0 =	vlt.u32 v3, $0x28;
	v3 =	vor.u32 v63, v4  }
0x381: {  	v3 =	vadd.s32 $0xFFFB0000, v3;
	_ =	sdelay $0x4  }
0x382: {  	[tilespmem:v3+s8+$0x0] =	vst.idx.msk vm0, v0  }
0x383: {  	s10 =	simm.s32 $0x10;
	v3 =	vld [tilespmem:s9+$0x0]  }
.LBB2_80:
0x384: {  	p0 =	sne.s32 s10, $0x1F0;
	_ =	sdelay $0x2  }
0x385: {  	v4 =	vmov s8  }
0x386: {  	v4 =	vshll.u32 v4, $0x3;
	v5 =	vshll.u32 v3, $0x9  }
0x387: {  	v4 =	vand.u32 $0xC00, v4;
	v6 =	vshll.u32 v3, $0x7;
	v5 =	vand.u32 $0xFFFFF000, v5  }
0x388: {  	v7 =	vor.u32 s8, v1;
	s8 =	smov.u32 s10;
	v4 =	vor.u32 v4, v5;
	v5 =	vand.u32 $0x380, v6  }
0x389: {  	v3 =	vadd.s32 $0xFFFFFD30, v3;
	v6 =	vand.u32 $0x7F, v7;
	v4 =	vor.u32 v5, v4  }
0x38a: {  	vm0 =	vlt.u32 v3, $0x28;
	v3 =	vor.u32 v6, v4  }
0x38b: {  	v3 =	vadd.s32 $0xFFFA6000, v3;
	_ =	sdelay $0x1  }
.Ltmp39:
0x38c: {  	(pc) =	sbr.rel @p0 .LBB2_80-.Ltmp39, $3  }
0x38d: {  	_ =	sdelay $0x1  }
0x38e: {  	s9 =	sadd.s32 $0x10, s9;
	[tilespmem:v3+s2+$0x0] =	vst.idx.msk vm0, v2  }
0x38f: {  	s10 =	sadd.s32 $0x10, s10;
	v3 =	vld [tilespmem:s9+$0x0]  }
0x390: {  	_ =	sdelay $0x2  }
0x391: {  	v4 =	vmov s8  }
0x392: {  	v4 =	vshll.u32 v4, $0x3;
	v5 =	vshll.u32 v3, $0x9  }
0x393: {  	v4 =	vand.u32 $0xC00, v4;
	v6 =	vshll.u32 v3, $0x7;
	v5 =	vand.u32 $0xFFFFF000, v5  }
0x394: {  	v7 =	vor.u32 s8, v1;
	v4 =	vor.u32 v4, v5;
	v5 =	vand.u32 $0x380, v6  }
0x395: {  	v63 =	vand.u32 $0x7F, v7;
	v3 =	vadd.s32 $0xFFFFFD30, v3;
	v4 =	vor.u32 v5, v4  }
0x396: {  	vm0 =	vlt.u32 v3, $0x28;
	v3 =	vor.u32 v63, v4  }
0x397: {  	v3 =	vadd.s32 $0xFFFA6000, v3;
	_ =	sdelay $0x4  }
0x398: {  	s8 =	simm.s32 $0x0;
	[tilespmem:v3+s2+$0x0] =	vst.idx.msk vm0, v2  }
0x399: {  	[hbm4b:s22+s1] =	stream.strided.scatter [tilespmem:s8], [sflag:$0x1], $0x5000, s31, s1, $0x38;
	[tilespmem:$0xA200] =	vst v63  }
0x39a: {  	_ =	swait.ge [sflag:s6], $0x5000  }
0x39b: {  	[sflag:s6] =	ssyncset.done $0x0  }
0x39c: {  	s9 =	simm.s32 $0xA000;
	[sflag:s6] =	ssyncadd.s32 $0xFFFFB000  }
0x39d: {  	s11 =	simm.s32 $0x10;
	s10 =	simm.s32 $0x0;
	s12 =	simm.s32 $0xA000;
	v3 =	vld [tilespmem:s9+$0x0]  }
.LBB2_82:
0x39e: {  	p0 =	sne.s32 s11, $0x1F0;
	_ =	sdelay $0x2  }
0x39f: {  	v4 =	vmov s10  }
0x3a0: {  	v4 =	vshll.u32 v4, $0x3;
	v5 =	vshll.u32 v3, $0x9  }
0x3a1: {  	v4 =	vand.u32 $0xC00, v4;
	v6 =	vshll.u32 v3, $0x7;
	v5 =	vand.u32 $0xFFFFF000, v5  }
0x3a2: {  	v7 =	vor.u32 s10, v1;
	s10 =	smov.u32 s11;
	v4 =	vor.u32 v4, v5;
	v5 =	vand.u32 $0x380, v6  }
0x3a3: {  	v3 =	vadd.s32 $0xFFFFFD58, v3;
	v6 =	vand.u32 $0x7F, v7;
	v4 =	vor.u32 v5, v4  }
0x3a4: {  	vm0 =	vlt.u32 v3, $0x28;
	v3 =	vor.u32 v6, v4  }
0x3a5: {  	v3 =	vadd.s32 $0xFFFAB000, v3;
	_ =	sdelay $0x1  }
.Ltmp40:
0x3a6: {  	(pc) =	sbr.rel @p0 .LBB2_82-.Ltmp40, $3  }
0x3a7: {  	_ =	sdelay $0x1  }
0x3a8: {  	s12 =	sadd.s32 $0x10, s12;
	[tilespmem:v3+s3+$0x0] =	vst.idx.msk vm0, v0  }
0x3a9: {  	s11 =	sadd.s32 $0x10, s11;
	v3 =	vld [tilespmem:s12+$0x0]  }
0x3aa: {  	_ =	sdelay $0x2  }
0x3ab: {  	v4 =	vmov s10  }
0x3ac: {  	v4 =	vshll.u32 v4, $0x3;
	v5 =	vshll.u32 v3, $0x9  }
0x3ad: {  	v4 =	vand.u32 $0xC00, v4;
	v6 =	vshll.u32 v3, $0x7;
	v5 =	vand.u32 $0xFFFFF000, v5  }
0x3ae: {  	v7 =	vor.u32 s10, v1;
	v4 =	vor.u32 v4, v5;
	v5 =	vand.u32 $0x380, v6  }
0x3af: {  	v63 =	vand.u32 $0x7F, v7;
	v3 =	vadd.s32 $0xFFFFFD58, v3;
	v4 =	vor.u32 v5, v4  }
0x3b0: {  	vm0 =	vlt.u32 v3, $0x28;
	v3 =	vor.u32 v63, v4  }
0x3b1: {  	v3 =	vadd.s32 $0xFFFAB000, v3;
	_ =	sdelay $0x4  }
0x3b2: {  	[tilespmem:v3+s3+$0x0] =	vst.idx.msk vm0, v0  }
0x3b3: {  	s10 =	simm.s32 $0x10;
	v3 =	vld [tilespmem:s9+$0x0]  }
.LBB2_84:
0x3b4: {  	p0 =	sne.s32 s10, $0x1F0;
	_ =	sdelay $0x2  }
0x3b5: {  	v4 =	vmov s8  }
0x3b6: {  	v4 =	vshll.u32 v4, $0x3;
	v5 =	vshll.u32 v3, $0x9  }
0x3b7: {  	v4 =	vand.u32 $0xC00, v4;
	v6 =	vshll.u32 v3, $0x7;
	v5 =	vand.u32 $0xFFFFF000, v5  }
0x3b8: {  	v7 =	vor.u32 s8, v1;
	s8 =	smov.u32 s10;
	v4 =	vor.u32 v4, v5;
	v5 =	vand.u32 $0x380, v6  }
0x3b9: {  	v3 =	vadd.s32 $0xFFFFFD08, v3;
	v6 =	vand.u32 $0x7F, v7;
	v4 =	vor.u32 v5, v4  }
0x3ba: {  	vm0 =	vlt.u32 v3, $0x28;
	v3 =	vor.u32 v6, v4  }
0x3bb: {  	v3 =	vadd.s32 $0xFFFA1000, v3;
	_ =	sdelay $0x1  }
.Ltmp41:
0x3bc: {  	(pc) =	sbr.rel @p0 .LBB2_84-.Ltmp41, $3  }
0x3bd: {  	_ =	sdelay $0x1  }
0x3be: {  	s9 =	sadd.s32 $0x10, s9;
	[tilespmem:v3+s3+$0x0] =	vst.idx.msk vm0, v2  }
0x3bf: {  	s10 =	sadd.s32 $0x10, s10;
	v3 =	vld [tilespmem:s9+$0x0]  }
0x3c0: {  	_ =	sdelay $0x2  }
0x3c1: {  	v4 =	vmov s8  }
0x3c2: {  	v4 =	vshll.u32 v4, $0x3;
	v5 =	vshll.u32 v3, $0x9  }
0x3c3: {  	v4 =	vand.u32 $0xC00, v4;
	v6 =	vshll.u32 v3, $0x7;
	v5 =	vand.u32 $0xFFFFF000, v5  }
0x3c4: {  	v7 =	vor.u32 s8, v1;
	v4 =	vor.u32 v4, v5;
	v5 =	vand.u32 $0x380, v6  }
0x3c5: {  	v63 =	vand.u32 $0x7F, v7;
	v3 =	vadd.s32 $0xFFFFFD08, v3;
	v4 =	vor.u32 v5, v4  }
0x3c6: {  	vm0 =	vlt.u32 v3, $0x28;
	v3 =	vor.u32 v63, v4  }
0x3c7: {  	v3 =	vadd.s32 $0xFFFA1000, v3;
	_ =	sdelay $0x4  }
0x3c8: {  	[tilespmem:v3+s3+$0x0] =	vst.idx.msk vm0, v2  }
0x3c9: {  	[hbm4b:s23+s1] =	stream.strided.scatter [tilespmem:s3], [sflag:$0x2], $0x5000, s31, s1, $0x38;
	[tilespmem:$0xA200] =	vst v63  }
0x3ca: {  	_ =	swait.ge [sflag:s5], $0x5000  }
0x3cb: {  	[sflag:s5] =	ssyncset.done $0x0  }
0x3cc: {  	s8 =	simm.s32 $0x0;
	s9 =	simm.s32 $0xA000;
	[sflag:s5] =	ssyncadd.s32 $0xFFFFB000  }
0x3cd: {  	s11 =	simm.s32 $0x10;
	s10 =	simm.s32 $0x0;
	s12 =	simm.s32 $0xA000;
	v3 =	vld [tilespmem:s9+$0x0]  }
.LBB2_86:
0x3ce: {  	p0 =	sne.s32 s11, $0x1F0;
	_ =	sdelay $0x2  }
0x3cf: {  	v4 =	vmov s10  }
0x3d0: {  	v4 =	vshll.u32 v4, $0x3;
	v5 =	vshll.u32 v3, $0x9  }
0x3d1: {  	v4 =	vand.u32 $0xC00, v4;
	v6 =	vshll.u32 v3, $0x7;
	v5 =	vand.u32 $0xFFFFF000, v5  }
0x3d2: {  	v7 =	vor.u32 s10, v1;
	s10 =	smov.u32 s11;
	v4 =	vor.u32 v4, v5;
	v5 =	vand.u32 $0x380, v6  }
0x3d3: {  	v3 =	vadd.s32 $0xFFFFFD30, v3;
	v6 =	vand.u32 $0x7F, v7;
	v4 =	vor.u32 v5, v4  }
0x3d4: {  	vm0 =	vlt.u32 v3, $0x28;
	v3 =	vor.u32 v6, v4  }
0x3d5: {  	v3 =	vadd.s32 $0xFFFA6000, v3;
	_ =	sdelay $0x1  }
.Ltmp42:
0x3d6: {  	(pc) =	sbr.rel @p0 .LBB2_86-.Ltmp42, $3  }
0x3d7: {  	_ =	sdelay $0x1  }
0x3d8: {  	s12 =	sadd.s32 $0x10, s12;
	[tilespmem:v3+s8+$0x0] =	vst.idx.msk vm0, v0  }
0x3d9: {  	s11 =	sadd.s32 $0x10, s11;
	v3 =	vld [tilespmem:s12+$0x0]  }
0x3da: {  	_ =	sdelay $0x2  }
0x3db: {  	v4 =	vmov s10  }
0x3dc: {  	v4 =	vshll.u32 v4, $0x3;
	v5 =	vshll.u32 v3, $0x9  }
0x3dd: {  	v4 =	vand.u32 $0xC00, v4;
	v6 =	vshll.u32 v3, $0x7;
	v5 =	vand.u32 $0xFFFFF000, v5  }
0x3de: {  	v7 =	vor.u32 s10, v1;
	v4 =	vor.u32 v4, v5;
	v5 =	vand.u32 $0x380, v6  }
0x3df: {  	v63 =	vand.u32 $0x7F, v7;
	v3 =	vadd.s32 $0xFFFFFD30, v3;
	v4 =	vor.u32 v5, v4  }
0x3e0: {  	vm0 =	vlt.u32 v3, $0x28;
	v3 =	vor.u32 v63, v4  }
0x3e1: {  	v3 =	vadd.s32 $0xFFFA6000, v3;
	_ =	sdelay $0x4  }
0x3e2: {  	[tilespmem:v3+s8+$0x0] =	vst.idx.msk vm0, v0  }
0x3e3: {  	s10 =	simm.s32 $0x10;
	v3 =	vld [tilespmem:s9+$0x0]  }
.LBB2_88:
0x3e4: {  	p0 =	sne.s32 s10, $0x1F0;
	_ =	sdelay $0x2  }
0x3e5: {  	v4 =	vmov s8  }
0x3e6: {  	v4 =	vshll.u32 v4, $0x3;
	v5 =	vshll.u32 v3, $0x9  }
0x3e7: {  	v4 =	vand.u32 $0xC00, v4;
	v6 =	vshll.u32 v3, $0x7;
	v5 =	vand.u32 $0xFFFFF000, v5  }
0x3e8: {  	v7 =	vor.u32 s8, v1;
	s8 =	smov.u32 s10;
	v4 =	vor.u32 v4, v5;
	v5 =	vand.u32 $0x380, v6  }
0x3e9: {  	v3 =	vadd.s32 $0xFFFFFCE0, v3;
	v6 =	vand.u32 $0x7F, v7;
	v4 =	vor.u32 v5, v4  }
0x3ea: {  	vm0 =	vlt.u32 v3, $0x28;
	v3 =	vor.u32 v6, v4  }
0x3eb: {  	v3 =	vadd.s32 $0xFFF9C000, v3;
	_ =	sdelay $0x1  }
.Ltmp43:
0x3ec: {  	(pc) =	sbr.rel @p0 .LBB2_88-.Ltmp43, $3  }
0x3ed: {  	_ =	sdelay $0x1  }
0x3ee: {  	s9 =	sadd.s32 $0x10, s9;
	[tilespmem:v3+s2+$0x0] =	vst.idx.msk vm0, v2  }
0x3ef: {  	s10 =	sadd.s32 $0x10, s10;
	v3 =	vld [tilespmem:s9+$0x0]  }
0x3f0: {  	_ =	sdelay $0x2  }
0x3f1: {  	v4 =	vmov s8  }
0x3f2: {  	v4 =	vshll.u32 v4, $0x3;
	v5 =	vshll.u32 v3, $0x9  }
0x3f3: {  	v4 =	vand.u32 $0xC00, v4;
	v6 =	vshll.u32 v3, $0x7;
	v5 =	vand.u32 $0xFFFFF000, v5  }
0x3f4: {  	v7 =	vor.u32 s8, v1;
	v4 =	vor.u32 v4, v5;
	v5 =	vand.u32 $0x380, v6  }
0x3f5: {  	v63 =	vand.u32 $0x7F, v7;
	v3 =	vadd.s32 $0xFFFFFCE0, v3;
	v4 =	vor.u32 v5, v4  }
0x3f6: {  	vm0 =	vlt.u32 v3, $0x28;
	v3 =	vor.u32 v63, v4  }
0x3f7: {  	v3 =	vadd.s32 $0xFFF9C000, v3;
	_ =	sdelay $0x4  }
0x3f8: {  	s8 =	simm.s32 $0x0;
	[tilespmem:v3+s2+$0x0] =	vst.idx.msk vm0, v2  }
0x3f9: {  	[hbm4b:s24+s1] =	stream.strided.scatter [tilespmem:s8], [sflag:$0x1], $0x5000, s31, s1, $0x38;
	[tilespmem:$0xA200] =	vst v63  }
0x3fa: {  	_ =	swait.ge [sflag:s6], $0x5000  }
0x3fb: {  	[sflag:s6] =	ssyncset.done $0x0  }
0x3fc: {  	s9 =	simm.s32 $0xA000;
	[sflag:s6] =	ssyncadd.s32 $0xFFFFB000  }
0x3fd: {  	s11 =	simm.s32 $0x10;
	s10 =	simm.s32 $0x0;
	s12 =	simm.s32 $0xA000;
	v3 =	vld [tilespmem:s9+$0x0]  }
.LBB2_90:
0x3fe: {  	p0 =	sne.s32 s11, $0x1F0;
	_ =	sdelay $0x2  }
0x3ff: {  	v4 =	vmov s10  }
0x400: {  	v4 =	vshll.u32 v4, $0x3;
	v5 =	vshll.u32 v3, $0x9  }
0x401: {  	v4 =	vand.u32 $0xC00, v4;
	v6 =	vshll.u32 v3, $0x7;
	v5 =	vand.u32 $0xFFFFF000, v5  }
0x402: {  	v7 =	vor.u32 s10, v1;
	s10 =	smov.u32 s11;
	v4 =	vor.u32 v4, v5;
	v5 =	vand.u32 $0x380, v6  }
0x403: {  	v3 =	vadd.s32 $0xFFFFFD08, v3;
	v6 =	vand.u32 $0x7F, v7;
	v4 =	vor.u32 v5, v4  }
0x404: {  	vm0 =	vlt.u32 v3, $0x28;
	v3 =	vor.u32 v6, v4  }
0x405: {  	v3 =	vadd.s32 $0xFFFA1000, v3;
	_ =	sdelay $0x1  }
.Ltmp44:
0x406: {  	(pc) =	sbr.rel @p0 .LBB2_90-.Ltmp44, $3  }
0x407: {  	_ =	sdelay $0x1  }
0x408: {  	s12 =	sadd.s32 $0x10, s12;
	[tilespmem:v3+s3+$0x0] =	vst.idx.msk vm0, v0  }
0x409: {  	s11 =	sadd.s32 $0x10, s11;
	v3 =	vld [tilespmem:s12+$0x0]  }
0x40a: {  	_ =	sdelay $0x2  }
0x40b: {  	v4 =	vmov s10  }
0x40c: {  	v4 =	vshll.u32 v4, $0x3;
	v5 =	vshll.u32 v3, $0x9  }
0x40d: {  	v4 =	vand.u32 $0xC00, v4;
	v6 =	vshll.u32 v3, $0x7;
	v5 =	vand.u32 $0xFFFFF000, v5  }
0x40e: {  	v7 =	vor.u32 s10, v1;
	v4 =	vor.u32 v4, v5;
	v5 =	vand.u32 $0x380, v6  }
0x40f: {  	v63 =	vand.u32 $0x7F, v7;
	v3 =	vadd.s32 $0xFFFFFD08, v3;
	v4 =	vor.u32 v5, v4  }
0x410: {  	vm0 =	vlt.u32 v3, $0x28;
	v3 =	vor.u32 v63, v4  }
0x411: {  	v3 =	vadd.s32 $0xFFFA1000, v3;
	_ =	sdelay $0x4  }
0x412: {  	[tilespmem:v3+s3+$0x0] =	vst.idx.msk vm0, v0  }
0x413: {  	s10 =	simm.s32 $0x10;
	v3 =	vld [tilespmem:s9+$0x0]  }
.LBB2_92:
0x414: {  	p0 =	sne.s32 s10, $0x1F0;
	_ =	sdelay $0x2  }
0x415: {  	v4 =	vmov s8  }
0x416: {  	v4 =	vshll.u32 v4, $0x3;
	v5 =	vshll.u32 v3, $0x9  }
0x417: {  	v4 =	vand.u32 $0xC00, v4;
	v6 =	vshll.u32 v3, $0x7;
	v5 =	vand.u32 $0xFFFFF000, v5  }
0x418: {  	v7 =	vor.u32 s8, v1;
	s8 =	smov.u32 s10;
	v4 =	vor.u32 v4, v5;
	v5 =	vand.u32 $0x380, v6  }
0x419: {  	v3 =	vadd.s32 $0xFFFFFCB8, v3;
	v6 =	vand.u32 $0x7F, v7;
	v4 =	vor.u32 v5, v4  }
0x41a: {  	vm0 =	vlt.u32 v3, $0x28;
	v3 =	vor.u32 v6, v4  }
0x41b: {  	v3 =	vadd.s32 $0xFFF97000, v3;
	_ =	sdelay $0x1  }
.Ltmp45:
0x41c: {  	(pc) =	sbr.rel @p0 .LBB2_92-.Ltmp45, $3  }
0x41d: {  	_ =	sdelay $0x1  }
0x41e: {  	s9 =	sadd.s32 $0x10, s9;
	[tilespmem:v3+s3+$0x0] =	vst.idx.msk vm0, v2  }
0x41f: {  	s10 =	sadd.s32 $0x10, s10;
	v3 =	vld [tilespmem:s9+$0x0]  }
0x420: {  	_ =	sdelay $0x2  }
0x421: {  	v4 =	vmov s8  }
0x422: {  	v4 =	vshll.u32 v4, $0x3;
	v5 =	vshll.u32 v3, $0x9  }
0x423: {  	v4 =	vand.u32 $0xC00, v4;
	v6 =	vshll.u32 v3, $0x7;
	v5 =	vand.u32 $0xFFFFF000, v5  }
0x424: {  	v7 =	vor.u32 s8, v1;
	v4 =	vor.u32 v4, v5;
	v5 =	vand.u32 $0x380, v6  }
0x425: {  	v63 =	vand.u32 $0x7F, v7;
	v3 =	vadd.s32 $0xFFFFFCB8, v3;
	v4 =	vor.u32 v5, v4  }
0x426: {  	vm0 =	vlt.u32 v3, $0x28;
	v3 =	vor.u32 v63, v4  }
0x427: {  	v3 =	vadd.s32 $0xFFF97000, v3;
	_ =	sdelay $0x4  }
0x428: {  	[tilespmem:v3+s3+$0x0] =	vst.idx.msk vm0, v2  }
0x429: {  	[hbm4b:s26+s1] =	stream.strided.scatter [tilespmem:s3], [sflag:$0x2], $0x5000, s31, s1, $0x38;
	[tilespmem:$0xA200] =	vst v63  }
0x42a: {  	_ =	swait.ge [sflag:s5], $0x5000  }
0x42b: {  	[sflag:s5] =	ssyncset.done $0x0  }
0x42c: {  	s8 =	simm.s32 $0x0;
	s9 =	simm.s32 $0xA000;
	[sflag:s5] =	ssyncadd.s32 $0xFFFFB000  }
0x42d: {  	s11 =	simm.s32 $0x10;
	s10 =	simm.s32 $0x0;
	s12 =	simm.s32 $0xA000;
	v3 =	vld [tilespmem:s9+$0x0]  }
.LBB2_94:
0x42e: {  	p0 =	sne.s32 s11, $0x1F0;
	_ =	sdelay $0x2  }
0x42f: {  	v4 =	vmov s10  }
0x430: {  	v4 =	vshll.u32 v4, $0x3;
	v5 =	vshll.u32 v3, $0x9  }
0x431: {  	v4 =	vand.u32 $0xC00, v4;
	v6 =	vshll.u32 v3, $0x7;
	v5 =	vand.u32 $0xFFFFF000, v5  }
0x432: {  	v7 =	vor.u32 s10, v1;
	s10 =	smov.u32 s11;
	v4 =	vor.u32 v4, v5;
	v5 =	vand.u32 $0x380, v6  }
0x433: {  	v3 =	vadd.s32 $0xFFFFFCE0, v3;
	v6 =	vand.u32 $0x7F, v7;
	v4 =	vor.u32 v5, v4  }
0x434: {  	vm0 =	vlt.u32 v3, $0x28;
	v3 =	vor.u32 v6, v4  }
0x435: {  	v3 =	vadd.s32 $0xFFF9C000, v3;
	_ =	sdelay $0x1  }
.Ltmp46:
0x436: {  	(pc) =	sbr.rel @p0 .LBB2_94-.Ltmp46, $3  }
0x437: {  	_ =	sdelay $0x1  }
0x438: {  	s12 =	sadd.s32 $0x10, s12;
	[tilespmem:v3+s8+$0x0] =	vst.idx.msk vm0, v0  }
0x439: {  	s11 =	sadd.s32 $0x10, s11;
	v3 =	vld [tilespmem:s12+$0x0]  }
0x43a: {  	_ =	sdelay $0x2  }
0x43b: {  	v4 =	vmov s10  }
0x43c: {  	v4 =	vshll.u32 v4, $0x3;
	v5 =	vshll.u32 v3, $0x9  }
0x43d: {  	v4 =	vand.u32 $0xC00, v4;
	v6 =	vshll.u32 v3, $0x7;
	v5 =	vand.u32 $0xFFFFF000, v5  }
0x43e: {  	v7 =	vor.u32 s10, v1;
	v4 =	vor.u32 v4, v5;
	v5 =	vand.u32 $0x380, v6  }
0x43f: {  	v63 =	vand.u32 $0x7F, v7;
	v3 =	vadd.s32 $0xFFFFFCE0, v3;
	v4 =	vor.u32 v5, v4  }
0x440: {  	vm0 =	vlt.u32 v3, $0x28;
	v3 =	vor.u32 v63, v4  }
0x441: {  	v3 =	vadd.s32 $0xFFF9C000, v3;
	_ =	sdelay $0x4  }
0x442: {  	[tilespmem:v3+s8+$0x0] =	vst.idx.msk vm0, v0  }
0x443: {  	s10 =	simm.s32 $0x10;
	v3 =	vld [tilespmem:s9+$0x0]  }
.LBB2_96:
0x444: {  	p0 =	sne.s32 s10, $0x1F0;
	_ =	sdelay $0x2  }
0x445: {  	v4 =	vmov s8  }
0x446: {  	v4 =	vshll.u32 v4, $0x3;
	v5 =	vshll.u32 v3, $0x9  }
0x447: {  	v4 =	vand.u32 $0xC00, v4;
	v6 =	vshll.u32 v3, $0x7;
	v5 =	vand.u32 $0xFFFFF000, v5  }
0x448: {  	v7 =	vor.u32 s8, v1;
	s8 =	smov.u32 s10;
	v4 =	vor.u32 v4, v5;
	v5 =	vand.u32 $0x380, v6  }
0x449: {  	v3 =	vadd.s32 $0xFFFFFC90, v3;
	v6 =	vand.u32 $0x7F, v7;
	v4 =	vor.u32 v5, v4  }
0x44a: {  	vm0 =	vlt.u32 v3, $0x28;
	v3 =	vor.u32 v6, v4  }
0x44b: {  	v3 =	vadd.s32 $0xFFF92000, v3;
	_ =	sdelay $0x1  }
.Ltmp47:
0x44c: {  	(pc) =	sbr.rel @p0 .LBB2_96-.Ltmp47, $3  }
0x44d: {  	_ =	sdelay $0x1  }
0x44e: {  	s9 =	sadd.s32 $0x10, s9;
	[tilespmem:v3+s2+$0x0] =	vst.idx.msk vm0, v2  }
0x44f: {  	s10 =	sadd.s32 $0x10, s10;
	v3 =	vld [tilespmem:s9+$0x0]  }
0x450: {  	_ =	sdelay $0x2  }
0x451: {  	v4 =	vmov s8  }
0x452: {  	v4 =	vshll.u32 v4, $0x3;
	v5 =	vshll.u32 v3, $0x9  }
0x453: {  	v4 =	vand.u32 $0xC00, v4;
	v6 =	vshll.u32 v3, $0x7;
	v5 =	vand.u32 $0xFFFFF000, v5  }
0x454: {  	v7 =	vor.u32 s8, v1;
	v4 =	vor.u32 v4, v5;
	v5 =	vand.u32 $0x380, v6  }
0x455: {  	v63 =	vand.u32 $0x7F, v7;
	v3 =	vadd.s32 $0xFFFFFC90, v3;
	v4 =	vor.u32 v5, v4  }
0x456: {  	vm0 =	vlt.u32 v3, $0x28;
	v3 =	vor.u32 v63, v4  }
0x457: {  	v3 =	vadd.s32 $0xFFF92000, v3;
	_ =	sdelay $0x4  }
0x458: {  	s8 =	simm.s32 $0x0;
	[tilespmem:v3+s2+$0x0] =	vst.idx.msk vm0, v2  }
0x459: {  	[hbm4b:s28+s1] =	stream.strided.scatter [tilespmem:s8], [sflag:$0x1], $0x5000, s31, s1, $0x38;
	[tilespmem:$0xA200] =	vst v63  }
0x45a: {  	_ =	swait.ge [sflag:s6], $0x5000  }
0x45b: {  	[sflag:s6] =	ssyncset.done $0x0  }
0x45c: {  	s9 =	simm.s32 $0xA000;
	[sflag:s6] =	ssyncadd.s32 $0xFFFFB000  }
0x45d: {  	s11 =	simm.s32 $0x10;
	s10 =	simm.s32 $0x0;
	s12 =	simm.s32 $0xA000;
	v3 =	vld [tilespmem:s9+$0x0]  }
.LBB2_98:
0x45e: {  	p0 =	sne.s32 s11, $0x1F0;
	_ =	sdelay $0x2  }
0x45f: {  	v4 =	vmov s10  }
0x460: {  	v4 =	vshll.u32 v4, $0x3;
	v5 =	vshll.u32 v3, $0x9  }
0x461: {  	v4 =	vand.u32 $0xC00, v4;
	v6 =	vshll.u32 v3, $0x7;
	v5 =	vand.u32 $0xFFFFF000, v5  }
0x462: {  	v7 =	vor.u32 s10, v1;
	s10 =	smov.u32 s11;
	v4 =	vor.u32 v4, v5;
	v5 =	vand.u32 $0x380, v6  }
0x463: {  	v3 =	vadd.s32 $0xFFFFFCB8, v3;
	v6 =	vand.u32 $0x7F, v7;
	v4 =	vor.u32 v5, v4  }
0x464: {  	vm0 =	vlt.u32 v3, $0x28;
	v3 =	vor.u32 v6, v4  }
0x465: {  	v3 =	vadd.s32 $0xFFF97000, v3;
	_ =	sdelay $0x1  }
.Ltmp48:
0x466: {  	(pc) =	sbr.rel @p0 .LBB2_98-.Ltmp48, $3  }
0x467: {  	_ =	sdelay $0x1  }
0x468: {  	s12 =	sadd.s32 $0x10, s12;
	[tilespmem:v3+s3+$0x0] =	vst.idx.msk vm0, v0  }
0x469: {  	s11 =	sadd.s32 $0x10, s11;
	v3 =	vld [tilespmem:s12+$0x0]  }
0x46a: {  	_ =	sdelay $0x2  }
0x46b: {  	v4 =	vmov s10  }
0x46c: {  	v4 =	vshll.u32 v4, $0x3;
	v5 =	vshll.u32 v3, $0x9  }
0x46d: {  	v4 =	vand.u32 $0xC00, v4;
	v6 =	vshll.u32 v3, $0x7;
	v5 =	vand.u32 $0xFFFFF000, v5  }
0x46e: {  	v7 =	vor.u32 s10, v1;
	v4 =	vor.u32 v4, v5;
	v5 =	vand.u32 $0x380, v6  }
0x46f: {  	v63 =	vand.u32 $0x7F, v7;
	v3 =	vadd.s32 $0xFFFFFCB8, v3;
	v4 =	vor.u32 v5, v4  }
0x470: {  	vm0 =	vlt.u32 v3, $0x28;
	v3 =	vor.u32 v63, v4  }
0x471: {  	v3 =	vadd.s32 $0xFFF97000, v3;
	_ =	sdelay $0x4  }
0x472: {  	[tilespmem:v3+s3+$0x0] =	vst.idx.msk vm0, v0  }
0x473: {  	s10 =	simm.s32 $0x10;
	v3 =	vld [tilespmem:s9+$0x0]  }
.LBB2_100:
0x474: {  	p0 =	sne.s32 s10, $0x1F0;
	_ =	sdelay $0x2  }
0x475: {  	v4 =	vmov s8  }
0x476: {  	v4 =	vshll.u32 v4, $0x3;
	v5 =	vshll.u32 v3, $0x9  }
0x477: {  	v4 =	vand.u32 $0xC00, v4;
	v6 =	vshll.u32 v3, $0x7;
	v5 =	vand.u32 $0xFFFFF000, v5  }
0x478: {  	v7 =	vor.u32 s8, v1;
	s8 =	smov.u32 s10;
	v4 =	vor.u32 v4, v5;
	v5 =	vand.u32 $0x380, v6  }
0x479: {  	v3 =	vadd.s32 $0xFFFFFC68, v3;
	v6 =	vand.u32 $0x7F, v7;
	v4 =	vor.u32 v5, v4  }
0x47a: {  	vm0 =	vlt.u32 v3, $0x28;
	v3 =	vor.u32 v6, v4  }
0x47b: {  	v3 =	vadd.s32 $0xFFF8D000, v3;
	_ =	sdelay $0x1  }
.Ltmp49:
0x47c: {  	(pc) =	sbr.rel @p0 .LBB2_100-.Ltmp49, $3  }
0x47d: {  	_ =	sdelay $0x1  }
0x47e: {  	s9 =	sadd.s32 $0x10, s9;
	[tilespmem:v3+s3+$0x0] =	vst.idx.msk vm0, v2  }
0x47f: {  	s10 =	sadd.s32 $0x10, s10;
	v3 =	vld [tilespmem:s9+$0x0]  }
0x480: {  	_ =	sdelay $0x2  }
0x481: {  	v4 =	vmov s8  }
0x482: {  	v4 =	vshll.u32 v4, $0x3;
	v5 =	vshll.u32 v3, $0x9  }
0x483: {  	v4 =	vand.u32 $0xC00, v4;
	v6 =	vshll.u32 v3, $0x7;
	v5 =	vand.u32 $0xFFFFF000, v5  }
0x484: {  	v7 =	vor.u32 s8, v1;
	v4 =	vor.u32 v4, v5;
	v5 =	vand.u32 $0x380, v6  }
0x485: {  	v63 =	vand.u32 $0x7F, v7;
	v3 =	vadd.s32 $0xFFFFFC68, v3;
	v4 =	vor.u32 v5, v4  }
0x486: {  	vm0 =	vlt.u32 v3, $0x28;
	v3 =	vor.u32 v63, v4  }
0x487: {  	v3 =	vadd.s32 $0xFFF8D000, v3;
	_ =	sdelay $0x4  }
0x488: {  	[tilespmem:v3+s3+$0x0] =	vst.idx.msk vm0, v2  }
0x489: {  	[hbm4b:s29+s1] =	stream.strided.scatter [tilespmem:s3], [sflag:$0x2], $0x5000, s31, s1, $0x38;
	[tilespmem:$0xA200] =	vst v63  }
0x48a: {  	_ =	swait.ge [sflag:s5], $0x5000  }
0x48b: {  	[sflag:s5] =	ssyncset.done $0x0  }
0x48c: {  	s8 =	simm.s32 $0x0;
	s9 =	simm.s32 $0xA000;
	[sflag:s5] =	ssyncadd.s32 $0xFFFFB000  }
0x48d: {  	s11 =	simm.s32 $0x10;
	s10 =	simm.s32 $0x0;
	s12 =	simm.s32 $0xA000;
	v3 =	vld [tilespmem:s9+$0x0]  }
.LBB2_102:
0x48e: {  	p0 =	sne.s32 s11, $0x1F0;
	_ =	sdelay $0x2  }
0x48f: {  	v4 =	vmov s10  }
0x490: {  	v4 =	vshll.u32 v4, $0x3;
	v5 =	vshll.u32 v3, $0x9  }
0x491: {  	v4 =	vand.u32 $0xC00, v4;
	v6 =	vshll.u32 v3, $0x7;
	v5 =	vand.u32 $0xFFFFF000, v5  }
0x492: {  	v7 =	vor.u32 s10, v1;
	s10 =	smov.u32 s11;
	v4 =	vor.u32 v4, v5;
	v5 =	vand.u32 $0x380, v6  }
0x493: {  	v3 =	vadd.s32 $0xFFFFFC90, v3;
	v6 =	vand.u32 $0x7F, v7;
	v4 =	vor.u32 v5, v4  }
0x494: {  	vm0 =	vlt.u32 v3, $0x28;
	v3 =	vor.u32 v6, v4  }
0x495: {  	v3 =	vadd.s32 $0xFFF92000, v3;
	_ =	sdelay $0x1  }
.Ltmp50:
0x496: {  	(pc) =	sbr.rel @p0 .LBB2_102-.Ltmp50, $3  }
0x497: {  	_ =	sdelay $0x1  }
0x498: {  	s12 =	sadd.s32 $0x10, s12;
	[tilespmem:v3+s8+$0x0] =	vst.idx.msk vm0, v0  }
0x499: {  	s11 =	sadd.s32 $0x10, s11;
	v3 =	vld [tilespmem:s12+$0x0]  }
0x49a: {  	_ =	sdelay $0x2  }
0x49b: {  	v4 =	vmov s10  }
0x49c: {  	v4 =	vshll.u32 v4, $0x3;
	v5 =	vshll.u32 v3, $0x9  }
0x49d: {  	v4 =	vand.u32 $0xC00, v4;
	v6 =	vshll.u32 v3, $0x7;
	v5 =	vand.u32 $0xFFFFF000, v5  }
0x49e: {  	v7 =	vor.u32 s10, v1;
	v4 =	vor.u32 v4, v5;
	v5 =	vand.u32 $0x380, v6  }
0x49f: {  	v63 =	vand.u32 $0x7F, v7;
	v3 =	vadd.s32 $0xFFFFFC90, v3;
	v4 =	vor.u32 v5, v4  }
0x4a0: {  	vm0 =	vlt.u32 v3, $0x28;
	v3 =	vor.u32 v63, v4  }
0x4a1: {  	v3 =	vadd.s32 $0xFFF92000, v3;
	_ =	sdelay $0x4  }
0x4a2: {  	[tilespmem:v3+s8+$0x0] =	vst.idx.msk vm0, v0  }
0x4a3: {  	s10 =	simm.s32 $0x10;
	v3 =	vld [tilespmem:s9+$0x0]  }
.LBB2_104:
0x4a4: {  	p0 =	sne.s32 s10, $0x1F0;
	_ =	sdelay $0x2  }
0x4a5: {  	v4 =	vmov s8  }
0x4a6: {  	v4 =	vshll.u32 v4, $0x3;
	v5 =	vshll.u32 v3, $0x9  }
0x4a7: {  	v4 =	vand.u32 $0xC00, v4;
	v6 =	vshll.u32 v3, $0x7;
	v5 =	vand.u32 $0xFFFFF000, v5  }
0x4a8: {  	v7 =	vor.u32 s8, v1;
	s8 =	smov.u32 s10;
	v4 =	vor.u32 v4, v5;
	v5 =	vand.u32 $0x380, v6  }
0x4a9: {  	v3 =	vadd.s32 $0xFFFFFC40, v3;
	v6 =	vand.u32 $0x7F, v7;
	v4 =	vor.u32 v5, v4  }
0x4aa: {  	vm0 =	vlt.u32 v3, $0x28;
	v3 =	vor.u32 v6, v4  }
0x4ab: {  	v3 =	vadd.s32 $0xFFF88000, v3;
	_ =	sdelay $0x1  }
.Ltmp51:
0x4ac: {  	(pc) =	sbr.rel @p0 .LBB2_104-.Ltmp51, $3  }
0x4ad: {  	_ =	sdelay $0x1  }
0x4ae: {  	s9 =	sadd.s32 $0x10, s9;
	[tilespmem:v3+s2+$0x0] =	vst.idx.msk vm0, v2  }
0x4af: {  	s10 =	sadd.s32 $0x10, s10;
	v3 =	vld [tilespmem:s9+$0x0]  }
0x4b0: {  	_ =	sdelay $0x2  }
0x4b1: {  	v4 =	vmov s8  }
0x4b2: {  	v4 =	vshll.u32 v4, $0x3;
	v5 =	vshll.u32 v3, $0x9  }
0x4b3: {  	v4 =	vand.u32 $0xC00, v4;
	v6 =	vshll.u32 v3, $0x7;
	v5 =	vand.u32 $0xFFFFF000, v5  }
0x4b4: {  	v7 =	vor.u32 s8, v1;
	v62 =	vand.u32 $0x380, v6;
	v4 =	vor.u32 v4, v5  }
0x4b5: {  	v63 =	vand.u32 $0x7F, v7;
	v3 =	vadd.s32 $0xFFFFFC40, v3;
	v4 =	vor.u32 v62, v4  }
0x4b6: {  	vm0 =	vlt.u32 v3, $0x28;
	v3 =	vor.u32 v63, v4  }
0x4b7: {  	v3 =	vadd.s32 $0xFFF88000, v3;
	_ =	sdelay $0x4  }
0x4b8: {  	s7 =	sadd.s32 $0x1, s7;
	[tilespmem:v3+s2+$0x0] =	vst.idx.msk vm0, v2  }
0x4b9: {  	[hbm4b:s30+s1] =	stream.strided.scatter [tilespmem:s2], [sflag:$0x1], $0x5000, s31, s1, $0x38;
	[tilespmem:$0xA200] =	vst v63  }
0x4ba: {  	p0 =	sne.s32 s7, s25;
	_ =	swait.ge [sflag:s5], $0x5000  }
.Ltmp52:
0x4bb: {  	[sflag:s5] =	ssyncset.done $0x0;
	(pc) =	sbr.rel @p0 .LBB2_1-.Ltmp52, $4  }
0x4bc: {  	[sflag:s5] =	ssyncadd.s32 $0xFFFFB000  }
0x4bd: {  	_ =	swait.ge [sflag:s6], $0x5000  }
0x4be: {  	[sflag:s6] =	ssyncset.done $0x0  }
0x4bf: {  	[sflag:s6] =	ssyncadd.s32 $0xFFFFB000  }
0x4c0: {  	_ =	sfence.sel $0x180000  }
0x4c1: {  	[bflag:$0x0] =	sbarrier.arrive $0xFFFF  }
0x4c2: {  	_ =	strace $0x90000047  }
0x4c3: {  	s0 =	stileid.u32;
	[bflag:$0x2] =	sbarrier.arrive $0xFFFF  }
0x4c4: {  	p0 =	sne.s32 s0, $0x0;
	s0 =	rddreg [dreg:$0x2]  }
0x4c5: {  	s0 =	sadd.s32 @!p0 $0x100000, s0  }
0x4c6: {  	[sflag:s0] =	ssyncadd.tile.s32 @!p0 $0x1;
	_ =	shalt  }
.Lfunc_end2:
_tile_overlayer_lowered:
.L_overlay_start_2:
0x4c7: {  	(tag) =	ssettag $0x2  }
0x4c8: {  	s0 =	rddreg [dreg:$0x0];
	s2 =	stileid.u32  }
0x4c9: {  	s1 =	rddreg [dreg:$0x1];
	p0 =	sne.s32 s2, $0x0  }
0x4ca: {  	s3 =	rddreg [dreg:$0x2];
	[bflag:$0x3] =	sbarrier.arrive $0xFFFF;
	s2 =	simm.s32 @!p0 $0x1C03  }
0x4cb: {  	[timem:s3], [sflag:s2] =	dma.local @!p0 [hbm:s0], s1  }
0x4cc: {  	s0 =	simm.s32 @!p0 $0x3  }
0x4cd: {  	_ =	swait.ge @!p0 [sflag:s0], s1  }
0x4ce: {  	s1 =	ssub.s32 @!p0 $0x0, s1;
	[sflag:s0] =	ssyncset.done @!p0 $0x0  }
0x4cf: {  	[sflag:s0] =	ssyncadd.s32 @!p0 s1  }
0x4d0: {  	[bflag:$0x3] =	sbarrier.arrive $0xFFFF  }
0x4d1: {  	_ =	shalt  }

</sc_bundles>
